<compile_context>
chip_gen: v7x
topology: tpu7x:2x2x1
jax: 0.10.2.dev20260603
libtpu: 0.0.44.dev20260713+nightly
codegen_flags: <defaults>
</compile_context>

<pallas_src>
import functools

import jax
import jax.numpy as jnp
from jax import lax
from jax.experimental import pallas as pl
from jax.experimental.pallas import tpu as pltpu
from jax.experimental.pallas import tpu_sc as plsc

N = 10000
E = 320000
IN = 128
H = 128
OUT = 128
G = 16

NTILES = 32
CHUNK = 128
NCH0 = 124
NCH1 = 34
E_SC0 = 16 * NCH0 * CHUNK
E_SC1 = 16 * NCH1 * CHUNK
E_PAD = E_SC0 + E_SC1
NCHB = E_PAD // (NTILES * CHUNK)
N_PAD = 10112
DUMMY = N_PAD - 1
ZR = N_PAD // 16

BN = 2000
BP = 512
N_POOL = 10240
NB = N_POOL // BP



def _make_segsum(D, gather):
    nch0, nch1 = (NCH0, NCH1) if gather else (NCHB, NCHB)
    scratch = [
        pltpu.VMEM((nch0 if gather else 1, CHUNK), jnp.int32),
        pltpu.VMEM((nch0, CHUNK), jnp.int32),
        pltpu.VMEM((CHUNK, D), jnp.float32),
        pltpu.VMEM_SHARED((N_PAD, D), jnp.float32),
        pltpu.SemaphoreType.DMA,
    ]

    @functools.partial(
        pl.kernel,
        out_type=jax.ShapeDtypeStruct((2, N_PAD, D), jnp.float32),
        mesh=plsc.VectorSubcoreMesh(core_axis_name="c", subcore_axis_name="s"),
        scratch_types=scratch,
    )
    def segsum(h_hbm, srcm_hbm, dstm_hbm, zeros_hbm, out_hbm,
               idx_s, idx_d, rows, acc, sem):
        cid = lax.axis_index("c")
        sid = lax.axis_index("s")
        wid = cid * 16 + sid
        pltpu.sync_copy(zeros_hbm.at[pl.ds(sid * ZR, ZR)],
                        acc.at[pl.ds(sid * ZR, ZR)])
        pltpu.sync_copy(dstm_hbm.at[wid], idx_d)
        if gather:
            pltpu.sync_copy(srcm_hbm.at[wid], idx_s)
        else:
            pltpu.sync_copy(h_hbm, rows)
        plsc.subcore_barrier()

        def step(j, carry):
            if gather:
                pltpu.async_copy(h_hbm.at[idx_s.at[j]], rows, sem).wait()
            pltpu.sync_copy(rows, acc.at[idx_d.at[j]], add=True)
            return carry

        if nch0 == nch1:
            lax.fori_loop(0, nch0, step, 0)
        else:
            @pl.when(cid == 0)
            def _():
                lax.fori_loop(0, nch0, step, 0)

            @pl.when(cid == 1)
            def _():
                lax.fori_loop(0, nch1, step, 0)

        plsc.subcore_barrier()
        pltpu.sync_copy(acc.at[pl.ds(sid * ZR, ZR)],
                        out_hbm.at[cid].at[pl.ds(sid * ZR, ZR)])

    return segsum


@functools.lru_cache(maxsize=None)
def _segsum(D, gather):
    return _make_segsum(D, gather)



def _ln_relu(z, gam, bet):
    m = jnp.mean(z, axis=-1, keepdims=True)
    v = jnp.mean((z - m) * (z - m), axis=-1, keepdims=True)
    return jnp.maximum((z - m) * lax.rsqrt(v + 1e-5) * gam + bet, 0.0)


def _embed_body(x_ref, w_ref, b_ref, g_ref, be_ref, o_ref):
    z = jnp.dot(x_ref[...], w_ref[...],
                preferred_element_type=jnp.float32) + b_ref[...]
    o_ref[...] = _ln_relu(z, g_ref[...], be_ref[...])


def _embed(x, w, b, g, be):
    vec = pl.BlockSpec((1, H), lambda i: (0, 0))
    return pl.pallas_call(
        _embed_body,
        out_shape=jax.ShapeDtypeStruct((N, H), jnp.float32),
        grid=(N // BN,),
        in_specs=[pl.BlockSpec((BN, IN), lambda i: (i, 0)),
                  pl.BlockSpec((IN, H), lambda i: (0, 0)), vec, vec, vec],
        out_specs=pl.BlockSpec((BN, H), lambda i: (i, 0)),
    )(x, w, b, g, be)


def _dense_body(h_ref, p0_ref, p1_ref, c0_ref, c1_ref, wt_ref, wb_ref,
                b_ref, g_ref, be_ref, o_ref):
    cnt = c0_ref[...] + c1_ref[...]
    inv = 1.0 / jnp.maximum(cnt[:, :1], 1.0)
    mean = (p0_ref[...] + p1_ref[...]) * inv
    z = (jnp.dot(h_ref[...], wt_ref[...], preferred_element_type=jnp.float32)
         + jnp.dot(mean, wb_ref[...], preferred_element_type=jnp.float32)
         + b_ref[...])
    o_ref[...] = _ln_relu(z, g_ref[...], be_ref[...])


def _dense(h, p0, p1, c0, c1, wt, wb, b, g, be):
    row = pl.BlockSpec((BN, H), lambda i: (i, 0))
    cntspec = pl.BlockSpec((BN, 16), lambda i: (i, 0))
    mat = pl.BlockSpec((H, H), lambda i: (0, 0))
    vec = pl.BlockSpec((1, H), lambda i: (0, 0))
    return pl.pallas_call(
        _dense_body,
        out_shape=jax.ShapeDtypeStruct((N, H), jnp.float32),
        grid=(N // BN,),
        in_specs=[row, row, row, cntspec, cntspec, mat, mat, vec, vec, vec],
        out_specs=row,
    )(h, p0, p1, c0, c1, wt, wb, b, g, be)


def _pool_body(ne_ref, bt_ref, mean_ref, max_ref, sum_s, cnt_s, max_s):
    i = pl.program_id(0)

    @pl.when(i == 0)
    def _init():
        sum_s[...] = jnp.zeros_like(sum_s)
        cnt_s[...] = jnp.zeros_like(cnt_s)
        max_s[...] = jnp.full_like(max_s, -jnp.inf)

    rows = ne_ref[...]
    b = bt_ref[...]
    oh = (b == lax.broadcasted_iota(jnp.int32, (BP, G), 1)
          ).astype(jnp.float32)
    dn = (((0,), (0,)), ((), ()))
    sum_s[...] += lax.dot_general(oh, rows, dn,
                                  preferred_element_type=jnp.float32)
    cnt_s[...] += lax.dot_general(oh, jnp.ones_like(rows), dn,
                                  preferred_element_type=jnp.float32)
    neg = jnp.full_like(rows, -jnp.inf)
    for gid in range(G):
        gm = jnp.max(jnp.where(b == gid, rows, neg), axis=0, keepdims=True)
        max_s[pl.ds(gid, 1), :] = jnp.maximum(max_s[pl.ds(gid, 1), :], gm)

    @pl.when(i == NB - 1)
    def _fin():
        mean_ref[...] = sum_s[...] / jnp.maximum(cnt_s[...], 1.0)
        max_ref[...] = max_s[...]


def _pool(ne, bt):
    out = jax.ShapeDtypeStruct((G, H), jnp.float32)
    return pl.pallas_call(
        _pool_body,
        out_shape=(out, out),
        grid=(NB,),
        in_specs=[pl.BlockSpec((BP, H), lambda i: (i, 0)),
                  pl.BlockSpec((BP, 1), lambda i: (i, 0))],
        out_specs=(pl.BlockSpec((G, H), lambda i: (0, 0)),
                   pl.BlockSpec((G, H), lambda i: (0, 0))),
        scratch_shapes=[pltpu.VMEM((G, H), jnp.float32),
                        pltpu.VMEM((G, H), jnp.float32),
                        pltpu.VMEM((G, H), jnp.float32)],
    )(ne, bt)



def kernel(x, W_emb, b_emb, g0, be0, W1, b1, g1, be1, W2, b2, g2, be2,
           W3, b3, g3, be3, edge_index, batch):
    src = edge_index[0]
    dst = edge_index[1]
    pad = E_PAD - E
    dst_pad = N + jnp.arange(pad, dtype=jnp.int32) % (N_PAD - N)
    src0 = src[:E_SC0].reshape(16, NCH0, CHUNK)
    dst0 = dst[:E_SC0].reshape(16, NCH0, CHUNK)
    grow = ((0, 0), (0, NCH0 - NCH1), (0, 0))
    src1 = jnp.pad(jnp.concatenate(
        [src[E_SC0:], jnp.zeros((pad,), jnp.int32)]).reshape(16, NCH1, CHUNK),
        grow)
    dst1 = jnp.pad(jnp.concatenate(
        [dst[E_SC0:], dst_pad]).reshape(16, NCH1, CHUNK),
        grow, constant_values=DUMMY)
    srcm = jnp.concatenate([src0, src1])
    dstm = jnp.concatenate([dst0, dst1])
    dstm_bal = jnp.concatenate([dst, dst_pad]).reshape(NTILES, NCHB, CHUNK)
    zeros_h = jnp.zeros((N_PAD, H), jnp.float32)
    ones_c = jnp.ones((CHUNK, H), jnp.float32)

    cnt = _segsum(H, False)(ones_c, srcm, dstm_bal, zeros_h)
    c0 = cnt[0, :N, :16]
    c1 = cnt[1, :N, :16]

    r = lambda v: v.reshape(1, H)
    h = _embed(x, W_emb, r(b_emb), r(g0), r(be0))
    for (W, b, gam, bet) in ((W1, b1, g1, be1), (W2, b2, g2, be2),
                             (W3, b3, g3, be3)):
        p = _segsum(H, True)(h, srcm, dstm, zeros_h)
        h = _dense(h, p[0, :N], p[1, :N], c0, c1,
                   W[:H], W[H:], r(b), r(gam), r(bet))

    node_embed = h
    ne_p = jnp.concatenate([h, jnp.zeros((N_POOL - N, H), jnp.float32)])
    bt_p = jnp.concatenate(
        [batch, jnp.full((N_POOL - N,), G, jnp.int32)]).reshape(N_POOL, 1)
    h_mean, h_max = _pool(ne_p, bt_p)
    graph_embed = jnp.concatenate([h_mean, h_max], axis=-1)
    return (node_embed, graph_embed)

# --- scband reference (transcript-rebuilt; emitter-appended) ---
"""Pipeline reference for scband-graph-sageencoder-51659866636534 (READ-ONLY COPY).

The authoritative reference and input builder live on the scoring server;
editing this copy changes nothing except your own understanding.
"""

import jax, jax.numpy as jnp
import numpy as np

N = 10000
E = 320000
IN = 128
H = 128
OUT = 128
G = 16


def layer_norm(x, g, b, eps=1e-5):
    m = jnp.mean(x, axis=-1, keepdims=True)
    v = jnp.var(x, axis=-1, keepdims=True)
    return (x - m) / jnp.sqrt(v + eps) * g + b


def sage_conv(x, src, dst, W, b):
    n = x.shape[0]
    msgs = x[src]
    s = jax.ops.segment_sum(msgs, dst, num_segments=n)
    c = jax.ops.segment_sum(jnp.ones((src.shape[0], 1), x.dtype), dst, num_segments=n)
    c = jnp.clip(c, 1.0, None)
    mean = s / c
    return jnp.concatenate([x, mean], axis=-1) @ W + b


def setup_inputs(seed: int = 0):
    key = jax.random.key(seed)
    ks = jax.random.split(key, 16)
    x = jax.random.normal(ks[0], (N, IN), jnp.float32)
    edge_index = jax.random.randint(ks[1], (2, E), 0, N, dtype=jnp.int32)
    batch = jnp.sort(jax.random.randint(ks[2], (N,), 0, G, dtype=jnp.int32))
    W_emb = jax.random.normal(ks[3], (IN, H), jnp.float32) / np.sqrt(IN)
    b_emb = jnp.zeros((H,), jnp.float32)
    g0 = jnp.ones((H,), jnp.float32)
    be0 = jnp.zeros((H,), jnp.float32)
    W1 = jax.random.normal(ks[4], (2 * H, H), jnp.float32) / np.sqrt(2 * H)
    b1 = jnp.zeros((H,), jnp.float32)
    g1 = jnp.ones((H,), jnp.float32)
    be1 = jnp.zeros((H,), jnp.float32)
    W2 = jax.random.normal(ks[5], (2 * H, H), jnp.float32) / np.sqrt(2 * H)
    b2 = jnp.zeros((H,), jnp.float32)
    g2 = jnp.ones((H,), jnp.float32)
    be2 = jnp.zeros((H,), jnp.float32)
    W3 = jax.random.normal(ks[6], (2 * H, OUT), jnp.float32) / np.sqrt(2 * H)
    b3 = jnp.zeros((OUT,), jnp.float32)
    g3 = jnp.ones((OUT,), jnp.float32)
    be3 = jnp.zeros((OUT,), jnp.float32)
    return {"x": x, "W_emb": W_emb, "b_emb": b_emb, "g0": g0, "be0": be0,
            "W1": W1, "b1": b1, "g1": g1, "be1": be1,
            "W2": W2, "b2": b2, "g2": g2, "be2": be2,
            "W3": W3, "b3": b3, "g3": g3, "be3": be3,
            "edge_index": edge_index, "batch": batch}


def reference(x, W_emb, b_emb, g0, be0, W1, b1, g1, be1, W2, b2, g2, be2, W3, b3, g3, be3, edge_index, batch):
    src = edge_index[0]
    dst = edge_index[1]
    # node embedder: Linear -> LayerNorm -> ReLU
    h = jax.nn.relu(layer_norm(x @ W_emb + b_emb, g0, be0))
    # conv1 -> norm -> relu (dropout is identity in eval mode)
    h = jax.nn.relu(layer_norm(sage_conv(h, src, dst, W1, b1), g1, be1))
    # conv2 -> norm -> relu
    h = jax.nn.relu(layer_norm(sage_conv(h, src, dst, W2, b2), g2, be2))
    # conv3 -> norm -> relu
    node_embed = jax.nn.relu(layer_norm(sage_conv(h, src, dst, W3, b3), g3, be3))
    ng = G
    s = jax.ops.segment_sum(node_embed, batch, num_segments=ng)
    c = jax.ops.segment_sum(jnp.ones((node_embed.shape[0], 1), node_embed.dtype), batch, num_segments=ng)
    h_mean = s / jnp.clip(c, 1.0, None)
    h_max = jax.ops.segment_max(node_embed, batch, num_segments=ng)
    graph_embed = jnp.concatenate([h_mean, h_max], axis=-1)
    return (node_embed, graph_embed)

if __name__ == "__main__":
    import jax
    _d = setup_inputs()
    print(jax.jit(kernel)(*tuple(_d.values())))

</pallas_src>

<mosaic_0001>
#map = affine_map<(d0, d1) -> (0, 0)>
#map1 = affine_map<(d0, d1) -> (0, 0, 0)>
module attributes {stable_mosaic.version = 14 : i64} {
  func.func @segsum(%arg0: i32, %arg1: i32, %arg2: memref<10000x128xf32, #tpu.memory_space<hbm>>, %arg3: memref<32x124x128xi32, #tpu.memory_space<hbm>>, %arg4: memref<32x124x128xi32, #tpu.memory_space<hbm>>, %arg5: memref<10112x128xf32, #tpu.memory_space<hbm>>, %arg6: memref<2x10112x128xf32, #tpu.memory_space<hbm>>, %arg7: memref<124x128xi32, #tpu.memory_space<vmem>>, %arg8: memref<124x128xi32, #tpu.memory_space<vmem>>, %arg9: memref<128x128xf32, #tpu.memory_space<vmem>>, %arg10: memref<10112x128xf32, #tpu.memory_space<vmem_shared>>, %arg11: memref<!tpu.dma_semaphore, #tpu.memory_space<semaphore_mem>>) attributes {dimension_semantics = [#tpu.dimension_semantics<core_parallel>, #tpu.dimension_semantics<subcore_parallel>], iteration_bounds = array<i64: 2, 16>, scalar_prefetch = 0 : i64, scratch_operands = 5 : i64, tpu.core_type = #tpu.core_type<sc_vector_subcore>, window_params = [{transform_indices = #map}, {transform_indices = #map1}, {transform_indices = #map1}, {transform_indices = #map}, {transform_indices = #map1}]} {
    %mul3A = arith.constant 16 : i32
    %mul3A_0 = arith.muli %arg0, %mul3A : i32
    %add3A = arith.addi %mul3A_0, %arg1 : i32
    %mul3A_1 = arith.constant 632 : i32
    %mul3A_2 = arith.muli %arg1, %mul3A_1 : i32
    %mul3A_3 = arith.constant 632 : i32
    %mul3A_4 = arith.muli %arg1, %mul3A_3 : i32
    "tpu.region"() ({
      %run_scoped3A = tpu.sem_alloc : memref<!tpu.dma_semaphore, #tpu.memory_space<semaphore_mem>>
      %dma_start3A = arith.constant 0 : i32
      %dma_start3A_17 = tpu.memref_slice %arg10[%mul3A_4, %dma_start3A] : memref<10112x128xf32, #tpu.memory_space<vmem_shared>> -> memref<632x128xf32, #tpu.memory_space<vmem_shared>>
      %dma_start3A_18 = arith.constant 0 : i32
      %dma_start3A_19 = tpu.memref_slice %arg5[%mul3A_2, %dma_start3A_18] : memref<10112x128xf32, #tpu.memory_space<hbm>> -> memref<632x128xf32, #tpu.memory_space<hbm>>
      tpu.enqueue_dma source(%dma_start3A_19 : memref<632x128xf32, #tpu.memory_space<hbm>>) target(%dma_start3A_17 : memref<632x128xf32, #tpu.memory_space<vmem_shared>>) target_semaphore(%run_scoped3A : memref<!tpu.dma_semaphore, #tpu.memory_space<semaphore_mem>>)
      %dma_wait3A = arith.constant 0 : i32
      %dma_wait3A_20 = tpu.memref_slice %arg10[%mul3A_4, %dma_wait3A] : memref<10112x128xf32, #tpu.memory_space<vmem_shared>> -> memref<632x128xf32, #tpu.memory_space<vmem_shared>>
      %dma_wait3A_21 = arith.constant 0 : i32
      %dma_wait3A_22 = tpu.memref_slice %arg5[%mul3A_2, %dma_wait3A_21] : memref<10112x128xf32, #tpu.memory_space<hbm>> -> memref<632x128xf32, #tpu.memory_space<hbm>>
      tpu.wait_dma2 semaphore(%run_scoped3A : memref<!tpu.dma_semaphore, #tpu.memory_space<semaphore_mem>>) src(%dma_wait3A_22 : memref<632x128xf32, #tpu.memory_space<hbm>>) dst(%dma_wait3A_20 : memref<632x128xf32, #tpu.memory_space<vmem_shared>>)
      tpu.yield
    }) : () -> ()
    "tpu.region"() ({
      %run_scoped3A = tpu.sem_alloc : memref<!tpu.dma_semaphore, #tpu.memory_space<semaphore_mem>>
      %dma_start3A = arith.constant 0 : i32
      %dma_start3A_17 = arith.constant 0 : i32
      %dma_start3A_18 = tpu.memref_slice %arg4[%add3A, %dma_start3A, %dma_start3A_17] : memref<32x124x128xi32, #tpu.memory_space<hbm>> -> memref<1x124x128xi32, #tpu.memory_space<hbm>>
      %dma_start3A_19 = tpu.memref_squeeze %dma_start3A_18 : memref<1x124x128xi32, #tpu.memory_space<hbm>> -> memref<124x128xi32, #tpu.memory_space<hbm>>
      %dma_start3A_20 = arith.constant 0 : i32
      %dma_start3A_21 = arith.constant 0 : i32
      %dma_start3A_22 = tpu.memref_slice %arg4[%add3A, %dma_start3A_20, %dma_start3A_21] : memref<32x124x128xi32, #tpu.memory_space<hbm>> -> memref<1x124x128xi32, #tpu.memory_space<hbm>>
      %dma_start3A_23 = tpu.memref_squeeze %dma_start3A_22 : memref<1x124x128xi32, #tpu.memory_space<hbm>> -> memref<124x128xi32, #tpu.memory_space<hbm>>
      tpu.enqueue_dma source(%dma_start3A_23 : memref<124x128xi32, #tpu.memory_space<hbm>>) target(%arg8 : memref<124x128xi32, #tpu.memory_space<vmem>>) target_semaphore(%run_scoped3A : memref<!tpu.dma_semaphore, #tpu.memory_space<semaphore_mem>>)
      %dma_wait3A = arith.constant 0 : i32
      %dma_wait3A_24 = arith.constant 0 : i32
      %dma_wait3A_25 = tpu.memref_slice %arg4[%add3A, %dma_wait3A, %dma_wait3A_24] : memref<32x124x128xi32, #tpu.memory_space<hbm>> -> memref<1x124x128xi32, #tpu.memory_space<hbm>>
      %dma_wait3A_26 = tpu.memref_squeeze %dma_wait3A_25 : memref<1x124x128xi32, #tpu.memory_space<hbm>> -> memref<124x128xi32, #tpu.memory_space<hbm>>
      %dma_wait3A_27 = arith.constant 0 : i32
      %dma_wait3A_28 = arith.constant 0 : i32
      %dma_wait3A_29 = tpu.memref_slice %arg4[%add3A, %dma_wait3A_27, %dma_wait3A_28] : memref<32x124x128xi32, #tpu.memory_space<hbm>> -> memref<1x124x128xi32, #tpu.memory_space<hbm>>
      %dma_wait3A_30 = tpu.memref_squeeze %dma_wait3A_29 : memref<1x124x128xi32, #tpu.memory_space<hbm>> -> memref<124x128xi32, #tpu.memory_space<hbm>>
      tpu.wait_dma2 semaphore(%run_scoped3A : memref<!tpu.dma_semaphore, #tpu.memory_space<semaphore_mem>>) src(%dma_wait3A_30 : memref<124x128xi32, #tpu.memory_space<hbm>>) dst(%arg8 : memref<124x128xi32, #tpu.memory_space<vmem>>)
      tpu.yield
    }) : () -> ()
    "tpu.region"() ({
      %run_scoped3A = tpu.sem_alloc : memref<!tpu.dma_semaphore, #tpu.memory_space<semaphore_mem>>
      %dma_start3A = arith.constant 0 : i32
      %dma_start3A_17 = arith.constant 0 : i32
      %dma_start3A_18 = tpu.memref_slice %arg3[%add3A, %dma_start3A, %dma_start3A_17] : memref<32x124x128xi32, #tpu.memory_space<hbm>> -> memref<1x124x128xi32, #tpu.memory_space<hbm>>
      %dma_start3A_19 = tpu.memref_squeeze %dma_start3A_18 : memref<1x124x128xi32, #tpu.memory_space<hbm>> -> memref<124x128xi32, #tpu.memory_space<hbm>>
      %dma_start3A_20 = arith.constant 0 : i32
      %dma_start3A_21 = arith.constant 0 : i32
      %dma_start3A_22 = tpu.memref_slice %arg3[%add3A, %dma_start3A_20, %dma_start3A_21] : memref<32x124x128xi32, #tpu.memory_space<hbm>> -> memref<1x124x128xi32, #tpu.memory_space<hbm>>
      %dma_start3A_23 = tpu.memref_squeeze %dma_start3A_22 : memref<1x124x128xi32, #tpu.memory_space<hbm>> -> memref<124x128xi32, #tpu.memory_space<hbm>>
      tpu.enqueue_dma source(%dma_start3A_23 : memref<124x128xi32, #tpu.memory_space<hbm>>) target(%arg7 : memref<124x128xi32, #tpu.memory_space<vmem>>) target_semaphore(%run_scoped3A : memref<!tpu.dma_semaphore, #tpu.memory_space<semaphore_mem>>)
      %dma_wait3A = arith.constant 0 : i32
      %dma_wait3A_24 = arith.constant 0 : i32
      %dma_wait3A_25 = tpu.memref_slice %arg3[%add3A, %dma_wait3A, %dma_wait3A_24] : memref<32x124x128xi32, #tpu.memory_space<hbm>> -> memref<1x124x128xi32, #tpu.memory_space<hbm>>
      %dma_wait3A_26 = tpu.memref_squeeze %dma_wait3A_25 : memref<1x124x128xi32, #tpu.memory_space<hbm>> -> memref<124x128xi32, #tpu.memory_space<hbm>>
      %dma_wait3A_27 = arith.constant 0 : i32
      %dma_wait3A_28 = arith.constant 0 : i32
      %dma_wait3A_29 = tpu.memref_slice %arg3[%add3A, %dma_wait3A_27, %dma_wait3A_28] : memref<32x124x128xi32, #tpu.memory_space<hbm>> -> memref<1x124x128xi32, #tpu.memory_space<hbm>>
      %dma_wait3A_30 = tpu.memref_squeeze %dma_wait3A_29 : memref<1x124x128xi32, #tpu.memory_space<hbm>> -> memref<124x128xi32, #tpu.memory_space<hbm>>
      tpu.wait_dma2 semaphore(%run_scoped3A : memref<!tpu.dma_semaphore, #tpu.memory_space<semaphore_mem>>) src(%dma_wait3A_30 : memref<124x128xi32, #tpu.memory_space<hbm>>) dst(%arg7 : memref<124x128xi32, #tpu.memory_space<vmem>>)
      tpu.yield
    }) : () -> ()
    %barrier3A = arith.constant 0 : index
    tpu.barrier barrier_id(%barrier3A)
    %eq3A = arith.constant 0 : i32
    %eq3A_5 = arith.cmpi eq, %arg0, %eq3A : i32
    %convert_element_type3A = arith.extui %eq3A_5 : i1 to i32
    %cond3A = arith.constant 0 : i32
    %cond3A_6 = arith.cmpi ne, %convert_element_type3A, %cond3A : i32
    scf.if %cond3A_6 {
      %scan3A = arith.constant 0 : i32
      %scan3A_17 = arith.constant 0 : i32
      %scan3A_18 = arith.constant 124 : i32
      %scan3A_19 = arith.addi %scan3A_17, %scan3A_18 : i32
      %scan3A_20 = arith.constant 1 : i32
      scf.for %scan3A_22 = %scan3A_17 to %scan3A_19 step %scan3A_20  : i32 {
        %dma_start3A = arith.constant 0 : i32
        %dma_start3A_23 = tpu.memref_slice %arg7[%scan3A_22, %dma_start3A] : memref<124x128xi32, #tpu.memory_space<vmem>> -> memref<1x128xi32, #tpu.memory_space<vmem>>
        %dma_start3A_24 = tpu.memref_squeeze %dma_start3A_23 : memref<1x128xi32, #tpu.memory_space<vmem>> -> memref<128xi32, #tpu.memory_space<vmem>>
        %dma_start3A_25 = arith.constant 0 : i32
        %dma_start3A_26 = arith.constant 0 : i32
        %dma_start3A_27 = tpu.memref_slice %arg2[%dma_start3A_25, %dma_start3A_26] : memref<10000x128xf32, #tpu.memory_space<hbm>> -> memref<10000x128xf32, #tpu.memory_space<hbm>>
        tpu.enqueue_indirect_dma source(%dma_start3A_27 : memref<10000x128xf32, #tpu.memory_space<hbm>>) target(%arg9 : memref<128x128xf32, #tpu.memory_space<vmem>>) offsets(%dma_start3A_24 : memref<128xi32, #tpu.memory_space<vmem>>) semaphore(%arg11 : memref<!tpu.dma_semaphore, #tpu.memory_space<semaphore_mem>>)
        %dma_wait3A = arith.constant 0 : i32
        %dma_wait3A_28 = tpu.memref_slice %arg7[%scan3A_22, %dma_wait3A] : memref<124x128xi32, #tpu.memory_space<vmem>> -> memref<1x128xi32, #tpu.memory_space<vmem>>
        %dma_wait3A_29 = tpu.memref_squeeze %dma_wait3A_28 : memref<1x128xi32, #tpu.memory_space<vmem>> -> memref<128xi32, #tpu.memory_space<vmem>>
        %dma_wait3A_30 = arith.constant 0 : i32
        %dma_wait3A_31 = arith.constant 0 : i32
        %dma_wait3A_32 = tpu.memref_slice %arg2[%dma_wait3A_30, %dma_wait3A_31] : memref<10000x128xf32, #tpu.memory_space<hbm>> -> memref<10000x128xf32, #tpu.memory_space<hbm>>
        tpu.wait_indirect_dma semaphore(%arg11 : memref<!tpu.dma_semaphore, #tpu.memory_space<semaphore_mem>>) src(%dma_wait3A_32 : memref<10000x128xf32, #tpu.memory_space<hbm>>) dst(%arg9 : memref<128x128xf32, #tpu.memory_space<vmem>>)
        "tpu.region"() ({
          %run_scoped3A = tpu.sem_alloc : memref<!tpu.dma_semaphore, #tpu.memory_space<semaphore_mem>>
          %dma_start3A_33 = arith.constant 0 : i32
          %dma_start3A_34 = tpu.memref_slice %arg8[%scan3A_22, %dma_start3A_33] : memref<124x128xi32, #tpu.memory_space<vmem>> -> memref<1x128xi32, #tpu.memory_space<vmem>>
          %dma_start3A_35 = tpu.memref_squeeze %dma_start3A_34 : memref<1x128xi32, #tpu.memory_space<vmem>> -> memref<128xi32, #tpu.memory_space<vmem>>
          %dma_start3A_36 = arith.constant 0 : i32
          %dma_start3A_37 = arith.constant 0 : i32
          %dma_start3A_38 = tpu.memref_slice %arg10[%dma_start3A_36, %dma_start3A_37] : memref<10112x128xf32, #tpu.memory_space<vmem_shared>> -> memref<10112x128xf32, #tpu.memory_space<vmem_shared>>
          tpu.enqueue_indirect_dma source(%arg9 : memref<128x128xf32, #tpu.memory_space<vmem>>) target(%dma_start3A_38 : memref<10112x128xf32, #tpu.memory_space<vmem_shared>>) offsets(%dma_start3A_35 : memref<128xi32, #tpu.memory_space<vmem>>) semaphore(%run_scoped3A : memref<!tpu.dma_semaphore, #tpu.memory_space<semaphore_mem>>) {add = true}
          %dma_wait3A_39 = arith.constant 0 : i32
          %dma_wait3A_40 = tpu.memref_slice %arg8[%scan3A_22, %dma_wait3A_39] : memref<124x128xi32, #tpu.memory_space<vmem>> -> memref<1x128xi32, #tpu.memory_space<vmem>>
          %dma_wait3A_41 = tpu.memref_squeeze %dma_wait3A_40 : memref<1x128xi32, #tpu.memory_space<vmem>> -> memref<128xi32, #tpu.memory_space<vmem>>
          %dma_wait3A_42 = arith.constant 0 : i32
          %dma_wait3A_43 = arith.constant 0 : i32
          %dma_wait3A_44 = tpu.memref_slice %arg10[%dma_wait3A_42, %dma_wait3A_43] : memref<10112x128xf32, #tpu.memory_space<vmem_shared>> -> memref<10112x128xf32, #tpu.memory_space<vmem_shared>>
          tpu.wait_indirect_dma semaphore(%run_scoped3A : memref<!tpu.dma_semaphore, #tpu.memory_space<semaphore_mem>>) src(%arg9 : memref<128x128xf32, #tpu.memory_space<vmem>>) dst(%dma_wait3A_44 : memref<10112x128xf32, #tpu.memory_space<vmem_shared>>)
          tpu.yield
        }) : () -> ()
      }
      %scan3A_21 = arith.constant 124 : i32
    } else {
    }
    %eq3A_7 = arith.constant 1 : i32
    %eq3A_8 = arith.cmpi eq, %arg0, %eq3A_7 : i32
    %convert_element_type3A_9 = arith.extui %eq3A_8 : i1 to i32
    %cond3A_10 = arith.constant 0 : i32
    %cond3A_11 = arith.cmpi ne, %convert_element_type3A_9, %cond3A_10 : i32
    scf.if %cond3A_11 {
      %scan3A = arith.constant 0 : i32
      %scan3A_17 = arith.constant 0 : i32
      %scan3A_18 = arith.constant 34 : i32
      %scan3A_19 = arith.addi %scan3A_17, %scan3A_18 : i32
      %scan3A_20 = arith.constant 1 : i32
      scf.for %scan3A_22 = %scan3A_17 to %scan3A_19 step %scan3A_20  : i32 {
        %dma_start3A = arith.constant 0 : i32
        %dma_start3A_23 = tpu.memref_slice %arg7[%scan3A_22, %dma_start3A] : memref<124x128xi32, #tpu.memory_space<vmem>> -> memref<1x128xi32, #tpu.memory_space<vmem>>
        %dma_start3A_24 = tpu.memref_squeeze %dma_start3A_23 : memref<1x128xi32, #tpu.memory_space<vmem>> -> memref<128xi32, #tpu.memory_space<vmem>>
        %dma_start3A_25 = arith.constant 0 : i32
        %dma_start3A_26 = arith.constant 0 : i32
        %dma_start3A_27 = tpu.memref_slice %arg2[%dma_start3A_25, %dma_start3A_26] : memref<10000x128xf32, #tpu.memory_space<hbm>> -> memref<10000x128xf32, #tpu.memory_space<hbm>>
        tpu.enqueue_indirect_dma source(%dma_start3A_27 : memref<10000x128xf32, #tpu.memory_space<hbm>>) target(%arg9 : memref<128x128xf32, #tpu.memory_space<vmem>>) offsets(%dma_start3A_24 : memref<128xi32, #tpu.memory_space<vmem>>) semaphore(%arg11 : memref<!tpu.dma_semaphore, #tpu.memory_space<semaphore_mem>>)
        %dma_wait3A = arith.constant 0 : i32
        %dma_wait3A_28 = tpu.memref_slice %arg7[%scan3A_22, %dma_wait3A] : memref<124x128xi32, #tpu.memory_space<vmem>> -> memref<1x128xi32, #tpu.memory_space<vmem>>
        %dma_wait3A_29 = tpu.memref_squeeze %dma_wait3A_28 : memref<1x128xi32, #tpu.memory_space<vmem>> -> memref<128xi32, #tpu.memory_space<vmem>>
        %dma_wait3A_30 = arith.constant 0 : i32
        %dma_wait3A_31 = arith.constant 0 : i32
        %dma_wait3A_32 = tpu.memref_slice %arg2[%dma_wait3A_30, %dma_wait3A_31] : memref<10000x128xf32, #tpu.memory_space<hbm>> -> memref<10000x128xf32, #tpu.memory_space<hbm>>
        tpu.wait_indirect_dma semaphore(%arg11 : memref<!tpu.dma_semaphore, #tpu.memory_space<semaphore_mem>>) src(%dma_wait3A_32 : memref<10000x128xf32, #tpu.memory_space<hbm>>) dst(%arg9 : memref<128x128xf32, #tpu.memory_space<vmem>>)
        "tpu.region"() ({
          %run_scoped3A = tpu.sem_alloc : memref<!tpu.dma_semaphore, #tpu.memory_space<semaphore_mem>>
          %dma_start3A_33 = arith.constant 0 : i32
          %dma_start3A_34 = tpu.memref_slice %arg8[%scan3A_22, %dma_start3A_33] : memref<124x128xi32, #tpu.memory_space<vmem>> -> memref<1x128xi32, #tpu.memory_space<vmem>>
          %dma_start3A_35 = tpu.memref_squeeze %dma_start3A_34 : memref<1x128xi32, #tpu.memory_space<vmem>> -> memref<128xi32, #tpu.memory_space<vmem>>
          %dma_start3A_36 = arith.constant 0 : i32
          %dma_start3A_37 = arith.constant 0 : i32
          %dma_start3A_38 = tpu.memref_slice %arg10[%dma_start3A_36, %dma_start3A_37] : memref<10112x128xf32, #tpu.memory_space<vmem_shared>> -> memref<10112x128xf32, #tpu.memory_space<vmem_shared>>
          tpu.enqueue_indirect_dma source(%arg9 : memref<128x128xf32, #tpu.memory_space<vmem>>) target(%dma_start3A_38 : memref<10112x128xf32, #tpu.memory_space<vmem_shared>>) offsets(%dma_start3A_35 : memref<128xi32, #tpu.memory_space<vmem>>) semaphore(%run_scoped3A : memref<!tpu.dma_semaphore, #tpu.memory_space<semaphore_mem>>) {add = true}
          %dma_wait3A_39 = arith.constant 0 : i32
          %dma_wait3A_40 = tpu.memref_slice %arg8[%scan3A_22, %dma_wait3A_39] : memref<124x128xi32, #tpu.memory_space<vmem>> -> memref<1x128xi32, #tpu.memory_space<vmem>>
          %dma_wait3A_41 = tpu.memref_squeeze %dma_wait3A_40 : memref<1x128xi32, #tpu.memory_space<vmem>> -> memref<128xi32, #tpu.memory_space<vmem>>
          %dma_wait3A_42 = arith.constant 0 : i32
          %dma_wait3A_43 = arith.constant 0 : i32
          %dma_wait3A_44 = tpu.memref_slice %arg10[%dma_wait3A_42, %dma_wait3A_43] : memref<10112x128xf32, #tpu.memory_space<vmem_shared>> -> memref<10112x128xf32, #tpu.memory_space<vmem_shared>>
          tpu.wait_indirect_dma semaphore(%run_scoped3A : memref<!tpu.dma_semaphore, #tpu.memory_space<semaphore_mem>>) src(%arg9 : memref<128x128xf32, #tpu.memory_space<vmem>>) dst(%dma_wait3A_44 : memref<10112x128xf32, #tpu.memory_space<vmem_shared>>)
          tpu.yield
        }) : () -> ()
      }
      %scan3A_21 = arith.constant 34 : i32
    } else {
    }
    %barrier3A_12 = arith.constant 0 : index
    tpu.barrier barrier_id(%barrier3A_12)
    %mul3A_13 = arith.constant 632 : i32
    %mul3A_14 = arith.muli %arg1, %mul3A_13 : i32
    %mul3A_15 = arith.constant 632 : i32
    %mul3A_16 = arith.muli %arg1, %mul3A_15 : i32
    "tpu.region"() ({
      %run_scoped3A = tpu.sem_alloc : memref<!tpu.dma_semaphore, #tpu.memory_space<semaphore_mem>>
      %dma_start3A = arith.constant 0 : i32
      %dma_start3A_17 = arith.constant 0 : i32
      %dma_start3A_18 = tpu.memref_slice %arg6[%arg0, %dma_start3A, %dma_start3A_17] : memref<2x10112x128xf32, #tpu.memory_space<hbm>> -> memref<1x10112x128xf32, #tpu.memory_space<hbm>>
      %dma_start3A_19 = tpu.memref_squeeze %dma_start3A_18 : memref<1x10112x128xf32, #tpu.memory_space<hbm>> -> memref<10112x128xf32, #tpu.memory_space<hbm>>
      %dma_start3A_20 = arith.constant 0 : i32
      %dma_start3A_21 = tpu.memref_slice %dma_start3A_19[%mul3A_16, %dma_start3A_20] : memref<10112x128xf32, #tpu.memory_space<hbm>> -> memref<632x128xf32, #tpu.memory_space<hbm>>
      %dma_start3A_22 = arith.constant 0 : i32
      %dma_start3A_23 = tpu.memref_slice %arg10[%mul3A_14, %dma_start3A_22] : memref<10112x128xf32, #tpu.memory_space<vmem_shared>> -> memref<632x128xf32, #tpu.memory_space<vmem_shared>>
      tpu.enqueue_dma source(%dma_start3A_23 : memref<632x128xf32, #tpu.memory_space<vmem_shared>>) target(%dma_start3A_21 : memref<632x128xf32, #tpu.memory_space<hbm>>) target_semaphore(%run_scoped3A : memref<!tpu.dma_semaphore, #tpu.memory_space<semaphore_mem>>)
      %dma_wait3A = arith.constant 0 : i32
      %dma_wait3A_24 = arith.constant 0 : i32
      %dma_wait3A_25 = tpu.memref_slice %arg6[%arg0, %dma_wait3A, %dma_wait3A_24] : memref<2x10112x128xf32, #tpu.memory_space<hbm>> -> memref<1x10112x128xf32, #tpu.memory_space<hbm>>
      %dma_wait3A_26 = tpu.memref_squeeze %dma_wait3A_25 : memref<1x10112x128xf32, #tpu.memory_space<hbm>> -> memref<10112x128xf32, #tpu.memory_space<hbm>>
      %dma_wait3A_27 = arith.constant 0 : i32
      %dma_wait3A_28 = tpu.memref_slice %dma_wait3A_26[%mul3A_16, %dma_wait3A_27] : memref<10112x128xf32, #tpu.memory_space<hbm>> -> memref<632x128xf32, #tpu.memory_space<hbm>>
      %dma_wait3A_29 = arith.constant 0 : i32
      %dma_wait3A_30 = tpu.memref_slice %arg10[%mul3A_14, %dma_wait3A_29] : memref<10112x128xf32, #tpu.memory_space<vmem_shared>> -> memref<632x128xf32, #tpu.memory_space<vmem_shared>>
      tpu.wait_dma2 semaphore(%run_scoped3A : memref<!tpu.dma_semaphore, #tpu.memory_space<semaphore_mem>>) src(%dma_wait3A_30 : memref<632x128xf32, #tpu.memory_space<vmem_shared>>) dst(%dma_wait3A_28 : memref<632x128xf32, #tpu.memory_space<hbm>>)
      tpu.yield
    }) : () -> ()
    return
  }
}

#map = affine_map<(d0, d1) -> (0, 0)>
#map1 = affine_map<(d0, d1) -> (0, 0, 0)>
module attributes {stable_mosaic.version = 14 : i64} {
  func.func @segsum(%arg0: i32, %arg1: i32, %arg2: memref<10000x128xf32, #tpu.memory_space<hbm>>, %arg3: memref<32x124x128xi32, #tpu.memory_space<hbm>>, %arg4: memref<32x124x128xi32, #tpu.memory_space<hbm>>, %arg5: memref<10112x128xf32, #tpu.memory_space<hbm>>, %arg6: memref<2x10112x128xf32, #tpu.memory_space<hbm>>, %arg7: memref<124x128xi32, #tpu.memory_space<vmem>>, %arg8: memref<124x128xi32, #tpu.memory_space<vmem>>, %arg9: memref<128x128xf32, #tpu.memory_space<vmem>>, %arg10: memref<10112x128xf32, #tpu.memory_space<vmem_shared>>, %arg11: memref<!tpu.dma_semaphore, #tpu.memory_space<semaphore_mem>>) attributes {dimension_semantics = [#tpu.dimension_semantics<core_parallel>, #tpu.dimension_semantics<subcore_parallel>], iteration_bounds = array<i64: 2, 16>, scalar_prefetch = 0 : i64, scratch_operands = 5 : i64, tpu.core_type = #tpu.core_type<sc_vector_subcore>, window_params = [{transform_indices = #map}, {transform_indices = #map1}, {transform_indices = #map1}, {transform_indices = #map}, {transform_indices = #map1}]} {
    %mul3A = arith.constant 16 : i32
    %mul3A_0 = arith.muli %arg0, %mul3A : i32
    %add3A = arith.addi %mul3A_0, %arg1 : i32
    %mul3A_1 = arith.constant 632 : i32
    %mul3A_2 = arith.muli %arg1, %mul3A_1 : i32
    %mul3A_3 = arith.constant 632 : i32
    %mul3A_4 = arith.muli %arg1, %mul3A_3 : i32
    "tpu.region"() ({
      %run_scoped3A = tpu.sem_alloc : memref<!tpu.dma_semaphore, #tpu.memory_space<semaphore_mem>>
      %dma_start3A = arith.constant 0 : i32
      %dma_start3A_17 = tpu.memref_slice %arg10[%mul3A_4, %dma_start3A] : memref<10112x128xf32, #tpu.memory_space<vmem_shared>> -> memref<632x128xf32, #tpu.memory_space<vmem_shared>>
      %dma_start3A_18 = arith.constant 0 : i32
      %dma_start3A_19 = tpu.memref_slice %arg5[%mul3A_2, %dma_start3A_18] : memref<10112x128xf32, #tpu.memory_space<hbm>> -> memref<632x128xf32, #tpu.memory_space<hbm>>
      tpu.enqueue_dma source(%dma_start3A_19 : memref<632x128xf32, #tpu.memory_space<hbm>>) target(%dma_start3A_17 : memref<632x128xf32, #tpu.memory_space<vmem_shared>>) target_semaphore(%run_scoped3A : memref<!tpu.dma_semaphore, #tpu.memory_space<semaphore_mem>>)
      %dma_wait3A = arith.constant 0 : i32
      %dma_wait3A_20 = tpu.memref_slice %arg10[%mul3A_4, %dma_wait3A] : memref<10112x128xf32, #tpu.memory_space<vmem_shared>> -> memref<632x128xf32, #tpu.memory_space<vmem_shared>>
      %dma_wait3A_21 = arith.constant 0 : i32
      %dma_wait3A_22 = tpu.memref_slice %arg5[%mul3A_2, %dma_wait3A_21] : memref<10112x128xf32, #tpu.memory_space<hbm>> -> memref<632x128xf32, #tpu.memory_space<hbm>>
      tpu.wait_dma2 semaphore(%run_scoped3A : memref<!tpu.dma_semaphore, #tpu.memory_space<semaphore_mem>>) src(%dma_wait3A_22 : memref<632x128xf32, #tpu.memory_space<hbm>>) dst(%dma_wait3A_20 : memref<632x128xf32, #tpu.memory_space<vmem_shared>>)
      tpu.yield
    }) : () -> ()
    "tpu.region"() ({
      %run_scoped3A = tpu.sem_alloc : memref<!tpu.dma_semaphore, #tpu.memory_space<semaphore_mem>>
      %dma_start3A = arith.constant 0 : i32
      %dma_start3A_17 = arith.constant 0 : i32
      %dma_start3A_18 = tpu.memref_slice %arg4[%add3A, %dma_start3A, %dma_start3A_17] : memref<32x124x128xi32, #tpu.memory_space<hbm>> -> memref<1x124x128xi32, #tpu.memory_space<hbm>>
      %dma_start3A_19 = tpu.memref_squeeze %dma_start3A_18 : memref<1x124x128xi32, #tpu.memory_space<hbm>> -> memref<124x128xi32, #tpu.memory_space<hbm>>
      %dma_start3A_20 = arith.constant 0 : i32
      %dma_start3A_21 = arith.constant 0 : i32
      %dma_start3A_22 = tpu.memref_slice %arg4[%add3A, %dma_start3A_20, %dma_start3A_21] : memref<32x124x128xi32, #tpu.memory_space<hbm>> -> memref<1x124x128xi32, #tpu.memory_space<hbm>>
      %dma_start3A_23 = tpu.memref_squeeze %dma_start3A_22 : memref<1x124x128xi32, #tpu.memory_space<hbm>> -> memref<124x128xi32, #tpu.memory_space<hbm>>
      tpu.enqueue_dma source(%dma_start3A_23 : memref<124x128xi32, #tpu.memory_space<hbm>>) target(%arg8 : memref<124x128xi32, #tpu.memory_space<vmem>>) target_semaphore(%run_scoped3A : memref<!tpu.dma_semaphore, #tpu.memory_space<semaphore_mem>>)
      %dma_wait3A = arith.constant 0 : i32
      %dma_wait3A_24 = arith.constant 0 : i32
      %dma_wait3A_25 = tpu.memref_slice %arg4[%add3A, %dma_wait3A, %dma_wait3A_24] : memref<32x124x128xi32, #tpu.memory_space<hbm>> -> memref<1x124x128xi32, #tpu.memory_space<hbm>>
      %dma_wait3A_26 = tpu.memref_squeeze %dma_wait3A_25 : memref<1x124x128xi32, #tpu.memory_space<hbm>> -> memref<124x128xi32, #tpu.memory_space<hbm>>
      %dma_wait3A_27 = arith.constant 0 : i32
      %dma_wait3A_28 = arith.constant 0 : i32
      %dma_wait3A_29 = tpu.memref_slice %arg4[%add3A, %dma_wait3A_27, %dma_wait3A_28] : memref<32x124x128xi32, #tpu.memory_space<hbm>> -> memref<1x124x128xi32, #tpu.memory_space<hbm>>
      %dma_wait3A_30 = tpu.memref_squeeze %dma_wait3A_29 : memref<1x124x128xi32, #tpu.memory_space<hbm>> -> memref<124x128xi32, #tpu.memory_space<hbm>>
      tpu.wait_dma2 semaphore(%run_scoped3A : memref<!tpu.dma_semaphore, #tpu.memory_space<semaphore_mem>>) src(%dma_wait3A_30 : memref<124x128xi32, #tpu.memory_space<hbm>>) dst(%arg8 : memref<124x128xi32, #tpu.memory_space<vmem>>)
      tpu.yield
    }) : () -> ()
    "tpu.region"() ({
      %run_scoped3A = tpu.sem_alloc : memref<!tpu.dma_semaphore, #tpu.memory_space<semaphore_mem>>
      %dma_start3A = arith.constant 0 : i32
      %dma_start3A_17 = arith.constant 0 : i32
      %dma_start3A_18 = tpu.memref_slice %arg3[%add3A, %dma_start3A, %dma_start3A_17] : memref<32x124x128xi32, #tpu.memory_space<hbm>> -> memref<1x124x128xi32, #tpu.memory_space<hbm>>
      %dma_start3A_19 = tpu.memref_squeeze %dma_start3A_18 : memref<1x124x128xi32, #tpu.memory_space<hbm>> -> memref<124x128xi32, #tpu.memory_space<hbm>>
      %dma_start3A_20 = arith.constant 0 : i32
      %dma_start3A_21 = arith.constant 0 : i32
      %dma_start3A_22 = tpu.memref_slice %arg3[%add3A, %dma_start3A_20, %dma_start3A_21] : memref<32x124x128xi32, #tpu.memory_space<hbm>> -> memref<1x124x128xi32, #tpu.memory_space<hbm>>
      %dma_start3A_23 = tpu.memref_squeeze %dma_start3A_22 : memref<1x124x128xi32, #tpu.memory_space<hbm>> -> memref<124x128xi32, #tpu.memory_space<hbm>>
      tpu.enqueue_dma source(%dma_start3A_23 : memref<124x128xi32, #tpu.memory_space<hbm>>) target(%arg7 : memref<124x128xi32, #tpu.memory_space<vmem>>) target_semaphore(%run_scoped3A : memref<!tpu.dma_semaphore, #tpu.memory_space<semaphore_mem>>)
      %dma_wait3A = arith.constant 0 : i32
      %dma_wait3A_24 = arith.constant 0 : i32
      %dma_wait3A_25 = tpu.memref_slice %arg3[%add3A, %dma_wait3A, %dma_wait3A_24] : memref<32x124x128xi32, #tpu.memory_space<hbm>> -> memref<1x124x128xi32, #tpu.memory_space<hbm>>
      %dma_wait3A_26 = tpu.memref_squeeze %dma_wait3A_25 : memref<1x124x128xi32, #tpu.memory_space<hbm>> -> memref<124x128xi32, #tpu.memory_space<hbm>>
      %dma_wait3A_27 = arith.constant 0 : i32
      %dma_wait3A_28 = arith.constant 0 : i32
      %dma_wait3A_29 = tpu.memref_slice %arg3[%add3A, %dma_wait3A_27, %dma_wait3A_28] : memref<32x124x128xi32, #tpu.memory_space<hbm>> -> memref<1x124x128xi32, #tpu.memory_space<hbm>>
      %dma_wait3A_30 = tpu.memref_squeeze %dma_wait3A_29 : memref<1x124x128xi32, #tpu.memory_space<hbm>> -> memref<124x128xi32, #tpu.memory_space<hbm>>
      tpu.wait_dma2 semaphore(%run_scoped3A : memref<!tpu.dma_semaphore, #tpu.memory_space<semaphore_mem>>) src(%dma_wait3A_30 : memref<124x128xi32, #tpu.memory_space<hbm>>) dst(%arg7 : memref<124x128xi32, #tpu.memory_space<vmem>>)
      tpu.yield
    }) : () -> ()
    %barrier3A = arith.constant 0 : index
    tpu.barrier barrier_id(%barrier3A)
    %eq3A = arith.constant 0 : i32
    %eq3A_5 = arith.cmpi eq, %arg0, %eq3A : i32
    %convert_element_type3A = arith.extui %eq3A_5 : i1 to i32
    %cond3A = arith.constant 0 : i32
    %cond3A_6 = arith.cmpi ne, %convert_element_type3A, %cond3A : i32
    scf.if %cond3A_6 {
      %scan3A = arith.constant 0 : i32
      %scan3A_17 = arith.constant 0 : i32
      %scan3A_18 = arith.constant 124 : i32
      %scan3A_19 = arith.addi %scan3A_17, %scan3A_18 : i32
      %scan3A_20 = arith.constant 1 : i32
      scf.for %scan3A_22 = %scan3A_17 to %scan3A_19 step %scan3A_20  : i32 {
        %dma_start3A = arith.constant 0 : i32
        %dma_start3A_23 = tpu.memref_slice %arg7[%scan3A_22, %dma_start3A] : memref<124x128xi32, #tpu.memory_space<vmem>> -> memref<1x128xi32, #tpu.memory_space<vmem>>
        %dma_start3A_24 = tpu.memref_squeeze %dma_start3A_23 : memref<1x128xi32, #tpu.memory_space<vmem>> -> memref<128xi32, #tpu.memory_space<vmem>>
        %dma_start3A_25 = arith.constant 0 : i32
        %dma_start3A_26 = arith.constant 0 : i32
        %dma_start3A_27 = tpu.memref_slice %arg2[%dma_start3A_25, %dma_start3A_26] : memref<10000x128xf32, #tpu.memory_space<hbm>> -> memref<10000x128xf32, #tpu.memory_space<hbm>>
        tpu.enqueue_indirect_dma source(%dma_start3A_27 : memref<10000x128xf32, #tpu.memory_space<hbm>>) target(%arg9 : memref<128x128xf32, #tpu.memory_space<vmem>>) offsets(%dma_start3A_24 : memref<128xi32, #tpu.memory_space<vmem>>) semaphore(%arg11 : memref<!tpu.dma_semaphore, #tpu.memory_space<semaphore_mem>>)
        %dma_wait3A = arith.constant 0 : i32
        %dma_wait3A_28 = tpu.memref_slice %arg7[%scan3A_22, %dma_wait3A] : memref<124x128xi32, #tpu.memory_space<vmem>> -> memref<1x128xi32, #tpu.memory_space<vmem>>
        %dma_wait3A_29 = tpu.memref_squeeze %dma_wait3A_28 : memref<1x128xi32, #tpu.memory_space<vmem>> -> memref<128xi32, #tpu.memory_space<vmem>>
        %dma_wait3A_30 = arith.constant 0 : i32
        %dma_wait3A_31 = arith.constant 0 : i32
        %dma_wait3A_32 = tpu.memref_slice %arg2[%dma_wait3A_30, %dma_wait3A_31] : memref<10000x128xf32, #tpu.memory_space<hbm>> -> memref<10000x128xf32, #tpu.memory_space<hbm>>
        tpu.wait_indirect_dma semaphore(%arg11 : memref<!tpu.dma_semaphore, #tpu.memory_space<semaphore_mem>>) src(%dma_wait3A_32 : memref<10000x128xf32, #tpu.memory_space<hbm>>) dst(%arg9 : memref<128x128xf32, #tpu.memory_space<vmem>>)
        "tpu.region"() ({
          %run_scoped3A = tpu.sem_alloc : memref<!tpu.dma_semaphore, #tpu.memory_space<semaphore_mem>>
          %dma_start3A_33 = arith.constant 0 : i32
          %dma_start3A_34 = tpu.memref_slice %arg8[%scan3A_22, %dma_start3A_33] : memref<124x128xi32, #tpu.memory_space<vmem>> -> memref<1x128xi32, #tpu.memory_space<vmem>>
          %dma_start3A_35 = tpu.memref_squeeze %dma_start3A_34 : memref<1x128xi32, #tpu.memory_space<vmem>> -> memref<128xi32, #tpu.memory_space<vmem>>
          %dma_start3A_36 = arith.constant 0 : i32
          %dma_start3A_37 = arith.constant 0 : i32
          %dma_start3A_38 = tpu.memref_slice %arg10[%dma_start3A_36, %dma_start3A_37] : memref<10112x128xf32, #tpu.memory_space<vmem_shared>> -> memref<10112x128xf32, #tpu.memory_space<vmem_shared>>
          tpu.enqueue_indirect_dma source(%arg9 : memref<128x128xf32, #tpu.memory_space<vmem>>) target(%dma_start3A_38 : memref<10112x128xf32, #tpu.memory_space<vmem_shared>>) offsets(%dma_start3A_35 : memref<128xi32, #tpu.memory_space<vmem>>) semaphore(%run_scoped3A : memref<!tpu.dma_semaphore, #tpu.memory_space<semaphore_mem>>) {add = true}
          %dma_wait3A_39 = arith.constant 0 : i32
          %dma_wait3A_40 = tpu.memref_slice %arg8[%scan3A_22, %dma_wait3A_39] : memref<124x128xi32, #tpu.memory_space<vmem>> -> memref<1x128xi32, #tpu.memory_space<vmem>>
          %dma_wait3A_41 = tpu.memref_squeeze %dma_wait3A_40 : memref<1x128xi32, #tpu.memory_space<vmem>> -> memref<128xi32, #tpu.memory_space<vmem>>
          %dma_wait3A_42 = arith.constant 0 : i32
          %dma_wait3A_43 = arith.constant 0 : i32
          %dma_wait3A_44 = tpu.memref_slice %arg10[%dma_wait3A_42, %dma_wait3A_43] : memref<10112x128xf32, #tpu.memory_space<vmem_shared>> -> memref<10112x128xf32, #tpu.memory_space<vmem_shared>>
          tpu.wait_indirect_dma semaphore(%run_scoped3A : memref<!tpu.dma_semaphore, #tpu.memory_space<semaphore_mem>>) src(%arg9 : memref<128x128xf32, #tpu.memory_space<vmem>>) dst(%dma_wait3A_44 : memref<10112x128xf32, #tpu.memory_space<vmem_shared>>)
          tpu.yield
        }) : () -> ()
      }
      %scan3A_21 = arith.constant 124 : i32
    } else {
    }
    %eq3A_7 = arith.constant 1 : i32
    %eq3A_8 = arith.cmpi eq, %arg0, %eq3A_7 : i32
    %convert_element_type3A_9 = arith.extui %eq3A_8 : i1 to i32
    %cond3A_10 = arith.constant 0 : i32
    %cond3A_11 = arith.cmpi ne, %convert_element_type3A_9, %cond3A_10 : i32
    scf.if %cond3A_11 {
      %scan3A = arith.constant 0 : i32
      %scan3A_17 = arith.constant 0 : i32
      %scan3A_18 = arith.constant 34 : i32
      %scan3A_19 = arith.addi %scan3A_17, %scan3A_18 : i32
      %scan3A_20 = arith.constant 1 : i32
      scf.for %scan3A_22 = %scan3A_17 to %scan3A_19 step %scan3A_20  : i32 {
        %dma_start3A = arith.constant 0 : i32
        %dma_start3A_23 = tpu.memref_slice %arg7[%scan3A_22, %dma_start3A] : memref<124x128xi32, #tpu.memory_space<vmem>> -> memref<1x128xi32, #tpu.memory_space<vmem>>
        %dma_start3A_24 = tpu.memref_squeeze %dma_start3A_23 : memref<1x128xi32, #tpu.memory_space<vmem>> -> memref<128xi32, #tpu.memory_space<vmem>>
        %dma_start3A_25 = arith.constant 0 : i32
        %dma_start3A_26 = arith.constant 0 : i32
        %dma_start3A_27 = tpu.memref_slice %arg2[%dma_start3A_25, %dma_start3A_26] : memref<10000x128xf32, #tpu.memory_space<hbm>> -> memref<10000x128xf32, #tpu.memory_space<hbm>>
        tpu.enqueue_indirect_dma source(%dma_start3A_27 : memref<10000x128xf32, #tpu.memory_space<hbm>>) target(%arg9 : memref<128x128xf32, #tpu.memory_space<vmem>>) offsets(%dma_start3A_24 : memref<128xi32, #tpu.memory_space<vmem>>) semaphore(%arg11 : memref<!tpu.dma_semaphore, #tpu.memory_space<semaphore_mem>>)
        %dma_wait3A = arith.constant 0 : i32
        %dma_wait3A_28 = tpu.memref_slice %arg7[%scan3A_22, %dma_wait3A] : memref<124x128xi32, #tpu.memory_space<vmem>> -> memref<1x128xi32, #tpu.memory_space<vmem>>
        %dma_wait3A_29 = tpu.memref_squeeze %dma_wait3A_28 : memref<1x128xi32, #tpu.memory_space<vmem>> -> memref<128xi32, #tpu.memory_space<vmem>>
        %dma_wait3A_30 = arith.constant 0 : i32
        %dma_wait3A_31 = arith.constant 0 : i32
        %dma_wait3A_32 = tpu.memref_slice %arg2[%dma_wait3A_30, %dma_wait3A_31] : memref<10000x128xf32, #tpu.memory_space<hbm>> -> memref<10000x128xf32, #tpu.memory_space<hbm>>
        tpu.wait_indirect_dma semaphore(%arg11 : memref<!tpu.dma_semaphore, #tpu.memory_space<semaphore_mem>>) src(%dma_wait3A_32 : memref<10000x128xf32, #tpu.memory_space<hbm>>) dst(%arg9 : memref<128x128xf32, #tpu.memory_space<vmem>>)
        "tpu.region"() ({
          %run_scoped3A = tpu.sem_alloc : memref<!tpu.dma_semaphore, #tpu.memory_space<semaphore_mem>>
          %dma_start3A_33 = arith.constant 0 : i32
          %dma_start3A_34 = tpu.memref_slice %arg8[%scan3A_22, %dma_start3A_33] : memref<124x128xi32, #tpu.memory_space<vmem>> -> memref<1x128xi32, #tpu.memory_space<vmem>>
          %dma_start3A_35 = tpu.memref_squeeze %dma_start3A_34 : memref<1x128xi32, #tpu.memory_space<vmem>> -> memref<128xi32, #tpu.memory_space<vmem>>
          %dma_start3A_36 = arith.constant 0 : i32
          %dma_start3A_37 = arith.constant 0 : i32
          %dma_start3A_38 = tpu.memref_slice %arg10[%dma_start3A_36, %dma_start3A_37] : memref<10112x128xf32, #tpu.memory_space<vmem_shared>> -> memref<10112x128xf32, #tpu.memory_space<vmem_shared>>
          tpu.enqueue_indirect_dma source(%arg9 : memref<128x128xf32, #tpu.memory_space<vmem>>) target(%dma_start3A_38 : memref<10112x128xf32, #tpu.memory_space<vmem_shared>>) offsets(%dma_start3A_35 : memref<128xi32, #tpu.memory_space<vmem>>) semaphore(%run_scoped3A : memref<!tpu.dma_semaphore, #tpu.memory_space<semaphore_mem>>) {add = true}
          %dma_wait3A_39 = arith.constant 0 : i32
          %dma_wait3A_40 = tpu.memref_slice %arg8[%scan3A_22, %dma_wait3A_39] : memref<124x128xi32, #tpu.memory_space<vmem>> -> memref<1x128xi32, #tpu.memory_space<vmem>>
          %dma_wait3A_41 = tpu.memref_squeeze %dma_wait3A_40 : memref<1x128xi32, #tpu.memory_space<vmem>> -> memref<128xi32, #tpu.memory_space<vmem>>
          %dma_wait3A_42 = arith.constant 0 : i32
          %dma_wait3A_43 = arith.constant 0 : i32
          %dma_wait3A_44 = tpu.memref_slice %arg10[%dma_wait3A_42, %dma_wait3A_43] : memref<10112x128xf32, #tpu.memory_space<vmem_shared>> -> memref<10112x128xf32, #tpu.memory_space<vmem_shared>>
          tpu.wait_indirect_dma semaphore(%run_scoped3A : memref<!tpu.dma_semaphore, #tpu.memory_space<semaphore_mem>>) src(%arg9 : memref<128x128xf32, #tpu.memory_space<vmem>>) dst(%dma_wait3A_44 : memref<10112x128xf32, #tpu.memory_space<vmem_shared>>)
          tpu.yield
        }) : () -> ()
      }
      %scan3A_21 = arith.constant 34 : i32
    } else {
    }
    %barrier3A_12 = arith.constant 0 : index
    tpu.barrier barrier_id(%barrier3A_12)
    %mul3A_13 = arith.constant 632 : i32
    %mul3A_14 = arith.muli %arg1, %mul3A_13 : i32
    %mul3A_15 = arith.constant 632 : i32
    %mul3A_16 = arith.muli %arg1, %mul3A_15 : i32
    "tpu.region"() ({
      %run_scoped3A = tpu.sem_alloc : memref<!tpu.dma_semaphore, #tpu.memory_space<semaphore_mem>>
      %dma_start3A = arith.constant 0 : i32
      %dma_start3A_17 = arith.constant 0 : i32
      %dma_start3A_18 = tpu.memref_slice %arg6[%arg0, %dma_start3A, %dma_start3A_17] : memref<2x10112x128xf32, #tpu.memory_space<hbm>> -> memref<1x10112x128xf32, #tpu.memory_space<hbm>>
      %dma_start3A_19 = tpu.memref_squeeze %dma_start3A_18 : memref<1x10112x128xf32, #tpu.memory_space<hbm>> -> memref<10112x128xf32, #tpu.memory_space<hbm>>
      %dma_start3A_20 = arith.constant 0 : i32
      %dma_start3A_21 = tpu.memref_slice %dma_start3A_19[%mul3A_16, %dma_start3A_20] : memref<10112x128xf32, #tpu.memory_space<hbm>> -> memref<632x128xf32, #tpu.memory_space<hbm>>
      %dma_start3A_22 = arith.constant 0 : i32
      %dma_start3A_23 = tpu.memref_slice %arg10[%mul3A_14, %dma_start3A_22] : memref<10112x128xf32, #tpu.memory_space<vmem_shared>> -> memref<632x128xf32, #tpu.memory_space<vmem_shared>>
      tpu.enqueue_dma source(%dma_start3A_23 : memref<632x128xf32, #tpu.memory_space<vmem_shared>>) target(%dma_start3A_21 : memref<632x128xf32, #tpu.memory_space<hbm>>) target_semaphore(%run_scoped3A : memref<!tpu.dma_semaphore, #tpu.memory_space<semaphore_mem>>)
      %dma_wait3A = arith.constant 0 : i32
      %dma_wait3A_24 = arith.constant 0 : i32
      %dma_wait3A_25 = tpu.memref_slice %arg6[%arg0, %dma_wait3A, %dma_wait3A_24] : memref<2x10112x128xf32, #tpu.memory_space<hbm>> -> memref<1x10112x128xf32, #tpu.memory_space<hbm>>
      %dma_wait3A_26 = tpu.memref_squeeze %dma_wait3A_25 : memref<1x10112x128xf32, #tpu.memory_space<hbm>> -> memref<10112x128xf32, #tpu.memory_space<hbm>>
      %dma_wait3A_27 = arith.constant 0 : i32
      %dma_wait3A_28 = tpu.memref_slice %dma_wait3A_26[%mul3A_16, %dma_wait3A_27] : memref<10112x128xf32, #tpu.memory_space<hbm>> -> memref<632x128xf32, #tpu.memory_space<hbm>>
      %dma_wait3A_29 = arith.constant 0 : i32
      %dma_wait3A_30 = tpu.memref_slice %arg10[%mul3A_14, %dma_wait3A_29] : memref<10112x128xf32, #tpu.memory_space<vmem_shared>> -> memref<632x128xf32, #tpu.memory_space<vmem_shared>>
      tpu.wait_dma2 semaphore(%run_scoped3A : memref<!tpu.dma_semaphore, #tpu.memory_space<semaphore_mem>>) src(%dma_wait3A_30 : memref<632x128xf32, #tpu.memory_space<vmem_shared>>) dst(%dma_wait3A_28 : memref<632x128xf32, #tpu.memory_space<hbm>>)
      tpu.yield
    }) : () -> ()
    return
  }
}

#map = affine_map<(d0, d1) -> (0, 0)>
#map1 = affine_map<(d0, d1) -> (0, 0, 0)>
module attributes {stable_mosaic.version = 14 : i64} {
  func.func @segsum(%arg0: i32, %arg1: i32, %arg2: memref<128x128xf32, #tpu.memory_space<hbm>>, %arg3: memref<32x124x128xi32, #tpu.memory_space<hbm>>, %arg4: memref<32x79x128xi32, #tpu.memory_space<hbm>>, %arg5: memref<10112x128xf32, #tpu.memory_space<hbm>>, %arg6: memref<2x10112x128xf32, #tpu.memory_space<hbm>>, %arg7: memref<1x128xi32, #tpu.memory_space<vmem>>, %arg8: memref<79x128xi32, #tpu.memory_space<vmem>>, %arg9: memref<128x128xf32, #tpu.memory_space<vmem>>, %arg10: memref<10112x128xf32, #tpu.memory_space<vmem_shared>>, %arg11: memref<!tpu.dma_semaphore, #tpu.memory_space<semaphore_mem>>) attributes {dimension_semantics = [#tpu.dimension_semantics<core_parallel>, #tpu.dimension_semantics<subcore_parallel>], iteration_bounds = array<i64: 2, 16>, scalar_prefetch = 0 : i64, scratch_operands = 5 : i64, tpu.core_type = #tpu.core_type<sc_vector_subcore>, window_params = [{transform_indices = #map}, {transform_indices = #map1}, {transform_indices = #map1}, {transform_indices = #map}, {transform_indices = #map1}]} {
    %mul3A = arith.constant 16 : i32
    %mul3A_0 = arith.muli %arg0, %mul3A : i32
    %add3A = arith.addi %mul3A_0, %arg1 : i32
    %mul3A_1 = arith.constant 632 : i32
    %mul3A_2 = arith.muli %arg1, %mul3A_1 : i32
    %mul3A_3 = arith.constant 632 : i32
    %mul3A_4 = arith.muli %arg1, %mul3A_3 : i32
    "tpu.region"() ({
      %run_scoped3A = tpu.sem_alloc : memref<!tpu.dma_semaphore, #tpu.memory_space<semaphore_mem>>
      %dma_start3A = arith.constant 0 : i32
      %dma_start3A_15 = tpu.memref_slice %arg10[%mul3A_4, %dma_start3A] : memref<10112x128xf32, #tpu.memory_space<vmem_shared>> -> memref<632x128xf32, #tpu.memory_space<vmem_shared>>
      %dma_start3A_16 = arith.constant 0 : i32
      %dma_start3A_17 = tpu.memref_slice %arg5[%mul3A_2, %dma_start3A_16] : memref<10112x128xf32, #tpu.memory_space<hbm>> -> memref<632x128xf32, #tpu.memory_space<hbm>>
      tpu.enqueue_dma source(%dma_start3A_17 : memref<632x128xf32, #tpu.memory_space<hbm>>) target(%dma_start3A_15 : memref<632x128xf32, #tpu.memory_space<vmem_shared>>) target_semaphore(%run_scoped3A : memref<!tpu.dma_semaphore, #tpu.memory_space<semaphore_mem>>)
      %dma_wait3A = arith.constant 0 : i32
      %dma_wait3A_18 = tpu.memref_slice %arg10[%mul3A_4, %dma_wait3A] : memref<10112x128xf32, #tpu.memory_space<vmem_shared>> -> memref<632x128xf32, #tpu.memory_space<vmem_shared>>
      %dma_wait3A_19 = arith.constant 0 : i32
      %dma_wait3A_20 = tpu.memref_slice %arg5[%mul3A_2, %dma_wait3A_19] : memref<10112x128xf32, #tpu.memory_space<hbm>> -> memref<632x128xf32, #tpu.memory_space<hbm>>
      tpu.wait_dma2 semaphore(%run_scoped3A : memref<!tpu.dma_semaphore, #tpu.memory_space<semaphore_mem>>) src(%dma_wait3A_20 : memref<632x128xf32, #tpu.memory_space<hbm>>) dst(%dma_wait3A_18 : memref<632x128xf32, #tpu.memory_space<vmem_shared>>)
      tpu.yield
    }) : () -> ()
    "tpu.region"() ({
      %run_scoped3A = tpu.sem_alloc : memref<!tpu.dma_semaphore, #tpu.memory_space<semaphore_mem>>
      %dma_start3A = arith.constant 0 : i32
      %dma_start3A_15 = arith.constant 0 : i32
      %dma_start3A_16 = tpu.memref_slice %arg4[%add3A, %dma_start3A, %dma_start3A_15] : memref<32x79x128xi32, #tpu.memory_space<hbm>> -> memref<1x79x128xi32, #tpu.memory_space<hbm>>
      %dma_start3A_17 = tpu.memref_squeeze %dma_start3A_16 : memref<1x79x128xi32, #tpu.memory_space<hbm>> -> memref<79x128xi32, #tpu.memory_space<hbm>>
      %dma_start3A_18 = arith.constant 0 : i32
      %dma_start3A_19 = arith.constant 0 : i32
      %dma_start3A_20 = tpu.memref_slice %arg4[%add3A, %dma_start3A_18, %dma_start3A_19] : memref<32x79x128xi32, #tpu.memory_space<hbm>> -> memref<1x79x128xi32, #tpu.memory_space<hbm>>
      %dma_start3A_21 = tpu.memref_squeeze %dma_start3A_20 : memref<1x79x128xi32, #tpu.memory_space<hbm>> -> memref<79x128xi32, #tpu.memory_space<hbm>>
      tpu.enqueue_dma source(%dma_start3A_21 : memref<79x128xi32, #tpu.memory_space<hbm>>) target(%arg8 : memref<79x128xi32, #tpu.memory_space<vmem>>) target_semaphore(%run_scoped3A : memref<!tpu.dma_semaphore, #tpu.memory_space<semaphore_mem>>)
      %dma_wait3A = arith.constant 0 : i32
      %dma_wait3A_22 = arith.constant 0 : i32
      %dma_wait3A_23 = tpu.memref_slice %arg4[%add3A, %dma_wait3A, %dma_wait3A_22] : memref<32x79x128xi32, #tpu.memory_space<hbm>> -> memref<1x79x128xi32, #tpu.memory_space<hbm>>
      %dma_wait3A_24 = tpu.memref_squeeze %dma_wait3A_23 : memref<1x79x128xi32, #tpu.memory_space<hbm>> -> memref<79x128xi32, #tpu.memory_space<hbm>>
      %dma_wait3A_25 = arith.constant 0 : i32
      %dma_wait3A_26 = arith.constant 0 : i32
      %dma_wait3A_27 = tpu.memref_slice %arg4[%add3A, %dma_wait3A_25, %dma_wait3A_26] : memref<32x79x128xi32, #tpu.memory_space<hbm>> -> memref<1x79x128xi32, #tpu.memory_space<hbm>>
      %dma_wait3A_28 = tpu.memref_squeeze %dma_wait3A_27 : memref<1x79x128xi32, #tpu.memory_space<hbm>> -> memref<79x128xi32, #tpu.memory_space<hbm>>
      tpu.wait_dma2 semaphore(%run_scoped3A : memref<!tpu.dma_semaphore, #tpu.memory_space<semaphore_mem>>) src(%dma_wait3A_28 : memref<79x128xi32, #tpu.memory_space<hbm>>) dst(%arg8 : memref<79x128xi32, #tpu.memory_space<vmem>>)
      tpu.yield
    }) : () -> ()
    "tpu.region"() ({
      %run_scoped3A = tpu.sem_alloc : memref<!tpu.dma_semaphore, #tpu.memory_space<semaphore_mem>>
      tpu.enqueue_dma source(%arg2 : memref<128x128xf32, #tpu.memory_space<hbm>>) target(%arg9 : memref<128x128xf32, #tpu.memory_space<vmem>>) target_semaphore(%run_scoped3A : memref<!tpu.dma_semaphore, #tpu.memory_space<semaphore_mem>>)
      tpu.wait_dma2 semaphore(%run_scoped3A : memref<!tpu.dma_semaphore, #tpu.memory_space<semaphore_mem>>) src(%arg2 : memref<128x128xf32, #tpu.memory_space<hbm>>) dst(%arg9 : memref<128x128xf32, #tpu.memory_space<vmem>>)
      tpu.yield
    }) : () -> ()
    %barrier3A = arith.constant 0 : index
    tpu.barrier barrier_id(%barrier3A)
    %scan3A = arith.constant 0 : i32
    %scan3A_5 = arith.constant 0 : i32
    %scan3A_6 = arith.constant 79 : i32
    %scan3A_7 = arith.addi %scan3A_5, %scan3A_6 : i32
    %scan3A_8 = arith.constant 1 : i32
    scf.for %scan3A_15 = %scan3A_5 to %scan3A_7 step %scan3A_8  : i32 {
      "tpu.region"() ({
        %run_scoped3A = tpu.sem_alloc : memref<!tpu.dma_semaphore, #tpu.memory_space<semaphore_mem>>
        %dma_start3A = arith.constant 0 : i32
        %dma_start3A_16 = tpu.memref_slice %arg8[%scan3A_15, %dma_start3A] : memref<79x128xi32, #tpu.memory_space<vmem>> -> memref<1x128xi32, #tpu.memory_space<vmem>>
        %dma_start3A_17 = tpu.memref_squeeze %dma_start3A_16 : memref<1x128xi32, #tpu.memory_space<vmem>> -> memref<128xi32, #tpu.memory_space<vmem>>
        %dma_start3A_18 = arith.constant 0 : i32
        %dma_start3A_19 = arith.constant 0 : i32
        %dma_start3A_20 = tpu.memref_slice %arg10[%dma_start3A_18, %dma_start3A_19] : memref<10112x128xf32, #tpu.memory_space<vmem_shared>> -> memref<10112x128xf32, #tpu.memory_space<vmem_shared>>
        tpu.enqueue_indirect_dma source(%arg9 : memref<128x128xf32, #tpu.memory_space<vmem>>) target(%dma_start3A_20 : memref<10112x128xf32, #tpu.memory_space<vmem_shared>>) offsets(%dma_start3A_17 : memref<128xi32, #tpu.memory_space<vmem>>) semaphore(%run_scoped3A : memref<!tpu.dma_semaphore, #tpu.memory_space<semaphore_mem>>) {add = true}
        %dma_wait3A = arith.constant 0 : i32
        %dma_wait3A_21 = tpu.memref_slice %arg8[%scan3A_15, %dma_wait3A] : memref<79x128xi32, #tpu.memory_space<vmem>> -> memref<1x128xi32, #tpu.memory_space<vmem>>
        %dma_wait3A_22 = tpu.memref_squeeze %dma_wait3A_21 : memref<1x128xi32, #tpu.memory_space<vmem>> -> memref<128xi32, #tpu.memory_space<vmem>>
        %dma_wait3A_23 = arith.constant 0 : i32
        %dma_wait3A_24 = arith.constant 0 : i32
        %dma_wait3A_25 = tpu.memref_slice %arg10[%dma_wait3A_23, %dma_wait3A_24] : memref<10112x128xf32, #tpu.memory_space<vmem_shared>> -> memref<10112x128xf32, #tpu.memory_space<vmem_shared>>
        tpu.wait_indirect_dma semaphore(%run_scoped3A : memref<!tpu.dma_semaphore, #tpu.memory_space<semaphore_mem>>) src(%arg9 : memref<128x128xf32, #tpu.memory_space<vmem>>) dst(%dma_wait3A_25 : memref<10112x128xf32, #tpu.memory_space<vmem_shared>>)
        tpu.yield
      }) : () -> ()
    }
    %scan3A_9 = arith.constant 79 : i32
    %barrier3A_10 = arith.constant 0 : index
    tpu.barrier barrier_id(%barrier3A_10)
    %mul3A_11 = arith.constant 632 : i32
    %mul3A_12 = arith.muli %arg1, %mul3A_11 : i32
    %mul3A_13 = arith.constant 632 : i32
    %mul3A_14 = arith.muli %arg1, %mul3A_13 : i32
    "tpu.region"() ({
      %run_scoped3A = tpu.sem_alloc : memref<!tpu.dma_semaphore, #tpu.memory_space<semaphore_mem>>
      %dma_start3A = arith.constant 0 : i32
      %dma_start3A_15 = arith.constant 0 : i32
      %dma_start3A_16 = tpu.memref_slice %arg6[%arg0, %dma_start3A, %dma_start3A_15] : memref<2x10112x128xf32, #tpu.memory_space<hbm>> -> memref<1x10112x128xf32, #tpu.memory_space<hbm>>
      %dma_start3A_17 = tpu.memref_squeeze %dma_start3A_16 : memref<1x10112x128xf32, #tpu.memory_space<hbm>> -> memref<10112x128xf32, #tpu.memory_space<hbm>>
      %dma_start3A_18 = arith.constant 0 : i32
      %dma_start3A_19 = tpu.memref_slice %dma_start3A_17[%mul3A_14, %dma_start3A_18] : memref<10112x128xf32, #tpu.memory_space<hbm>> -> memref<632x128xf32, #tpu.memory_space<hbm>>
      %dma_start3A_20 = arith.constant 0 : i32
      %dma_start3A_21 = tpu.memref_slice %arg10[%mul3A_12, %dma_start3A_20] : memref<10112x128xf32, #tpu.memory_space<vmem_shared>> -> memref<632x128xf32, #tpu.memory_space<vmem_shared>>
      tpu.enqueue_dma source(%dma_start3A_21 : memref<632x128xf32, #tpu.memory_space<vmem_shared>>) target(%dma_start3A_19 : memref<632x128xf32, #tpu.memory_space<hbm>>) target_semaphore(%run_scoped3A : memref<!tpu.dma_semaphore, #tpu.memory_space<semaphore_mem>>)
      %dma_wait3A = arith.constant 0 : i32
      %dma_wait3A_22 = arith.constant 0 : i32
      %dma_wait3A_23 = tpu.memref_slice %arg6[%arg0, %dma_wait3A, %dma_wait3A_22] : memref<2x10112x128xf32, #tpu.memory_space<hbm>> -> memref<1x10112x128xf32, #tpu.memory_space<hbm>>
      %dma_wait3A_24 = tpu.memref_squeeze %dma_wait3A_23 : memref<1x10112x128xf32, #tpu.memory_space<hbm>> -> memref<10112x128xf32, #tpu.memory_space<hbm>>
      %dma_wait3A_25 = arith.constant 0 : i32
      %dma_wait3A_26 = tpu.memref_slice %dma_wait3A_24[%mul3A_14, %dma_wait3A_25] : memref<10112x128xf32, #tpu.memory_space<hbm>> -> memref<632x128xf32, #tpu.memory_space<hbm>>
      %dma_wait3A_27 = arith.constant 0 : i32
      %dma_wait3A_28 = tpu.memref_slice %arg10[%mul3A_12, %dma_wait3A_27] : memref<10112x128xf32, #tpu.memory_space<vmem_shared>> -> memref<632x128xf32, #tpu.memory_space<vmem_shared>>
      tpu.wait_dma2 semaphore(%run_scoped3A : memref<!tpu.dma_semaphore, #tpu.memory_space<semaphore_mem>>) src(%dma_wait3A_28 : memref<632x128xf32, #tpu.memory_space<vmem_shared>>) dst(%dma_wait3A_26 : memref<632x128xf32, #tpu.memory_space<hbm>>)
      tpu.yield
    }) : () -> ()
    return
  }
}

#map = affine_map<(d0, d1) -> (0, 0)>
#map1 = affine_map<(d0, d1) -> (0, 0, 0)>
module attributes {stable_mosaic.version = 14 : i64} {
  func.func @segsum(%arg0: i32, %arg1: i32, %arg2: memref<10000x128xf32, #tpu.memory_space<hbm>>, %arg3: memref<32x124x128xi32, #tpu.memory_space<hbm>>, %arg4: memref<32x124x128xi32, #tpu.memory_space<hbm>>, %arg5: memref<10112x128xf32, #tpu.memory_space<hbm>>, %arg6: memref<2x10112x128xf32, #tpu.memory_space<hbm>>, %arg7: memref<124x128xi32, #tpu.memory_space<vmem>>, %arg8: memref<124x128xi32, #tpu.memory_space<vmem>>, %arg9: memref<128x128xf32, #tpu.memory_space<vmem>>, %arg10: memref<10112x128xf32, #tpu.memory_space<vmem_shared>>, %arg11: memref<!tpu.dma_semaphore, #tpu.memory_space<semaphore_mem>>) attributes {dimension_semantics = [#tpu.dimension_semantics<core_parallel>, #tpu.dimension_semantics<subcore_parallel>], iteration_bounds = array<i64: 2, 16>, scalar_prefetch = 0 : i64, scratch_operands = 5 : i64, tpu.core_type = #tpu.core_type<sc_vector_subcore>, window_params = [{transform_indices = #map}, {transform_indices = #map1}, {transform_indices = #map1}, {transform_indices = #map}, {transform_indices = #map1}]} {
    %mul3A = arith.constant 16 : i32
    %mul3A_0 = arith.muli %arg0, %mul3A : i32
    %add3A = arith.addi %mul3A_0, %arg1 : i32
    %mul3A_1 = arith.constant 632 : i32
    %mul3A_2 = arith.muli %arg1, %mul3A_1 : i32
    %mul3A_3 = arith.constant 632 : i32
    %mul3A_4 = arith.muli %arg1, %mul3A_3 : i32
    "tpu.region"() ({
      %run_scoped3A = tpu.sem_alloc : memref<!tpu.dma_semaphore, #tpu.memory_space<semaphore_mem>>
      %dma_start3A = arith.constant 0 : i32
      %dma_start3A_17 = tpu.memref_slice %arg10[%mul3A_4, %dma_start3A] : memref<10112x128xf32, #tpu.memory_space<vmem_shared>> -> memref<632x128xf32, #tpu.memory_space<vmem_shared>>
      %dma_start3A_18 = arith.constant 0 : i32
      %dma_start3A_19 = tpu.memref_slice %arg5[%mul3A_2, %dma_start3A_18] : memref<10112x128xf32, #tpu.memory_space<hbm>> -> memref<632x128xf32, #tpu.memory_space<hbm>>
      tpu.enqueue_dma source(%dma_start3A_19 : memref<632x128xf32, #tpu.memory_space<hbm>>) target(%dma_start3A_17 : memref<632x128xf32, #tpu.memory_space<vmem_shared>>) target_semaphore(%run_scoped3A : memref<!tpu.dma_semaphore, #tpu.memory_space<semaphore_mem>>)
      %dma_wait3A = arith.constant 0 : i32
      %dma_wait3A_20 = tpu.memref_slice %arg10[%mul3A_4, %dma_wait3A] : memref<10112x128xf32, #tpu.memory_space<vmem_shared>> -> memref<632x128xf32, #tpu.memory_space<vmem_shared>>
      %dma_wait3A_21 = arith.constant 0 : i32
      %dma_wait3A_22 = tpu.memref_slice %arg5[%mul3A_2, %dma_wait3A_21] : memref<10112x128xf32, #tpu.memory_space<hbm>> -> memref<632x128xf32, #tpu.memory_space<hbm>>
      tpu.wait_dma2 semaphore(%run_scoped3A : memref<!tpu.dma_semaphore, #tpu.memory_space<semaphore_mem>>) src(%dma_wait3A_22 : memref<632x128xf32, #tpu.memory_space<hbm>>) dst(%dma_wait3A_20 : memref<632x128xf32, #tpu.memory_space<vmem_shared>>)
      tpu.yield
    }) : () -> ()
    "tpu.region"() ({
      %run_scoped3A = tpu.sem_alloc : memref<!tpu.dma_semaphore, #tpu.memory_space<semaphore_mem>>
      %dma_start3A = arith.constant 0 : i32
      %dma_start3A_17 = arith.constant 0 : i32
      %dma_start3A_18 = tpu.memref_slice %arg4[%add3A, %dma_start3A, %dma_start3A_17] : memref<32x124x128xi32, #tpu.memory_space<hbm>> -> memref<1x124x128xi32, #tpu.memory_space<hbm>>
      %dma_start3A_19 = tpu.memref_squeeze %dma_start3A_18 : memref<1x124x128xi32, #tpu.memory_space<hbm>> -> memref<124x128xi32, #tpu.memory_space<hbm>>
      %dma_start3A_20 = arith.constant 0 : i32
      %dma_start3A_21 = arith.constant 0 : i32
      %dma_start3A_22 = tpu.memref_slice %arg4[%add3A, %dma_start3A_20, %dma_start3A_21] : memref<32x124x128xi32, #tpu.memory_space<hbm>> -> memref<1x124x128xi32, #tpu.memory_space<hbm>>
      %dma_start3A_23 = tpu.memref_squeeze %dma_start3A_22 : memref<1x124x128xi32, #tpu.memory_space<hbm>> -> memref<124x128xi32, #tpu.memory_space<hbm>>
      tpu.enqueue_dma source(%dma_start3A_23 : memref<124x128xi32, #tpu.memory_space<hbm>>) target(%arg8 : memref<124x128xi32, #tpu.memory_space<vmem>>) target_semaphore(%run_scoped3A : memref<!tpu.dma_semaphore, #tpu.memory_space<semaphore_mem>>)
      %dma_wait3A = arith.constant 0 : i32
      %dma_wait3A_24 = arith.constant 0 : i32
      %dma_wait3A_25 = tpu.memref_slice %arg4[%add3A, %dma_wait3A, %dma_wait3A_24] : memref<32x124x128xi32, #tpu.memory_space<hbm>> -> memref<1x124x128xi32, #tpu.memory_space<hbm>>
      %dma_wait3A_26 = tpu.memref_squeeze %dma_wait3A_25 : memref<1x124x128xi32, #tpu.memory_space<hbm>> -> memref<124x128xi32, #tpu.memory_space<hbm>>
      %dma_wait3A_27 = arith.constant 0 : i32
      %dma_wait3A_28 = arith.constant 0 : i32
      %dma_wait3A_29 = tpu.memref_slice %arg4[%add3A, %dma_wait3A_27, %dma_wait3A_28] : memref<32x124x128xi32, #tpu.memory_space<hbm>> -> memref<1x124x128xi32, #tpu.memory_space<hbm>>
      %dma_wait3A_30 = tpu.memref_squeeze %dma_wait3A_29 : memref<1x124x128xi32, #tpu.memory_space<hbm>> -> memref<124x128xi32, #tpu.memory_space<hbm>>
      tpu.wait_dma2 semaphore(%run_scoped3A : memref<!tpu.dma_semaphore, #tpu.memory_space<semaphore_mem>>) src(%dma_wait3A_30 : memref<124x128xi32, #tpu.memory_space<hbm>>) dst(%arg8 : memref<124x128xi32, #tpu.memory_space<vmem>>)
      tpu.yield
    }) : () -> ()
    "tpu.region"() ({
      %run_scoped3A = tpu.sem_alloc : memref<!tpu.dma_semaphore, #tpu.memory_space<semaphore_mem>>
      %dma_start3A = arith.constant 0 : i32
      %dma_start3A_17 = arith.constant 0 : i32
      %dma_start3A_18 = tpu.memref_slice %arg3[%add3A, %dma_start3A, %dma_start3A_17] : memref<32x124x128xi32, #tpu.memory_space<hbm>> -> memref<1x124x128xi32, #tpu.memory_space<hbm>>
      %dma_start3A_19 = tpu.memref_squeeze %dma_start3A_18 : memref<1x124x128xi32, #tpu.memory_space<hbm>> -> memref<124x128xi32, #tpu.memory_space<hbm>>
      %dma_start3A_20 = arith.constant 0 : i32
      %dma_start3A_21 = arith.constant 0 : i32
      %dma_start3A_22 = tpu.memref_slice %arg3[%add3A, %dma_start3A_20, %dma_start3A_21] : memref<32x124x128xi32, #tpu.memory_space<hbm>> -> memref<1x124x128xi32, #tpu.memory_space<hbm>>
      %dma_start3A_23 = tpu.memref_squeeze %dma_start3A_22 : memref<1x124x128xi32, #tpu.memory_space<hbm>> -> memref<124x128xi32, #tpu.memory_space<hbm>>
      tpu.enqueue_dma source(%dma_start3A_23 : memref<124x128xi32, #tpu.memory_space<hbm>>) target(%arg7 : memref<124x128xi32, #tpu.memory_space<vmem>>) target_semaphore(%run_scoped3A : memref<!tpu.dma_semaphore, #tpu.memory_space<semaphore_mem>>)
      %dma_wait3A = arith.constant 0 : i32
      %dma_wait3A_24 = arith.constant 0 : i32
      %dma_wait3A_25 = tpu.memref_slice %arg3[%add3A, %dma_wait3A, %dma_wait3A_24] : memref<32x124x128xi32, #tpu.memory_space<hbm>> -> memref<1x124x128xi32, #tpu.memory_space<hbm>>
      %dma_wait3A_26 = tpu.memref_squeeze %dma_wait3A_25 : memref<1x124x128xi32, #tpu.memory_space<hbm>> -> memref<124x128xi32, #tpu.memory_space<hbm>>
      %dma_wait3A_27 = arith.constant 0 : i32
      %dma_wait3A_28 = arith.constant 0 : i32
      %dma_wait3A_29 = tpu.memref_slice %arg3[%add3A, %dma_wait3A_27, %dma_wait3A_28] : memref<32x124x128xi32, #tpu.memory_space<hbm>> -> memref<1x124x128xi32, #tpu.memory_space<hbm>>
      %dma_wait3A_30 = tpu.memref_squeeze %dma_wait3A_29 : memref<1x124x128xi32, #tpu.memory_space<hbm>> -> memref<124x128xi32, #tpu.memory_space<hbm>>
      tpu.wait_dma2 semaphore(%run_scoped3A : memref<!tpu.dma_semaphore, #tpu.memory_space<semaphore_mem>>) src(%dma_wait3A_30 : memref<124x128xi32, #tpu.memory_space<hbm>>) dst(%arg7 : memref<124x128xi32, #tpu.memory_space<vmem>>)
      tpu.yield
    }) : () -> ()
    %barrier3A = arith.constant 0 : index
    tpu.barrier barrier_id(%barrier3A)
    %eq3A = arith.constant 0 : i32
    %eq3A_5 = arith.cmpi eq, %arg0, %eq3A : i32
    %convert_element_type3A = arith.extui %eq3A_5 : i1 to i32
    %cond3A = arith.constant 0 : i32
    %cond3A_6 = arith.cmpi ne, %convert_element_type3A, %cond3A : i32
    scf.if %cond3A_6 {
      %scan3A = arith.constant 0 : i32
      %scan3A_17 = arith.constant 0 : i32
      %scan3A_18 = arith.constant 124 : i32
      %scan3A_19 = arith.addi %scan3A_17, %scan3A_18 : i32
      %scan3A_20 = arith.constant 1 : i32
      scf.for %scan3A_22 = %scan3A_17 to %scan3A_19 step %scan3A_20  : i32 {
        %dma_start3A = arith.constant 0 : i32
        %dma_start3A_23 = tpu.memref_slice %arg7[%scan3A_22, %dma_start3A] : memref<124x128xi32, #tpu.memory_space<vmem>> -> memref<1x128xi32, #tpu.memory_space<vmem>>
        %dma_start3A_24 = tpu.memref_squeeze %dma_start3A_23 : memref<1x128xi32, #tpu.memory_space<vmem>> -> memref<128xi32, #tpu.memory_space<vmem>>
        %dma_start3A_25 = arith.constant 0 : i32
        %dma_start3A_26 = arith.constant 0 : i32
        %dma_start3A_27 = tpu.memref_slice %arg2[%dma_start3A_25, %dma_start3A_26] : memref<10000x128xf32, #tpu.memory_space<hbm>> -> memref<10000x128xf32, #tpu.memory_space<hbm>>
        tpu.enqueue_indirect_dma source(%dma_start3A_27 : memref<10000x128xf32, #tpu.memory_space<hbm>>) target(%arg9 : memref<128x128xf32, #tpu.memory_space<vmem>>) offsets(%dma_start3A_24 : memref<128xi32, #tpu.memory_space<vmem>>) semaphore(%arg11 : memref<!tpu.dma_semaphore, #tpu.memory_space<semaphore_mem>>)
        %dma_wait3A = arith.constant 0 : i32
        %dma_wait3A_28 = tpu.memref_slice %arg7[%scan3A_22, %dma_wait3A] : memref<124x128xi32, #tpu.memory_space<vmem>> -> memref<1x128xi32, #tpu.memory_space<vmem>>
        %dma_wait3A_29 = tpu.memref_squeeze %dma_wait3A_28 : memref<1x128xi32, #tpu.memory_space<vmem>> -> memref<128xi32, #tpu.memory_space<vmem>>
        %dma_wait3A_30 = arith.constant 0 : i32
        %dma_wait3A_31 = arith.constant 0 : i32
        %dma_wait3A_32 = tpu.memref_slice %arg2[%dma_wait3A_30, %dma_wait3A_31] : memref<10000x128xf32, #tpu.memory_space<hbm>> -> memref<10000x128xf32, #tpu.memory_space<hbm>>
        tpu.wait_indirect_dma semaphore(%arg11 : memref<!tpu.dma_semaphore, #tpu.memory_space<semaphore_mem>>) src(%dma_wait3A_32 : memref<10000x128xf32, #tpu.memory_space<hbm>>) dst(%arg9 : memref<128x128xf32, #tpu.memory_space<vmem>>)
        "tpu.region"() ({
          %run_scoped3A = tpu.sem_alloc : memref<!tpu.dma_semaphore, #tpu.memory_space<semaphore_mem>>
          %dma_start3A_33 = arith.constant 0 : i32
          %dma_start3A_34 = tpu.memref_slice %arg8[%scan3A_22, %dma_start3A_33] : memref<124x128xi32, #tpu.memory_space<vmem>> -> memref<1x128xi32, #tpu.memory_space<vmem>>
          %dma_start3A_35 = tpu.memref_squeeze %dma_start3A_34 : memref<1x128xi32, #tpu.memory_space<vmem>> -> memref<128xi32, #tpu.memory_space<vmem>>
          %dma_start3A_36 = arith.constant 0 : i32
          %dma_start3A_37 = arith.constant 0 : i32
          %dma_start3A_38 = tpu.memref_slice %arg10[%dma_start3A_36, %dma_start3A_37] : memref<10112x128xf32, #tpu.memory_space<vmem_shared>> -> memref<10112x128xf32, #tpu.memory_space<vmem_shared>>
          tpu.enqueue_indirect_dma source(%arg9 : memref<128x128xf32, #tpu.memory_space<vmem>>) target(%dma_start3A_38 : memref<10112x128xf32, #tpu.memory_space<vmem_shared>>) offsets(%dma_start3A_35 : memref<128xi32, #tpu.memory_space<vmem>>) semaphore(%run_scoped3A : memref<!tpu.dma_semaphore, #tpu.memory_space<semaphore_mem>>) {add = true}
          %dma_wait3A_39 = arith.constant 0 : i32
          %dma_wait3A_40 = tpu.memref_slice %arg8[%scan3A_22, %dma_wait3A_39] : memref<124x128xi32, #tpu.memory_space<vmem>> -> memref<1x128xi32, #tpu.memory_space<vmem>>
          %dma_wait3A_41 = tpu.memref_squeeze %dma_wait3A_40 : memref<1x128xi32, #tpu.memory_space<vmem>> -> memref<128xi32, #tpu.memory_space<vmem>>
          %dma_wait3A_42 = arith.constant 0 : i32
          %dma_wait3A_43 = arith.constant 0 : i32
          %dma_wait3A_44 = tpu.memref_slice %arg10[%dma_wait3A_42, %dma_wait3A_43] : memref<10112x128xf32, #tpu.memory_space<vmem_shared>> -> memref<10112x128xf32, #tpu.memory_space<vmem_shared>>
          tpu.wait_indirect_dma semaphore(%run_scoped3A : memref<!tpu.dma_semaphore, #tpu.memory_space<semaphore_mem>>) src(%arg9 : memref<128x128xf32, #tpu.memory_space<vmem>>) dst(%dma_wait3A_44 : memref<10112x128xf32, #tpu.memory_space<vmem_shared>>)
          tpu.yield
        }) : () -> ()
      }
      %scan3A_21 = arith.constant 124 : i32
    } else {
    }
    %eq3A_7 = arith.constant 1 : i32
    %eq3A_8 = arith.cmpi eq, %arg0, %eq3A_7 : i32
    %convert_element_type3A_9 = arith.extui %eq3A_8 : i1 to i32
    %cond3A_10 = arith.constant 0 : i32
    %cond3A_11 = arith.cmpi ne, %convert_element_type3A_9, %cond3A_10 : i32
    scf.if %cond3A_11 {
      %scan3A = arith.constant 0 : i32
      %scan3A_17 = arith.constant 0 : i32
      %scan3A_18 = arith.constant 34 : i32
      %scan3A_19 = arith.addi %scan3A_17, %scan3A_18 : i32
      %scan3A_20 = arith.constant 1 : i32
      scf.for %scan3A_22 = %scan3A_17 to %scan3A_19 step %scan3A_20  : i32 {
        %dma_start3A = arith.constant 0 : i32
        %dma_start3A_23 = tpu.memref_slice %arg7[%scan3A_22, %dma_start3A] : memref<124x128xi32, #tpu.memory_space<vmem>> -> memref<1x128xi32, #tpu.memory_space<vmem>>
        %dma_start3A_24 = tpu.memref_squeeze %dma_start3A_23 : memref<1x128xi32, #tpu.memory_space<vmem>> -> memref<128xi32, #tpu.memory_space<vmem>>
        %dma_start3A_25 = arith.constant 0 : i32
        %dma_start3A_26 = arith.constant 0 : i32
        %dma_start3A_27 = tpu.memref_slice %arg2[%dma_start3A_25, %dma_start3A_26] : memref<10000x128xf32, #tpu.memory_space<hbm>> -> memref<10000x128xf32, #tpu.memory_space<hbm>>
        tpu.enqueue_indirect_dma source(%dma_start3A_27 : memref<10000x128xf32, #tpu.memory_space<hbm>>) target(%arg9 : memref<128x128xf32, #tpu.memory_space<vmem>>) offsets(%dma_start3A_24 : memref<128xi32, #tpu.memory_space<vmem>>) semaphore(%arg11 : memref<!tpu.dma_semaphore, #tpu.memory_space<semaphore_mem>>)
        %dma_wait3A = arith.constant 0 : i32
        %dma_wait3A_28 = tpu.memref_slice %arg7[%scan3A_22, %dma_wait3A] : memref<124x128xi32, #tpu.memory_space<vmem>> -> memref<1x128xi32, #tpu.memory_space<vmem>>
        %dma_wait3A_29 = tpu.memref_squeeze %dma_wait3A_28 : memref<1x128xi32, #tpu.memory_space<vmem>> -> memref<128xi32, #tpu.memory_space<vmem>>
        %dma_wait3A_30 = arith.constant 0 : i32
        %dma_wait3A_31 = arith.constant 0 : i32
        %dma_wait3A_32 = tpu.memref_slice %arg2[%dma_wait3A_30, %dma_wait3A_31] : memref<10000x128xf32, #tpu.memory_space<hbm>> -> memref<10000x128xf32, #tpu.memory_space<hbm>>
        tpu.wait_indirect_dma semaphore(%arg11 : memref<!tpu.dma_semaphore, #tpu.memory_space<semaphore_mem>>) src(%dma_wait3A_32 : memref<10000x128xf32, #tpu.memory_space<hbm>>) dst(%arg9 : memref<128x128xf32, #tpu.memory_space<vmem>>)
        "tpu.region"() ({
          %run_scoped3A = tpu.sem_alloc : memref<!tpu.dma_semaphore, #tpu.memory_space<semaphore_mem>>
          %dma_start3A_33 = arith.constant 0 : i32
          %dma_start3A_34 = tpu.memref_slice %arg8[%scan3A_22, %dma_start3A_33] : memref<124x128xi32, #tpu.memory_space<vmem>> -> memref<1x128xi32, #tpu.memory_space<vmem>>
          %dma_start3A_35 = tpu.memref_squeeze %dma_start3A_34 : memref<1x128xi32, #tpu.memory_space<vmem>> -> memref<128xi32, #tpu.memory_space<vmem>>
          %dma_start3A_36 = arith.constant 0 : i32
          %dma_start3A_37 = arith.constant 0 : i32
          %dma_start3A_38 = tpu.memref_slice %arg10[%dma_start3A_36, %dma_start3A_37] : memref<10112x128xf32, #tpu.memory_space<vmem_shared>> -> memref<10112x128xf32, #tpu.memory_space<vmem_shared>>
          tpu.enqueue_indirect_dma source(%arg9 : memref<128x128xf32, #tpu.memory_space<vmem>>) target(%dma_start3A_38 : memref<10112x128xf32, #tpu.memory_space<vmem_shared>>) offsets(%dma_start3A_35 : memref<128xi32, #tpu.memory_space<vmem>>) semaphore(%run_scoped3A : memref<!tpu.dma_semaphore, #tpu.memory_space<semaphore_mem>>) {add = true}
          %dma_wait3A_39 = arith.constant 0 : i32
          %dma_wait3A_40 = tpu.memref_slice %arg8[%scan3A_22, %dma_wait3A_39] : memref<124x128xi32, #tpu.memory_space<vmem>> -> memref<1x128xi32, #tpu.memory_space<vmem>>
          %dma_wait3A_41 = tpu.memref_squeeze %dma_wait3A_40 : memref<1x128xi32, #tpu.memory_space<vmem>> -> memref<128xi32, #tpu.memory_space<vmem>>
          %dma_wait3A_42 = arith.constant 0 : i32
          %dma_wait3A_43 = arith.constant 0 : i32
          %dma_wait3A_44 = tpu.memref_slice %arg10[%dma_wait3A_42, %dma_wait3A_43] : memref<10112x128xf32, #tpu.memory_space<vmem_shared>> -> memref<10112x128xf32, #tpu.memory_space<vmem_shared>>
          tpu.wait_indirect_dma semaphore(%run_scoped3A : memref<!tpu.dma_semaphore, #tpu.memory_space<semaphore_mem>>) src(%arg9 : memref<128x128xf32, #tpu.memory_space<vmem>>) dst(%dma_wait3A_44 : memref<10112x128xf32, #tpu.memory_space<vmem_shared>>)
          tpu.yield
        }) : () -> ()
      }
      %scan3A_21 = arith.constant 34 : i32
    } else {
    }
    %barrier3A_12 = arith.constant 0 : index
    tpu.barrier barrier_id(%barrier3A_12)
    %mul3A_13 = arith.constant 632 : i32
    %mul3A_14 = arith.muli %arg1, %mul3A_13 : i32
    %mul3A_15 = arith.constant 632 : i32
    %mul3A_16 = arith.muli %arg1, %mul3A_15 : i32
    "tpu.region"() ({
      %run_scoped3A = tpu.sem_alloc : memref<!tpu.dma_semaphore, #tpu.memory_space<semaphore_mem>>
      %dma_start3A = arith.constant 0 : i32
      %dma_start3A_17 = arith.constant 0 : i32
      %dma_start3A_18 = tpu.memref_slice %arg6[%arg0, %dma_start3A, %dma_start3A_17] : memref<2x10112x128xf32, #tpu.memory_space<hbm>> -> memref<1x10112x128xf32, #tpu.memory_space<hbm>>
      %dma_start3A_19 = tpu.memref_squeeze %dma_start3A_18 : memref<1x10112x128xf32, #tpu.memory_space<hbm>> -> memref<10112x128xf32, #tpu.memory_space<hbm>>
      %dma_start3A_20 = arith.constant 0 : i32
      %dma_start3A_21 = tpu.memref_slice %dma_start3A_19[%mul3A_16, %dma_start3A_20] : memref<10112x128xf32, #tpu.memory_space<hbm>> -> memref<632x128xf32, #tpu.memory_space<hbm>>
      %dma_start3A_22 = arith.constant 0 : i32
      %dma_start3A_23 = tpu.memref_slice %arg10[%mul3A_14, %dma_start3A_22] : memref<10112x128xf32, #tpu.memory_space<vmem_shared>> -> memref<632x128xf32, #tpu.memory_space<vmem_shared>>
      tpu.enqueue_dma source(%dma_start3A_23 : memref<632x128xf32, #tpu.memory_space<vmem_shared>>) target(%dma_start3A_21 : memref<632x128xf32, #tpu.memory_space<hbm>>) target_semaphore(%run_scoped3A : memref<!tpu.dma_semaphore, #tpu.memory_space<semaphore_mem>>)
      %dma_wait3A = arith.constant 0 : i32
      %dma_wait3A_24 = arith.constant 0 : i32
      %dma_wait3A_25 = tpu.memref_slice %arg6[%arg0, %dma_wait3A, %dma_wait3A_24] : memref<2x10112x128xf32, #tpu.memory_space<hbm>> -> memref<1x10112x128xf32, #tpu.memory_space<hbm>>
      %dma_wait3A_26 = tpu.memref_squeeze %dma_wait3A_25 : memref<1x10112x128xf32, #tpu.memory_space<hbm>> -> memref<10112x128xf32, #tpu.memory_space<hbm>>
      %dma_wait3A_27 = arith.constant 0 : i32
      %dma_wait3A_28 = tpu.memref_slice %dma_wait3A_26[%mul3A_16, %dma_wait3A_27] : memref<10112x128xf32, #tpu.memory_space<hbm>> -> memref<632x128xf32, #tpu.memory_space<hbm>>
      %dma_wait3A_29 = arith.constant 0 : i32
      %dma_wait3A_30 = tpu.memref_slice %arg10[%mul3A_14, %dma_wait3A_29] : memref<10112x128xf32, #tpu.memory_space<vmem_shared>> -> memref<632x128xf32, #tpu.memory_space<vmem_shared>>
      tpu.wait_dma2 semaphore(%run_scoped3A : memref<!tpu.dma_semaphore, #tpu.memory_space<semaphore_mem>>) src(%dma_wait3A_30 : memref<632x128xf32, #tpu.memory_space<vmem_shared>>) dst(%dma_wait3A_28 : memref<632x128xf32, #tpu.memory_space<hbm>>)
      tpu.yield
    }) : () -> ()
    return
  }
}

module attributes {stable_mosaic.version = 14 : i64} {
  func.func @_embed_body(%arg0: i32, %arg1: memref<2000x128xf32, #tpu.memory_space<vmem>>, %arg2: memref<128x128xf32, #tpu.memory_space<vmem>>, %arg3: memref<1x128xf32, #tpu.memory_space<vmem>>, %arg4: memref<1x128xf32, #tpu.memory_space<vmem>>, %arg5: memref<1x128xf32, #tpu.memory_space<vmem>>, %arg6: memref<2000x128xf32, #tpu.memory_space<vmem>>) attributes {dimension_semantics = [#tpu.dimension_semantics<arbitrary>], iteration_bounds = array<i64: 5>, scalar_prefetch = 0 : i64, scratch_operands = 0 : i64, tpu.core_type = #tpu.core_type<tc>, window_params = [{transform_indices = @transform_0, window_bounds = array<i64: 2000, 128>}, {pipeline_mode = #tpu.pipeline_mode<synchronous>, transform_indices = @transform_1, window_bounds = array<i64: 128, 128>}, {pipeline_mode = #tpu.pipeline_mode<synchronous>, transform_indices = @transform_2, window_bounds = array<i64: 1, 128>}, {pipeline_mode = #tpu.pipeline_mode<synchronous>, transform_indices = @transform_3, window_bounds = array<i64: 1, 128>}, {pipeline_mode = #tpu.pipeline_mode<synchronous>, transform_indices = @transform_4, window_bounds = array<i64: 1, 128>}, {transform_indices = @transform_5, window_bounds = array<i64: 2000, 128>}]} {
    %get3A = arith.constant 0 : index
    %get3A_0 = arith.constant 0 : index
    %get3A_1 = vector.load %arg1[%get3A, %get3A_0] : memref<2000x128xf32, #tpu.memory_space<vmem>>, vector<2000x128xf32>
    %get3A_2 = arith.constant 0 : index
    %get3A_3 = arith.constant 0 : index
    %get3A_4 = vector.load %arg2[%get3A_2, %get3A_3] : memref<128x128xf32, #tpu.memory_space<vmem>>, vector<128x128xf32>
    %dot_general3A = arith.constant dense<0.000000e+00> : vector<2000x128xf32>
    %dot_general3A_5 = tpu.matmul %get3A_1, %get3A_4, %dot_general3A {dimension_numbers = #tpu.dot_dimension_numbers<[1], [0], [0], [1], [0, 0, 1, 1], [], []>, transpose_lhs_hint = false} : vector<2000x128xf32>, vector<128x128xf32>, vector<2000x128xf32> -> vector<2000x128xf32>
    %get3A_6 = arith.constant 0 : index
    %get3A_7 = arith.constant 0 : index
    %get3A_8 = vector.load %arg3[%get3A_6, %get3A_7] : memref<1x128xf32, #tpu.memory_space<vmem>>, vector<1x128xf32>
    %add3A = vector.broadcast %get3A_8 : vector<1x128xf32> to vector<2000x128xf32>
    %add3A_9 = arith.addf %dot_general3A_5, %add3A : vector<2000x128xf32>
    %get3A_10 = arith.constant 0 : index
    %get3A_11 = arith.constant 0 : index
    %get3A_12 = vector.load %arg4[%get3A_10, %get3A_11] : memref<1x128xf32, #tpu.memory_space<vmem>>, vector<1x128xf32>
    %get3A_13 = arith.constant 0 : index
    %get3A_14 = arith.constant 0 : index
    %get3A_15 = vector.load %arg5[%get3A_13, %get3A_14] : memref<1x128xf32, #tpu.memory_space<vmem>>, vector<1x128xf32>
    %reduce_sum3A = arith.constant dense<0.000000e+00> : vector<2000xf32>
    %reduce_sum3A_16 = vector.multi_reduction <add>, %add3A_9, %reduce_sum3A [1] : vector<2000x128xf32> to vector<2000xf32>
    %broadcast_in_dim3A = vector.shape_cast %reduce_sum3A_16 : vector<2000xf32> to vector<2000x1xf32>
    %div3A = arith.constant 1.280000e+02 : f32
    %div3A_17 = vector.broadcast %div3A : f32 to vector<2000x1xf32>
    %div3A_18 = arith.divf %broadcast_in_dim3A, %div3A_17 : vector<2000x1xf32>
    %sub3A = vector.broadcast %div3A_18 : vector<2000x1xf32> to vector<2000x128xf32>
    %sub3A_19 = arith.subf %add3A_9, %sub3A : vector<2000x128xf32>
    %sub3A_20 = vector.broadcast %div3A_18 : vector<2000x1xf32> to vector<2000x128xf32>
    %sub3A_21 = arith.subf %add3A_9, %sub3A_20 : vector<2000x128xf32>
    %mul3A = arith.mulf %sub3A_19, %sub3A_21 : vector<2000x128xf32>
    %reduce_sum3A_22 = arith.constant dense<0.000000e+00> : vector<2000xf32>
    %reduce_sum3A_23 = vector.multi_reduction <add>, %mul3A, %reduce_sum3A_22 [1] : vector<2000x128xf32> to vector<2000xf32>
    %broadcast_in_dim3A_24 = vector.shape_cast %reduce_sum3A_23 : vector<2000xf32> to vector<2000x1xf32>
    %div3A_25 = arith.constant 1.280000e+02 : f32
    %div3A_26 = vector.broadcast %div3A_25 : f32 to vector<2000x1xf32>
    %div3A_27 = arith.divf %broadcast_in_dim3A_24, %div3A_26 : vector<2000x1xf32>
    %sub3A_28 = vector.broadcast %div3A_18 : vector<2000x1xf32> to vector<2000x128xf32>
    %sub3A_29 = arith.subf %add3A_9, %sub3A_28 : vector<2000x128xf32>
    %add3A_30 = arith.constant 9.99999974E-6 : f32
    %add3A_31 = vector.broadcast %add3A_30 : f32 to vector<2000x1xf32>
    %add3A_32 = arith.addf %div3A_27, %add3A_31 : vector<2000x1xf32>
    %rsqrt3A = math.rsqrt %add3A_32 : vector<2000x1xf32>
    %mul3A_33 = vector.broadcast %rsqrt3A : vector<2000x1xf32> to vector<2000x128xf32>
    %mul3A_34 = arith.mulf %sub3A_29, %mul3A_33 : vector<2000x128xf32>
    %mul3A_35 = vector.broadcast %get3A_12 : vector<1x128xf32> to vector<2000x128xf32>
    %mul3A_36 = arith.mulf %mul3A_34, %mul3A_35 : vector<2000x128xf32>
    %add3A_37 = vector.broadcast %get3A_15 : vector<1x128xf32> to vector<2000x128xf32>
    %add3A_38 = arith.addf %mul3A_36, %add3A_37 : vector<2000x128xf32>
    %max3A = arith.constant 0.000000e+00 : f32
    %max3A_39 = vector.broadcast %max3A : f32 to vector<2000x128xf32>
    %max3A_40 = arith.maximumf %add3A_38, %max3A_39 : vector<2000x128xf32>
    %swap3A = arith.constant 0 : index
    %swap3A_41 = arith.constant 0 : index
    %swap3A_42 = vector.load %arg6[%swap3A, %swap3A_41] : memref<2000x128xf32, #tpu.memory_space<vmem>>, vector<2000x128xf32>
    tpu.vector_store %arg6[%swap3A, %swap3A_41], %max3A_40 {strides = array<i32>} : memref<2000x128xf32, #tpu.memory_space<vmem>>, vector<2000x128xf32>,
    return
  }
  func.func @transform_0(%arg0: i32) -> (i32, i32) {
    %c0_i32 = arith.constant 0 : i32
    %c0_i32_0 = arith.constant 0 : i32
    return %arg0, %c0_i32 : i32, i32
  }
  func.func @transform_1(%arg0: i32) -> (i32, i32) {
    %c0_i32 = arith.constant 0 : i32
    %c0_i32_0 = arith.constant 0 : i32
    %c0_i32_1 = arith.constant 0 : i32
    return %c0_i32, %c0_i32_0 : i32, i32
  }
  func.func @transform_2(%arg0: i32) -> (i32, i32) {
    %c0_i32 = arith.constant 0 : i32
    %c0_i32_0 = arith.constant 0 : i32
    %c0_i32_1 = arith.constant 0 : i32
    return %c0_i32, %c0_i32_0 : i32, i32
  }
  func.func @transform_3(%arg0: i32) -> (i32, i32) {
    %c0_i32 = arith.constant 0 : i32
    %c0_i32_0 = arith.constant 0 : i32
    %c0_i32_1 = arith.constant 0 : i32
    return %c0_i32, %c0_i32_0 : i32, i32
  }
  func.func @transform_4(%arg0: i32) -> (i32, i32) {
    %c0_i32 = arith.constant 0 : i32
    %c0_i32_0 = arith.constant 0 : i32
    %c0_i32_1 = arith.constant 0 : i32
    return %c0_i32, %c0_i32_0 : i32, i32
  }
  func.func @transform_5(%arg0: i32) -> (i32, i32) {
    %c0_i32 = arith.constant 0 : i32
    %c0_i32_0 = arith.constant 0 : i32
    return %arg0, %c0_i32 : i32, i32
  }
}

module attributes {stable_mosaic.version = 14 : i64} {
  func.func @_dense_body(%arg0: i32, %arg1: memref<2000x128xf32, #tpu.memory_space<vmem>>, %arg2: memref<2000x128xf32, #tpu.memory_space<vmem>>, %arg3: memref<2000x128xf32, #tpu.memory_space<vmem>>, %arg4: memref<2000x16xf32, #tpu.memory_space<vmem>>, %arg5: memref<2000x16xf32, #tpu.memory_space<vmem>>, %arg6: memref<128x128xf32, #tpu.memory_space<vmem>>, %arg7: memref<128x128xf32, #tpu.memory_space<vmem>>, %arg8: memref<1x128xf32, #tpu.memory_space<vmem>>, %arg9: memref<1x128xf32, #tpu.memory_space<vmem>>, %arg10: memref<1x128xf32, #tpu.memory_space<vmem>>, %arg11: memref<2000x128xf32, #tpu.memory_space<vmem>>) attributes {dimension_semantics = [#tpu.dimension_semantics<arbitrary>], iteration_bounds = array<i64: 5>, scalar_prefetch = 0 : i64, scratch_operands = 0 : i64, tpu.core_type = #tpu.core_type<tc>, window_params = [{transform_indices = @transform_0, window_bounds = array<i64: 2000, 128>}, {transform_indices = @transform_1, window_bounds = array<i64: 2000, 128>}, {transform_indices = @transform_2, window_bounds = array<i64: 2000, 128>}, {transform_indices = @transform_3, window_bounds = array<i64: 2000, 16>}, {transform_indices = @transform_4, window_bounds = array<i64: 2000, 16>}, {pipeline_mode = #tpu.pipeline_mode<synchronous>, transform_indices = @transform_5, window_bounds = array<i64: 128, 128>}, {pipeline_mode = #tpu.pipeline_mode<synchronous>, transform_indices = @transform_6, window_bounds = array<i64: 128, 128>}, {pipeline_mode = #tpu.pipeline_mode<synchronous>, transform_indices = @transform_7, window_bounds = array<i64: 1, 128>}, {pipeline_mode = #tpu.pipeline_mode<synchronous>, transform_indices = @transform_8, window_bounds = array<i64: 1, 128>}, {pipeline_mode = #tpu.pipeline_mode<synchronous>, transform_indices = @transform_9, window_bounds = array<i64: 1, 128>}, {transform_indices = @transform_10, window_bounds = array<i64: 2000, 128>}]} {
    %get3A = arith.constant 0 : index
    %get3A_0 = arith.constant 0 : index
    %get3A_1 = vector.load %arg4[%get3A, %get3A_0] : memref<2000x16xf32, #tpu.memory_space<vmem>>, vector<2000x16xf32>
    %get3A_2 = arith.constant 0 : index
    %get3A_3 = arith.constant 0 : index
    %get3A_4 = vector.load %arg5[%get3A_2, %get3A_3] : memref<2000x16xf32, #tpu.memory_space<vmem>>, vector<2000x16xf32>
    %add3A = arith.addf %get3A_1, %get3A_4 : vector<2000x16xf32>
    %slice3A = vector.extract_strided_slice %add3A {offsets = [0, 0], sizes = [2000, 1], strides = [1, 1]} : vector<2000x16xf32> to vector<2000x1xf32>
    %max3A = arith.constant 1.000000e+00 : f32
    %max3A_5 = vector.broadcast %max3A : f32 to vector<2000x1xf32>
    %max3A_6 = arith.maximumf %slice3A, %max3A_5 : vector<2000x1xf32>
    %div3A = arith.constant 1.000000e+00 : f32
    %div3A_7 = vector.broadcast %div3A : f32 to vector<2000x1xf32>
    %div3A_8 = arith.divf %div3A_7, %max3A_6 : vector<2000x1xf32>
    %get3A_9 = arith.constant 0 : index
    %get3A_10 = arith.constant 0 : index
    %get3A_11 = vector.load %arg2[%get3A_9, %get3A_10] : memref<2000x128xf32, #tpu.memory_space<vmem>>, vector<2000x128xf32>
    %get3A_12 = arith.constant 0 : index
    %get3A_13 = arith.constant 0 : index
    %get3A_14 = vector.load %arg3[%get3A_12, %get3A_13] : memref<2000x128xf32, #tpu.memory_space<vmem>>, vector<2000x128xf32>
    %add3A_15 = arith.addf %get3A_11, %get3A_14 : vector<2000x128xf32>
    %mul3A = vector.broadcast %div3A_8 : vector<2000x1xf32> to vector<2000x128xf32>
    %mul3A_16 = arith.mulf %add3A_15, %mul3A : vector<2000x128xf32>
    %get3A_17 = arith.constant 0 : index
    %get3A_18 = arith.constant 0 : index
    %get3A_19 = vector.load %arg1[%get3A_17, %get3A_18] : memref<2000x128xf32, #tpu.memory_space<vmem>>, vector<2000x128xf32>
    %get3A_20 = arith.constant 0 : index
    %get3A_21 = arith.constant 0 : index
    %get3A_22 = vector.load %arg6[%get3A_20, %get3A_21] : memref<128x128xf32, #tpu.memory_space<vmem>>, vector<128x128xf32>
    %dot_general3A = arith.constant dense<0.000000e+00> : vector<2000x128xf32>
    %dot_general3A_23 = tpu.matmul %get3A_19, %get3A_22, %dot_general3A {dimension_numbers = #tpu.dot_dimension_numbers<[1], [0], [0], [1], [0, 0, 1, 1], [], []>, transpose_lhs_hint = false} : vector<2000x128xf32>, vector<128x128xf32>, vector<2000x128xf32> -> vector<2000x128xf32>
    %get3A_24 = arith.constant 0 : index
    %get3A_25 = arith.constant 0 : index
    %get3A_26 = vector.load %arg7[%get3A_24, %get3A_25] : memref<128x128xf32, #tpu.memory_space<vmem>>, vector<128x128xf32>
    %dot_general3A_27 = arith.constant dense<0.000000e+00> : vector<2000x128xf32>
    %dot_general3A_28 = tpu.matmul %mul3A_16, %get3A_26, %dot_general3A_27 {dimension_numbers = #tpu.dot_dimension_numbers<[1], [0], [0], [1], [0, 0, 1, 1], [], []>, transpose_lhs_hint = false} : vector<2000x128xf32>, vector<128x128xf32>, vector<2000x128xf32> -> vector<2000x128xf32>
    %add3A_29 = arith.addf %dot_general3A_23, %dot_general3A_28 : vector<2000x128xf32>
    %get3A_30 = arith.constant 0 : index
    %get3A_31 = arith.constant 0 : index
    %get3A_32 = vector.load %arg8[%get3A_30, %get3A_31] : memref<1x128xf32, #tpu.memory_space<vmem>>, vector<1x128xf32>
    %add3A_33 = vector.broadcast %get3A_32 : vector<1x128xf32> to vector<2000x128xf32>
    %add3A_34 = arith.addf %add3A_29, %add3A_33 : vector<2000x128xf32>
    %get3A_35 = arith.constant 0 : index
    %get3A_36 = arith.constant 0 : index
    %get3A_37 = vector.load %arg9[%get3A_35, %get3A_36] : memref<1x128xf32, #tpu.memory_space<vmem>>, vector<1x128xf32>
    %get3A_38 = arith.constant 0 : index
    %get3A_39 = arith.constant 0 : index
    %get3A_40 = vector.load %arg10[%get3A_38, %get3A_39] : memref<1x128xf32, #tpu.memory_space<vmem>>, vector<1x128xf32>
    %reduce_sum3A = arith.constant dense<0.000000e+00> : vector<2000xf32>
    %reduce_sum3A_41 = vector.multi_reduction <add>, %add3A_34, %reduce_sum3A [1] : vector<2000x128xf32> to vector<2000xf32>
    %broadcast_in_dim3A = vector.shape_cast %reduce_sum3A_41 : vector<2000xf32> to vector<2000x1xf32>
    %div3A_42 = arith.constant 1.280000e+02 : f32
    %div3A_43 = vector.broadcast %div3A_42 : f32 to vector<2000x1xf32>
    %div3A_44 = arith.divf %broadcast_in_dim3A, %div3A_43 : vector<2000x1xf32>
    %sub3A = vector.broadcast %div3A_44 : vector<2000x1xf32> to vector<2000x128xf32>
    %sub3A_45 = arith.subf %add3A_34, %sub3A : vector<2000x128xf32>
    %sub3A_46 = vector.broadcast %div3A_44 : vector<2000x1xf32> to vector<2000x128xf32>
    %sub3A_47 = arith.subf %add3A_34, %sub3A_46 : vector<2000x128xf32>
    %mul3A_48 = arith.mulf %sub3A_45, %sub3A_47 : vector<2000x128xf32>
    %reduce_sum3A_49 = arith.constant dense<0.000000e+00> : vector<2000xf32>
    %reduce_sum3A_50 = vector.multi_reduction <add>, %mul3A_48, %reduce_sum3A_49 [1] : vector<2000x128xf32> to vector<2000xf32>
    %broadcast_in_dim3A_51 = vector.shape_cast %reduce_sum3A_50 : vector<2000xf32> to vector<2000x1xf32>
    %div3A_52 = arith.constant 1.280000e+02 : f32
    %div3A_53 = vector.broadcast %div3A_52 : f32 to vector<2000x1xf32>
    %div3A_54 = arith.divf %broadcast_in_dim3A_51, %div3A_53 : vector<2000x1xf32>
    %sub3A_55 = vector.broadcast %div3A_44 : vector<2000x1xf32> to vector<2000x128xf32>
    %sub3A_56 = arith.subf %add3A_34, %sub3A_55 : vector<2000x128xf32>
    %add3A_57 = arith.constant 9.99999974E-6 : f32
    %add3A_58 = vector.broadcast %add3A_57 : f32 to vector<2000x1xf32>
    %add3A_59 = arith.addf %div3A_54, %add3A_58 : vector<2000x1xf32>
    %rsqrt3A = math.rsqrt %add3A_59 : vector<2000x1xf32>
    %mul3A_60 = vector.broadcast %rsqrt3A : vector<2000x1xf32> to vector<2000x128xf32>
    %mul3A_61 = arith.mulf %sub3A_56, %mul3A_60 : vector<2000x128xf32>
    %mul3A_62 = vector.broadcast %get3A_37 : vector<1x128xf32> to vector<2000x128xf32>
    %mul3A_63 = arith.mulf %mul3A_61, %mul3A_62 : vector<2000x128xf32>
    %add3A_64 = vector.broadcast %get3A_40 : vector<1x128xf32> to vector<2000x128xf32>
    %add3A_65 = arith.addf %mul3A_63, %add3A_64 : vector<2000x128xf32>
    %max3A_66 = arith.constant 0.000000e+00 : f32
    %max3A_67 = vector.broadcast %max3A_66 : f32 to vector<2000x128xf32>
    %max3A_68 = arith.maximumf %add3A_65, %max3A_67 : vector<2000x128xf32>
    %swap3A = arith.constant 0 : index
    %swap3A_69 = arith.constant 0 : index
    %swap3A_70 = vector.load %arg11[%swap3A, %swap3A_69] : memref<2000x128xf32, #tpu.memory_space<vmem>>, vector<2000x128xf32>
    tpu.vector_store %arg11[%swap3A, %swap3A_69], %max3A_68 {strides = array<i32>} : memref<2000x128xf32, #tpu.memory_space<vmem>>, vector<2000x128xf32>,
    return
  }
  func.func @transform_0(%arg0: i32) -> (i32, i32) {
    %c0_i32 = arith.constant 0 : i32
    %c0_i32_0 = arith.constant 0 : i32
    return %arg0, %c0_i32 : i32, i32
  }
  func.func @transform_1(%arg0: i32) -> (i32, i32) {
    %c0_i32 = arith.constant 0 : i32
    %c0_i32_0 = arith.constant 0 : i32
    return %arg0, %c0_i32 : i32, i32
  }
  func.func @transform_2(%arg0: i32) -> (i32, i32) {
    %c0_i32 = arith.constant 0 : i32
    %c0_i32_0 = arith.constant 0 : i32
    return %arg0, %c0_i32 : i32, i32
  }
  func.func @transform_3(%arg0: i32) -> (i32, i32) {
    %c0_i32 = arith.constant 0 : i32
    %c0_i32_0 = arith.constant 0 : i32
    return %arg0, %c0_i32 : i32, i32
  }
  func.func @transform_4(%arg0: i32) -> (i32, i32) {
    %c0_i32 = arith.constant 0 : i32
    %c0_i32_0 = arith.constant 0 : i32
    return %arg0, %c0_i32 : i32, i32
  }
  func.func @transform_5(%arg0: i32) -> (i32, i32) {
    %c0_i32 = arith.constant 0 : i32
    %c0_i32_0 = arith.constant 0 : i32
    %c0_i32_1 = arith.constant 0 : i32
    return %c0_i32, %c0_i32_0 : i32, i32
  }
  func.func @transform_6(%arg0: i32) -> (i32, i32) {
    %c0_i32 = arith.constant 0 : i32
    %c0_i32_0 = arith.constant 0 : i32
    %c0_i32_1 = arith.constant 0 : i32
    return %c0_i32, %c0_i32_0 : i32, i32
  }
  func.func @transform_7(%arg0: i32) -> (i32, i32) {
    %c0_i32 = arith.constant 0 : i32
    %c0_i32_0 = arith.constant 0 : i32
    %c0_i32_1 = arith.constant 0 : i32
    return %c0_i32, %c0_i32_0 : i32, i32
  }
  func.func @transform_8(%arg0: i32) -> (i32, i32) {
    %c0_i32 = arith.constant 0 : i32
    %c0_i32_0 = arith.constant 0 : i32
    %c0_i32_1 = arith.constant 0 : i32
    return %c0_i32, %c0_i32_0 : i32, i32
  }
  func.func @transform_9(%arg0: i32) -> (i32, i32) {
    %c0_i32 = arith.constant 0 : i32
    %c0_i32_0 = arith.constant 0 : i32
    %c0_i32_1 = arith.constant 0 : i32
    return %c0_i32, %c0_i32_0 : i32, i32
  }
  func.func @transform_10(%arg0: i32) -> (i32, i32) {
    %c0_i32 = arith.constant 0 : i32
    %c0_i32_0 = arith.constant 0 : i32
    return %arg0, %c0_i32 : i32, i32
  }
}

module attributes {stable_mosaic.version = 14 : i64} {
  func.func @_dense_body(%arg0: i32, %arg1: memref<2000x128xf32, #tpu.memory_space<vmem>>, %arg2: memref<2000x128xf32, #tpu.memory_space<vmem>>, %arg3: memref<2000x128xf32, #tpu.memory_space<vmem>>, %arg4: memref<2000x16xf32, #tpu.memory_space<vmem>>, %arg5: memref<2000x16xf32, #tpu.memory_space<vmem>>, %arg6: memref<128x128xf32, #tpu.memory_space<vmem>>, %arg7: memref<128x128xf32, #tpu.memory_space<vmem>>, %arg8: memref<1x128xf32, #tpu.memory_space<vmem>>, %arg9: memref<1x128xf32, #tpu.memory_space<vmem>>, %arg10: memref<1x128xf32, #tpu.memory_space<vmem>>, %arg11: memref<2000x128xf32, #tpu.memory_space<vmem>>) attributes {dimension_semantics = [#tpu.dimension_semantics<arbitrary>], iteration_bounds = array<i64: 5>, scalar_prefetch = 0 : i64, scratch_operands = 0 : i64, tpu.core_type = #tpu.core_type<tc>, window_params = [{transform_indices = @transform_0, window_bounds = array<i64: 2000, 128>}, {transform_indices = @transform_1, window_bounds = array<i64: 2000, 128>}, {transform_indices = @transform_2, window_bounds = array<i64: 2000, 128>}, {transform_indices = @transform_3, window_bounds = array<i64: 2000, 16>}, {transform_indices = @transform_4, window_bounds = array<i64: 2000, 16>}, {pipeline_mode = #tpu.pipeline_mode<synchronous>, transform_indices = @transform_5, window_bounds = array<i64: 128, 128>}, {pipeline_mode = #tpu.pipeline_mode<synchronous>, transform_indices = @transform_6, window_bounds = array<i64: 128, 128>}, {pipeline_mode = #tpu.pipeline_mode<synchronous>, transform_indices = @transform_7, window_bounds = array<i64: 1, 128>}, {pipeline_mode = #tpu.pipeline_mode<synchronous>, transform_indices = @transform_8, window_bounds = array<i64: 1, 128>}, {pipeline_mode = #tpu.pipeline_mode<synchronous>, transform_indices = @transform_9, window_bounds = array<i64: 1, 128>}, {transform_indices = @transform_10, window_bounds = array<i64: 2000, 128>}]} {
    %get3A = arith.constant 0 : index
    %get3A_0 = arith.constant 0 : index
    %get3A_1 = vector.load %arg4[%get3A, %get3A_0] : memref<2000x16xf32, #tpu.memory_space<vmem>>, vector<2000x16xf32>
    %get3A_2 = arith.constant 0 : index
    %get3A_3 = arith.constant 0 : index
    %get3A_4 = vector.load %arg5[%get3A_2, %get3A_3] : memref<2000x16xf32, #tpu.memory_space<vmem>>, vector<2000x16xf32>
    %add3A = arith.addf %get3A_1, %get3A_4 : vector<2000x16xf32>
    %slice3A = vector.extract_strided_slice %add3A {offsets = [0, 0], sizes = [2000, 1], strides = [1, 1]} : vector<2000x16xf32> to vector<2000x1xf32>
    %max3A = arith.constant 1.000000e+00 : f32
    %max3A_5 = vector.broadcast %max3A : f32 to vector<2000x1xf32>
    %max3A_6 = arith.maximumf %slice3A, %max3A_5 : vector<2000x1xf32>
    %div3A = arith.constant 1.000000e+00 : f32
    %div3A_7 = vector.broadcast %div3A : f32 to vector<2000x1xf32>
    %div3A_8 = arith.divf %div3A_7, %max3A_6 : vector<2000x1xf32>
    %get3A_9 = arith.constant 0 : index
    %get3A_10 = arith.constant 0 : index
    %get3A_11 = vector.load %arg2[%get3A_9, %get3A_10] : memref<2000x128xf32, #tpu.memory_space<vmem>>, vector<2000x128xf32>
    %get3A_12 = arith.constant 0 : index
    %get3A_13 = arith.constant 0 : index
    %get3A_14 = vector.load %arg3[%get3A_12, %get3A_13] : memref<2000x128xf32, #tpu.memory_space<vmem>>, vector<2000x128xf32>
    %add3A_15 = arith.addf %get3A_11, %get3A_14 : vector<2000x128xf32>
    %mul3A = vector.broadcast %div3A_8 : vector<2000x1xf32> to vector<2000x128xf32>
    %mul3A_16 = arith.mulf %add3A_15, %mul3A : vector<2000x128xf32>
    %get3A_17 = arith.constant 0 : index
    %get3A_18 = arith.constant 0 : index
    %get3A_19 = vector.load %arg1[%get3A_17, %get3A_18] : memref<2000x128xf32, #tpu.memory_space<vmem>>, vector<2000x128xf32>
    %get3A_20 = arith.constant 0 : index
    %get3A_21 = arith.constant 0 : index
    %get3A_22 = vector.load %arg6[%get3A_20, %get3A_21] : memref<128x128xf32, #tpu.memory_space<vmem>>, vector<128x128xf32>
    %dot_general3A = arith.constant dense<0.000000e+00> : vector<2000x128xf32>
    %dot_general3A_23 = tpu.matmul %get3A_19, %get3A_22, %dot_general3A {dimension_numbers = #tpu.dot_dimension_numbers<[1], [0], [0], [1], [0, 0, 1, 1], [], []>, transpose_lhs_hint = false} : vector<2000x128xf32>, vector<128x128xf32>, vector<2000x128xf32> -> vector<2000x128xf32>
    %get3A_24 = arith.constant 0 : index
    %get3A_25 = arith.constant 0 : index
    %get3A_26 = vector.load %arg7[%get3A_24, %get3A_25] : memref<128x128xf32, #tpu.memory_space<vmem>>, vector<128x128xf32>
    %dot_general3A_27 = arith.constant dense<0.000000e+00> : vector<2000x128xf32>
    %dot_general3A_28 = tpu.matmul %mul3A_16, %get3A_26, %dot_general3A_27 {dimension_numbers = #tpu.dot_dimension_numbers<[1], [0], [0], [1], [0, 0, 1, 1], [], []>, transpose_lhs_hint = false} : vector<2000x128xf32>, vector<128x128xf32>, vector<2000x128xf32> -> vector<2000x128xf32>
    %add3A_29 = arith.addf %dot_general3A_23, %dot_general3A_28 : vector<2000x128xf32>
    %get3A_30 = arith.constant 0 : index
    %get3A_31 = arith.constant 0 : index
    %get3A_32 = vector.load %arg8[%get3A_30, %get3A_31] : memref<1x128xf32, #tpu.memory_space<vmem>>, vector<1x128xf32>
    %add3A_33 = vector.broadcast %get3A_32 : vector<1x128xf32> to vector<2000x128xf32>
    %add3A_34 = arith.addf %add3A_29, %add3A_33 : vector<2000x128xf32>
    %get3A_35 = arith.constant 0 : index
    %get3A_36 = arith.constant 0 : index
    %get3A_37 = vector.load %arg9[%get3A_35, %get3A_36] : memref<1x128xf32, #tpu.memory_space<vmem>>, vector<1x128xf32>
    %get3A_38 = arith.constant 0 : index
    %get3A_39 = arith.constant 0 : index
    %get3A_40 = vector.load %arg10[%get3A_38, %get3A_39] : memref<1x128xf32, #tpu.memory_space<vmem>>, vector<1x128xf32>
    %reduce_sum3A = arith.constant dense<0.000000e+00> : vector<2000xf32>
    %reduce_sum3A_41 = vector.multi_reduction <add>, %add3A_34, %reduce_sum3A [1] : vector<2000x128xf32> to vector<2000xf32>
    %broadcast_in_dim3A = vector.shape_cast %reduce_sum3A_41 : vector<2000xf32> to vector<2000x1xf32>
    %div3A_42 = arith.constant 1.280000e+02 : f32
    %div3A_43 = vector.broadcast %div3A_42 : f32 to vector<2000x1xf32>
    %div3A_44 = arith.divf %broadcast_in_dim3A, %div3A_43 : vector<2000x1xf32>
    %sub3A = vector.broadcast %div3A_44 : vector<2000x1xf32> to vector<2000x128xf32>
    %sub3A_45 = arith.subf %add3A_34, %sub3A : vector<2000x128xf32>
    %sub3A_46 = vector.broadcast %div3A_44 : vector<2000x1xf32> to vector<2000x128xf32>
    %sub3A_47 = arith.subf %add3A_34, %sub3A_46 : vector<2000x128xf32>
    %mul3A_48 = arith.mulf %sub3A_45, %sub3A_47 : vector<2000x128xf32>
    %reduce_sum3A_49 = arith.constant dense<0.000000e+00> : vector<2000xf32>
    %reduce_sum3A_50 = vector.multi_reduction <add>, %mul3A_48, %reduce_sum3A_49 [1] : vector<2000x128xf32> to vector<2000xf32>
    %broadcast_in_dim3A_51 = vector.shape_cast %reduce_sum3A_50 : vector<2000xf32> to vector<2000x1xf32>
    %div3A_52 = arith.constant 1.280000e+02 : f32
    %div3A_53 = vector.broadcast %div3A_52 : f32 to vector<2000x1xf32>
    %div3A_54 = arith.divf %broadcast_in_dim3A_51, %div3A_53 : vector<2000x1xf32>
    %sub3A_55 = vector.broadcast %div3A_44 : vector<2000x1xf32> to vector<2000x128xf32>
    %sub3A_56 = arith.subf %add3A_34, %sub3A_55 : vector<2000x128xf32>
    %add3A_57 = arith.constant 9.99999974E-6 : f32
    %add3A_58 = vector.broadcast %add3A_57 : f32 to vector<2000x1xf32>
    %add3A_59 = arith.addf %div3A_54, %add3A_58 : vector<2000x1xf32>
    %rsqrt3A = math.rsqrt %add3A_59 : vector<2000x1xf32>
    %mul3A_60 = vector.broadcast %rsqrt3A : vector<2000x1xf32> to vector<2000x128xf32>
    %mul3A_61 = arith.mulf %sub3A_56, %mul3A_60 : vector<2000x128xf32>
    %mul3A_62 = vector.broadcast %get3A_37 : vector<1x128xf32> to vector<2000x128xf32>
    %mul3A_63 = arith.mulf %mul3A_61, %mul3A_62 : vector<2000x128xf32>
    %add3A_64 = vector.broadcast %get3A_40 : vector<1x128xf32> to vector<2000x128xf32>
    %add3A_65 = arith.addf %mul3A_63, %add3A_64 : vector<2000x128xf32>
    %max3A_66 = arith.constant 0.000000e+00 : f32
    %max3A_67 = vector.broadcast %max3A_66 : f32 to vector<2000x128xf32>
    %max3A_68 = arith.maximumf %add3A_65, %max3A_67 : vector<2000x128xf32>
    %swap3A = arith.constant 0 : index
    %swap3A_69 = arith.constant 0 : index
    %swap3A_70 = vector.load %arg11[%swap3A, %swap3A_69] : memref<2000x128xf32, #tpu.memory_space<vmem>>, vector<2000x128xf32>
    tpu.vector_store %arg11[%swap3A, %swap3A_69], %max3A_68 {strides = array<i32>} : memref<2000x128xf32, #tpu.memory_space<vmem>>, vector<2000x128xf32>,
    return
  }
  func.func @transform_0(%arg0: i32) -> (i32, i32) {
    %c0_i32 = arith.constant 0 : i32
    %c0_i32_0 = arith.constant 0 : i32
    return %arg0, %c0_i32 : i32, i32
  }
  func.func @transform_1(%arg0: i32) -> (i32, i32) {
    %c0_i32 = arith.constant 0 : i32
    %c0_i32_0 = arith.constant 0 : i32
    return %arg0, %c0_i32 : i32, i32
  }
  func.func @transform_2(%arg0: i32) -> (i32, i32) {
    %c0_i32 = arith.constant 0 : i32
    %c0_i32_0 = arith.constant 0 : i32
    return %arg0, %c0_i32 : i32, i32
  }
  func.func @transform_3(%arg0: i32) -> (i32, i32) {
    %c0_i32 = arith.constant 0 : i32
    %c0_i32_0 = arith.constant 0 : i32
    return %arg0, %c0_i32 : i32, i32
  }
  func.func @transform_4(%arg0: i32) -> (i32, i32) {
    %c0_i32 = arith.constant 0 : i32
    %c0_i32_0 = arith.constant 0 : i32
    return %arg0, %c0_i32 : i32, i32
  }
  func.func @transform_5(%arg0: i32) -> (i32, i32) {
    %c0_i32 = arith.constant 0 : i32
    %c0_i32_0 = arith.constant 0 : i32
    %c0_i32_1 = arith.constant 0 : i32
    return %c0_i32, %c0_i32_0 : i32, i32
  }
  func.func @transform_6(%arg0: i32) -> (i32, i32) {
    %c0_i32 = arith.constant 0 : i32
    %c0_i32_0 = arith.constant 0 : i32
    %c0_i32_1 = arith.constant 0 : i32
    return %c0_i32, %c0_i32_0 : i32, i32
  }
  func.func @transform_7(%arg0: i32) -> (i32, i32) {
    %c0_i32 = arith.constant 0 : i32
    %c0_i32_0 = arith.constant 0 : i32
    %c0_i32_1 = arith.constant 0 : i32
    return %c0_i32, %c0_i32_0 : i32, i32
  }
  func.func @transform_8(%arg0: i32) -> (i32, i32) {
    %c0_i32 = arith.constant 0 : i32
    %c0_i32_0 = arith.constant 0 : i32
    %c0_i32_1 = arith.constant 0 : i32
    return %c0_i32, %c0_i32_0 : i32, i32
  }
  func.func @transform_9(%arg0: i32) -> (i32, i32) {
    %c0_i32 = arith.constant 0 : i32
    %c0_i32_0 = arith.constant 0 : i32
    %c0_i32_1 = arith.constant 0 : i32
    return %c0_i32, %c0_i32_0 : i32, i32
  }
  func.func @transform_10(%arg0: i32) -> (i32, i32) {
    %c0_i32 = arith.constant 0 : i32
    %c0_i32_0 = arith.constant 0 : i32
    return %arg0, %c0_i32 : i32, i32
  }
}

module attributes {stable_mosaic.version = 14 : i64} {
  func.func @_pool_body(%arg0: i32, %arg1: memref<512x128xf32, #tpu.memory_space<vmem>>, %arg2: memref<512x1xi32, #tpu.memory_space<vmem>>, %arg3: memref<16x128xf32, #tpu.memory_space<vmem>>, %arg4: memref<16x128xf32, #tpu.memory_space<vmem>>, %arg5: memref<16x128xf32, #tpu.memory_space<vmem>>, %arg6: memref<16x128xf32, #tpu.memory_space<vmem>>, %arg7: memref<16x128xf32, #tpu.memory_space<vmem>>) attributes {dimension_semantics = [#tpu.dimension_semantics<arbitrary>], iteration_bounds = array<i64: 20>, scalar_prefetch = 0 : i64, scratch_operands = 3 : i64, tpu.core_type = #tpu.core_type<tc>, window_params = [{transform_indices = @transform_0, window_bounds = array<i64: 512, 128>}, {transform_indices = @transform_1, window_bounds = array<i64: 512, 1>}, {pipeline_mode = #tpu.pipeline_mode<synchronous>, transform_indices = @transform_2, window_bounds = array<i64: 16, 128>}, {pipeline_mode = #tpu.pipeline_mode<synchronous>, transform_indices = @transform_3, window_bounds = array<i64: 16, 128>}]} {
    %eq3A = arith.constant 0 : i32
    %eq3A_0 = arith.cmpi eq, %arg0, %eq3A : i32
    %convert_element_type3A = arith.extui %eq3A_0 : i1 to i32
    %cond3A = arith.constant 0 : i32
    %cond3A_1 = arith.cmpi ne, %convert_element_type3A, %cond3A : i32
    scf.if %cond3A_1 {
      %broadcast_in_dim3A_287 = arith.constant 0.000000e+00 : f32
      %broadcast_in_dim3A_288 = vector.broadcast %broadcast_in_dim3A_287 : f32 to vector<16x128xf32>
      %swap3A_289 = arith.constant 0 : index
      %swap3A_290 = arith.constant 0 : index
      %swap3A_291 = vector.load %arg5[%swap3A_289, %swap3A_290] : memref<16x128xf32, #tpu.memory_space<vmem>>, vector<16x128xf32>
      tpu.vector_store %arg5[%swap3A_289, %swap3A_290], %broadcast_in_dim3A_288 {strides = array<i32>} : memref<16x128xf32, #tpu.memory_space<vmem>>, vector<16x128xf32>,
      %broadcast_in_dim3A_292 = arith.constant 0.000000e+00 : f32
      %broadcast_in_dim3A_293 = vector.broadcast %broadcast_in_dim3A_292 : f32 to vector<16x128xf32>
      %swap3A_294 = arith.constant 0 : index
      %swap3A_295 = arith.constant 0 : index
      %swap3A_296 = vector.load %arg6[%swap3A_294, %swap3A_295] : memref<16x128xf32, #tpu.memory_space<vmem>>, vector<16x128xf32>
      tpu.vector_store %arg6[%swap3A_294, %swap3A_295], %broadcast_in_dim3A_293 {strides = array<i32>} : memref<16x128xf32, #tpu.memory_space<vmem>>, vector<16x128xf32>,
      %broadcast_in_dim3A_297 = arith.constant 0xFF800000 : f32
      %broadcast_in_dim3A_298 = vector.broadcast %broadcast_in_dim3A_297 : f32 to vector<16x128xf32>
      %swap3A_299 = arith.constant 0 : index
      %swap3A_300 = arith.constant 0 : index
      %swap3A_301 = vector.load %arg7[%swap3A_299, %swap3A_300] : memref<16x128xf32, #tpu.memory_space<vmem>>, vector<16x128xf32>
      tpu.vector_store %arg7[%swap3A_299, %swap3A_300], %broadcast_in_dim3A_298 {strides = array<i32>} : memref<16x128xf32, #tpu.memory_space<vmem>>, vector<16x128xf32>,
    } else {
    }
    %get3A = arith.constant 0 : index
    %get3A_2 = arith.constant 0 : index
    %get3A_3 = vector.load %arg1[%get3A, %get3A_2] : memref<512x128xf32, #tpu.memory_space<vmem>>, vector<512x128xf32>
    %get3A_4 = arith.constant 0 : index
    %get3A_5 = arith.constant 0 : index
    %get3A_6 = vector.load %arg2[%get3A_4, %get3A_5] : memref<512x1xi32, #tpu.memory_space<vmem>>, vector<512x1xi32>
    %iota3A = tpu.iota {dimensions = array<i32: 1>} : vector<512x16xi32>
    %eq3A_7 = vector.broadcast %get3A_6 : vector<512x1xi32> to vector<512x16xi32>
    %eq3A_8 = arith.cmpi eq, %eq3A_7, %iota3A : vector<512x16xi32>
    %convert_element_type3A_9 = arith.extui %eq3A_8 : vector<512x16xi1> to vector<512x16xi32>
    %convert_element_type3A_10 = arith.sitofp %convert_element_type3A_9 : vector<512x16xi32> to vector<512x16xf32>
    %get3A_11 = arith.constant 0 : index
    %get3A_12 = arith.constant 0 : index
    %get3A_13 = vector.load %arg5[%get3A_11, %get3A_12] : memref<16x128xf32, #tpu.memory_space<vmem>>, vector<16x128xf32>
    %dot_general3A = arith.constant dense<0.000000e+00> : vector<16x128xf32>
    %dot_general3A_14 = tpu.matmul %convert_element_type3A_10, %get3A_3, %dot_general3A {dimension_numbers = #tpu.dot_dimension_numbers<[0], [0], [1], [1], [0, 1, 1, 1], [], []>, transpose_lhs_hint = false} : vector<512x16xf32>, vector<512x128xf32>, vector<16x128xf32> -> vector<16x128xf32>
    %add3A = arith.addf %get3A_13, %dot_general3A_14 : vector<16x128xf32>
    %swap3A = arith.constant 0 : index
    %swap3A_15 = arith.constant 0 : index
    %swap3A_16 = vector.load %arg5[%swap3A, %swap3A_15] : memref<16x128xf32, #tpu.memory_space<vmem>>, vector<16x128xf32>
    tpu.vector_store %arg5[%swap3A, %swap3A_15], %add3A {strides = array<i32>} : memref<16x128xf32, #tpu.memory_space<vmem>>, vector<16x128xf32>,
    %get3A_17 = arith.constant 0 : index
    %get3A_18 = arith.constant 0 : index
    %get3A_19 = vector.load %arg6[%get3A_17, %get3A_18] : memref<16x128xf32, #tpu.memory_space<vmem>>, vector<16x128xf32>
    %broadcast_in_dim3A = arith.constant 1.000000e+00 : f32
    %broadcast_in_dim3A_20 = vector.broadcast %broadcast_in_dim3A : f32 to vector<512x128xf32>
    %dot_general3A_21 = arith.constant dense<0.000000e+00> : vector<16x128xf32>
    %dot_general3A_22 = tpu.matmul %convert_element_type3A_10, %broadcast_in_dim3A_20, %dot_general3A_21 {dimension_numbers = #tpu.dot_dimension_numbers<[0], [0], [1], [1], [0, 1, 1, 1], [], []>, transpose_lhs_hint = false} : vector<512x16xf32>, vector<512x128xf32>, vector<16x128xf32> -> vector<16x128xf32>
    %add3A_23 = arith.addf %get3A_19, %dot_general3A_22 : vector<16x128xf32>
    %swap3A_24 = arith.constant 0 : index
    %swap3A_25 = arith.constant 0 : index
    %swap3A_26 = vector.load %arg6[%swap3A_24, %swap3A_25] : memref<16x128xf32, #tpu.memory_space<vmem>>, vector<16x128xf32>
    tpu.vector_store %arg6[%swap3A_24, %swap3A_25], %add3A_23 {strides = array<i32>} : memref<16x128xf32, #tpu.memory_space<vmem>>, vector<16x128xf32>,
    %broadcast_in_dim3A_27 = arith.constant 0xFF800000 : f32
    %broadcast_in_dim3A_28 = vector.broadcast %broadcast_in_dim3A_27 : f32 to vector<512x128xf32>
    %eq3A_29 = arith.constant 0 : i32
    %eq3A_30 = vector.broadcast %eq3A_29 : i32 to vector<512x1xi32>
    %eq3A_31 = arith.cmpi eq, %get3A_6, %eq3A_30 : vector<512x1xi32>
    %broadcast_in_dim3A_32 = vector.shape_cast %eq3A_31 : vector<512x1xi1> to vector<512x1xi1>
    %broadcast_in_dim3A_33 = vector.broadcast %broadcast_in_dim3A_32 : vector<512x1xi1> to vector<512x128xi1>
    %select_n3A = arith.select %broadcast_in_dim3A_33, %get3A_3, %broadcast_in_dim3A_28 : vector<512x128xi1>, vector<512x128xf32>
    %reduce_max3A = arith.constant dense<0xFF800000> : vector<128xf32>
    %reduce_max3A_34 = vector.multi_reduction <maximumf>, %select_n3A, %reduce_max3A [0] : vector<512x128xf32> to vector<128xf32>
    %broadcast_in_dim3A_35 = vector.shape_cast %reduce_max3A_34 : vector<128xf32> to vector<1x128xf32>
    %get3A_36 = arith.constant 0 : index
    %get3A_37 = arith.constant 0 : index
    %get3A_38 = vector.load %arg7[%get3A_36, %get3A_37] : memref<16x128xf32, #tpu.memory_space<vmem>>, vector<1x128xf32>
    %max3A = arith.maximumf %get3A_38, %broadcast_in_dim3A_35 : vector<1x128xf32>
    %swap3A_39 = arith.constant 0 : index
    %swap3A_40 = arith.constant 0 : index
    %swap3A_41 = vector.load %arg7[%swap3A_39, %swap3A_40] : memref<16x128xf32, #tpu.memory_space<vmem>>, vector<1x128xf32>
    tpu.vector_store %arg7[%swap3A_39, %swap3A_40], %max3A {strides = array<i32>} : memref<16x128xf32, #tpu.memory_space<vmem>>, vector<1x128xf32>,
    %eq3A_42 = arith.constant 1 : i32
    %eq3A_43 = vector.broadcast %eq3A_42 : i32 to vector<512x1xi32>
    %eq3A_44 = arith.cmpi eq, %get3A_6, %eq3A_43 : vector<512x1xi32>
    %broadcast_in_dim3A_45 = vector.shape_cast %eq3A_44 : vector<512x1xi1> to vector<512x1xi1>
    %broadcast_in_dim3A_46 = vector.broadcast %broadcast_in_dim3A_45 : vector<512x1xi1> to vector<512x128xi1>
    %select_n3A_47 = arith.select %broadcast_in_dim3A_46, %get3A_3, %broadcast_in_dim3A_28 : vector<512x128xi1>, vector<512x128xf32>
    %reduce_max3A_48 = arith.constant dense<0xFF800000> : vector<128xf32>
    %reduce_max3A_49 = vector.multi_reduction <maximumf>, %select_n3A_47, %reduce_max3A_48 [0] : vector<512x128xf32> to vector<128xf32>
    %broadcast_in_dim3A_50 = vector.shape_cast %reduce_max3A_49 : vector<128xf32> to vector<1x128xf32>
    %get3A_51 = arith.constant 1 : index
    %get3A_52 = arith.constant 0 : index
    %get3A_53 = vector.load %arg7[%get3A_51, %get3A_52] : memref<16x128xf32, #tpu.memory_space<vmem>>, vector<1x128xf32>
    %max3A_54 = arith.maximumf %get3A_53, %broadcast_in_dim3A_50 : vector<1x128xf32>
    %swap3A_55 = arith.constant 1 : index
    %swap3A_56 = arith.constant 0 : index
    %swap3A_57 = vector.load %arg7[%swap3A_55, %swap3A_56] : memref<16x128xf32, #tpu.memory_space<vmem>>, vector<1x128xf32>
    tpu.vector_store %arg7[%swap3A_55, %swap3A_56], %max3A_54 {strides = array<i32>} : memref<16x128xf32, #tpu.memory_space<vmem>>, vector<1x128xf32>,
    %eq3A_58 = arith.constant 2 : i32
    %eq3A_59 = vector.broadcast %eq3A_58 : i32 to vector<512x1xi32>
    %eq3A_60 = arith.cmpi eq, %get3A_6, %eq3A_59 : vector<512x1xi32>
    %broadcast_in_dim3A_61 = vector.shape_cast %eq3A_60 : vector<512x1xi1> to vector<512x1xi1>
    %broadcast_in_dim3A_62 = vector.broadcast %broadcast_in_dim3A_61 : vector<512x1xi1> to vector<512x128xi1>
    %select_n3A_63 = arith.select %broadcast_in_dim3A_62, %get3A_3, %broadcast_in_dim3A_28 : vector<512x128xi1>, vector<512x128xf32>
    %reduce_max3A_64 = arith.constant dense<0xFF800000> : vector<128xf32>
    %reduce_max3A_65 = vector.multi_reduction <maximumf>, %select_n3A_63, %reduce_max3A_64 [0] : vector<512x128xf32> to vector<128xf32>
    %broadcast_in_dim3A_66 = vector.shape_cast %reduce_max3A_65 : vector<128xf32> to vector<1x128xf32>
    %get3A_67 = arith.constant 2 : index
    %get3A_68 = arith.constant 0 : index
    %get3A_69 = vector.load %arg7[%get3A_67, %get3A_68] : memref<16x128xf32, #tpu.memory_space<vmem>>, vector<1x128xf32>
    %max3A_70 = arith.maximumf %get3A_69, %broadcast_in_dim3A_66 : vector<1x128xf32>
    %swap3A_71 = arith.constant 2 : index
    %swap3A_72 = arith.constant 0 : index
    %swap3A_73 = vector.load %arg7[%swap3A_71, %swap3A_72] : memref<16x128xf32, #tpu.memory_space<vmem>>, vector<1x128xf32>
    tpu.vector_store %arg7[%swap3A_71, %swap3A_72], %max3A_70 {strides = array<i32>} : memref<16x128xf32, #tpu.memory_space<vmem>>, vector<1x128xf32>,
    %eq3A_74 = arith.constant 3 : i32
    %eq3A_75 = vector.broadcast %eq3A_74 : i32 to vector<512x1xi32>
    %eq3A_76 = arith.cmpi eq, %get3A_6, %eq3A_75 : vector<512x1xi32>
    %broadcast_in_dim3A_77 = vector.shape_cast %eq3A_76 : vector<512x1xi1> to vector<512x1xi1>
    %broadcast_in_dim3A_78 = vector.broadcast %broadcast_in_dim3A_77 : vector<512x1xi1> to vector<512x128xi1>
    %select_n3A_79 = arith.select %broadcast_in_dim3A_78, %get3A_3, %broadcast_in_dim3A_28 : vector<512x128xi1>, vector<512x128xf32>
    %reduce_max3A_80 = arith.constant dense<0xFF800000> : vector<128xf32>
    %reduce_max3A_81 = vector.multi_reduction <maximumf>, %select_n3A_79, %reduce_max3A_80 [0] : vector<512x128xf32> to vector<128xf32>
    %broadcast_in_dim3A_82 = vector.shape_cast %reduce_max3A_81 : vector<128xf32> to vector<1x128xf32>
    %get3A_83 = arith.constant 3 : index
    %get3A_84 = arith.constant 0 : index
    %get3A_85 = vector.load %arg7[%get3A_83, %get3A_84] : memref<16x128xf32, #tpu.memory_space<vmem>>, vector<1x128xf32>
    %max3A_86 = arith.maximumf %get3A_85, %broadcast_in_dim3A_82 : vector<1x128xf32>
    %swap3A_87 = arith.constant 3 : index
    %swap3A_88 = arith.constant 0 : index
    %swap3A_89 = vector.load %arg7[%swap3A_87, %swap3A_88] : memref<16x128xf32, #tpu.memory_space<vmem>>, vector<1x128xf32>
    tpu.vector_store %arg7[%swap3A_87, %swap3A_88], %max3A_86 {strides = array<i32>} : memref<16x128xf32, #tpu.memory_space<vmem>>, vector<1x128xf32>,
    %eq3A_90 = arith.constant 4 : i32
    %eq3A_91 = vector.broadcast %eq3A_90 : i32 to vector<512x1xi32>
    %eq3A_92 = arith.cmpi eq, %get3A_6, %eq3A_91 : vector<512x1xi32>
    %broadcast_in_dim3A_93 = vector.shape_cast %eq3A_92 : vector<512x1xi1> to vector<512x1xi1>
    %broadcast_in_dim3A_94 = vector.broadcast %broadcast_in_dim3A_93 : vector<512x1xi1> to vector<512x128xi1>
    %select_n3A_95 = arith.select %broadcast_in_dim3A_94, %get3A_3, %broadcast_in_dim3A_28 : vector<512x128xi1>, vector<512x128xf32>
    %reduce_max3A_96 = arith.constant dense<0xFF800000> : vector<128xf32>
    %reduce_max3A_97 = vector.multi_reduction <maximumf>, %select_n3A_95, %reduce_max3A_96 [0] : vector<512x128xf32> to vector<128xf32>
    %broadcast_in_dim3A_98 = vector.shape_cast %reduce_max3A_97 : vector<128xf32> to vector<1x128xf32>
    %get3A_99 = arith.constant 4 : index
    %get3A_100 = arith.constant 0 : index
    %get3A_101 = vector.load %arg7[%get3A_99, %get3A_100] : memref<16x128xf32, #tpu.memory_space<vmem>>, vector<1x128xf32>
    %max3A_102 = arith.maximumf %get3A_101, %broadcast_in_dim3A_98 : vector<1x128xf32>
    %swap3A_103 = arith.constant 4 : index
    %swap3A_104 = arith.constant 0 : index
    %swap3A_105 = vector.load %arg7[%swap3A_103, %swap3A_104] : memref<16x128xf32, #tpu.memory_space<vmem>>, vector<1x128xf32>
    tpu.vector_store %arg7[%swap3A_103, %swap3A_104], %max3A_102 {strides = array<i32>} : memref<16x128xf32, #tpu.memory_space<vmem>>, vector<1x128xf32>,
    %eq3A_106 = arith.constant 5 : i32
    %eq3A_107 = vector.broadcast %eq3A_106 : i32 to vector<512x1xi32>
    %eq3A_108 = arith.cmpi eq, %get3A_6, %eq3A_107 : vector<512x1xi32>
    %broadcast_in_dim3A_109 = vector.shape_cast %eq3A_108 : vector<512x1xi1> to vector<512x1xi1>
    %broadcast_in_dim3A_110 = vector.broadcast %broadcast_in_dim3A_109 : vector<512x1xi1> to vector<512x128xi1>
    %select_n3A_111 = arith.select %broadcast_in_dim3A_110, %get3A_3, %broadcast_in_dim3A_28 : vector<512x128xi1>, vector<512x128xf32>
    %reduce_max3A_112 = arith.constant dense<0xFF800000> : vector<128xf32>
    %reduce_max3A_113 = vector.multi_reduction <maximumf>, %select_n3A_111, %reduce_max3A_112 [0] : vector<512x128xf32> to vector<128xf32>
    %broadcast_in_dim3A_114 = vector.shape_cast %reduce_max3A_113 : vector<128xf32> to vector<1x128xf32>
    %get3A_115 = arith.constant 5 : index
    %get3A_116 = arith.constant 0 : index
    %get3A_117 = vector.load %arg7[%get3A_115, %get3A_116] : memref<16x128xf32, #tpu.memory_space<vmem>>, vector<1x128xf32>
    %max3A_118 = arith.maximumf %get3A_117, %broadcast_in_dim3A_114 : vector<1x128xf32>
    %swap3A_119 = arith.constant 5 : index
    %swap3A_120 = arith.constant 0 : index
    %swap3A_121 = vector.load %arg7[%swap3A_119, %swap3A_120] : memref<16x128xf32, #tpu.memory_space<vmem>>, vector<1x128xf32>
    tpu.vector_store %arg7[%swap3A_119, %swap3A_120], %max3A_118 {strides = array<i32>} : memref<16x128xf32, #tpu.memory_space<vmem>>, vector<1x128xf32>,
    %eq3A_122 = arith.constant 6 : i32
    %eq3A_123 = vector.broadcast %eq3A_122 : i32 to vector<512x1xi32>
    %eq3A_124 = arith.cmpi eq, %get3A_6, %eq3A_123 : vector<512x1xi32>
    %broadcast_in_dim3A_125 = vector.shape_cast %eq3A_124 : vector<512x1xi1> to vector<512x1xi1>
    %broadcast_in_dim3A_126 = vector.broadcast %broadcast_in_dim3A_125 : vector<512x1xi1> to vector<512x128xi1>
    %select_n3A_127 = arith.select %broadcast_in_dim3A_126, %get3A_3, %broadcast_in_dim3A_28 : vector<512x128xi1>, vector<512x128xf32>
    %reduce_max3A_128 = arith.constant dense<0xFF800000> : vector<128xf32>
    %reduce_max3A_129 = vector.multi_reduction <maximumf>, %select_n3A_127, %reduce_max3A_128 [0] : vector<512x128xf32> to vector<128xf32>
    %broadcast_in_dim3A_130 = vector.shape_cast %reduce_max3A_129 : vector<128xf32> to vector<1x128xf32>
    %get3A_131 = arith.constant 6 : index
    %get3A_132 = arith.constant 0 : index
    %get3A_133 = vector.load %arg7[%get3A_131, %get3A_132] : memref<16x128xf32, #tpu.memory_space<vmem>>, vector<1x128xf32>
    %max3A_134 = arith.maximumf %get3A_133, %broadcast_in_dim3A_130 : vector<1x128xf32>
    %swap3A_135 = arith.constant 6 : index
    %swap3A_136 = arith.constant 0 : index
    %swap3A_137 = vector.load %arg7[%swap3A_135, %swap3A_136] : memref<16x128xf32, #tpu.memory_space<vmem>>, vector<1x128xf32>
    tpu.vector_store %arg7[%swap3A_135, %swap3A_136], %max3A_134 {strides = array<i32>} : memref<16x128xf32, #tpu.memory_space<vmem>>, vector<1x128xf32>,
    %eq3A_138 = arith.constant 7 : i32
    %eq3A_139 = vector.broadcast %eq3A_138 : i32 to vector<512x1xi32>
    %eq3A_140 = arith.cmpi eq, %get3A_6, %eq3A_139 : vector<512x1xi32>
    %broadcast_in_dim3A_141 = vector.shape_cast %eq3A_140 : vector<512x1xi1> to vector<512x1xi1>
    %broadcast_in_dim3A_142 = vector.broadcast %broadcast_in_dim3A_141 : vector<512x1xi1> to vector<512x128xi1>
    %select_n3A_143 = arith.select %broadcast_in_dim3A_142, %get3A_3, %broadcast_in_dim3A_28 : vector<512x128xi1>, vector<512x128xf32>
    %reduce_max3A_144 = arith.constant dense<0xFF800000> : vector<128xf32>
    %reduce_max3A_145 = vector.multi_reduction <maximumf>, %select_n3A_143, %reduce_max3A_144 [0] : vector<512x128xf32> to vector<128xf32>
    %broadcast_in_dim3A_146 = vector.shape_cast %reduce_max3A_145 : vector<128xf32> to vector<1x128xf32>
    %get3A_147 = arith.constant 7 : index
    %get3A_148 = arith.constant 0 : index
    %get3A_149 = vector.load %arg7[%get3A_147, %get3A_148] : memref<16x128xf32, #tpu.memory_space<vmem>>, vector<1x128xf32>
    %max3A_150 = arith.maximumf %get3A_149, %broadcast_in_dim3A_146 : vector<1x128xf32>
    %swap3A_151 = arith.constant 7 : index
    %swap3A_152 = arith.constant 0 : index
    %swap3A_153 = vector.load %arg7[%swap3A_151, %swap3A_152] : memref<16x128xf32, #tpu.memory_space<vmem>>, vector<1x128xf32>
    tpu.vector_store %arg7[%swap3A_151, %swap3A_152], %max3A_150 {strides = array<i32>} : memref<16x128xf32, #tpu.memory_space<vmem>>, vector<1x128xf32>,
    %eq3A_154 = arith.constant 8 : i32
    %eq3A_155 = vector.broadcast %eq3A_154 : i32 to vector<512x1xi32>
    %eq3A_156 = arith.cmpi eq, %get3A_6, %eq3A_155 : vector<512x1xi32>
    %broadcast_in_dim3A_157 = vector.shape_cast %eq3A_156 : vector<512x1xi1> to vector<512x1xi1>
    %broadcast_in_dim3A_158 = vector.broadcast %broadcast_in_dim3A_157 : vector<512x1xi1> to vector<512x128xi1>
    %select_n3A_159 = arith.select %broadcast_in_dim3A_158, %get3A_3, %broadcast_in_dim3A_28 : vector<512x128xi1>, vector<512x128xf32>
    %reduce_max3A_160 = arith.constant dense<0xFF800000> : vector<128xf32>
    %reduce_max3A_161 = vector.multi_reduction <maximumf>, %select_n3A_159, %reduce_max3A_160 [0] : vector<512x128xf32> to vector<128xf32>
    %broadcast_in_dim3A_162 = vector.shape_cast %reduce_max3A_161 : vector<128xf32> to vector<1x128xf32>
    %get3A_163 = arith.constant 8 : index
    %get3A_164 = arith.constant 0 : index
    %get3A_165 = vector.load %arg7[%get3A_163, %get3A_164] : memref<16x128xf32, #tpu.memory_space<vmem>>, vector<1x128xf32>
    %max3A_166 = arith.maximumf %get3A_165, %broadcast_in_dim3A_162 : vector<1x128xf32>
    %swap3A_167 = arith.constant 8 : index
    %swap3A_168 = arith.constant 0 : index
    %swap3A_169 = vector.load %arg7[%swap3A_167, %swap3A_168] : memref<16x128xf32, #tpu.memory_space<vmem>>, vector<1x128xf32>
    tpu.vector_store %arg7[%swap3A_167, %swap3A_168], %max3A_166 {strides = array<i32>} : memref<16x128xf32, #tpu.memory_space<vmem>>, vector<1x128xf32>,
    %eq3A_170 = arith.constant 9 : i32
    %eq3A_171 = vector.broadcast %eq3A_170 : i32 to vector<512x1xi32>
    %eq3A_172 = arith.cmpi eq, %get3A_6, %eq3A_171 : vector<512x1xi32>
    %broadcast_in_dim3A_173 = vector.shape_cast %eq3A_172 : vector<512x1xi1> to vector<512x1xi1>
    %broadcast_in_dim3A_174 = vector.broadcast %broadcast_in_dim3A_173 : vector<512x1xi1> to vector<512x128xi1>
    %select_n3A_175 = arith.select %broadcast_in_dim3A_174, %get3A_3, %broadcast_in_dim3A_28 : vector<512x128xi1>, vector<512x128xf32>
    %reduce_max3A_176 = arith.constant dense<0xFF800000> : vector<128xf32>
    %reduce_max3A_177 = vector.multi_reduction <maximumf>, %select_n3A_175, %reduce_max3A_176 [0] : vector<512x128xf32> to vector<128xf32>
    %broadcast_in_dim3A_178 = vector.shape_cast %reduce_max3A_177 : vector<128xf32> to vector<1x128xf32>
    %get3A_179 = arith.constant 9 : index
    %get3A_180 = arith.constant 0 : index
    %get3A_181 = vector.load %arg7[%get3A_179, %get3A_180] : memref<16x128xf32, #tpu.memory_space<vmem>>, vector<1x128xf32>
    %max3A_182 = arith.maximumf %get3A_181, %broadcast_in_dim3A_178 : vector<1x128xf32>
    %swap3A_183 = arith.constant 9 : index
    %swap3A_184 = arith.constant 0 : index
    %swap3A_185 = vector.load %arg7[%swap3A_183, %swap3A_184] : memref<16x128xf32, #tpu.memory_space<vmem>>, vector<1x128xf32>
    tpu.vector_store %arg7[%swap3A_183, %swap3A_184], %max3A_182 {strides = array<i32>} : memref<16x128xf32, #tpu.memory_space<vmem>>, vector<1x128xf32>,
    %eq3A_186 = arith.constant 10 : i32
    %eq3A_187 = vector.broadcast %eq3A_186 : i32 to vector<512x1xi32>
    %eq3A_188 = arith.cmpi eq, %get3A_6, %eq3A_187 : vector<512x1xi32>
    %broadcast_in_dim3A_189 = vector.shape_cast %eq3A_188 : vector<512x1xi1> to vector<512x1xi1>
    %broadcast_in_dim3A_190 = vector.broadcast %broadcast_in_dim3A_189 : vector<512x1xi1> to vector<512x128xi1>
    %select_n3A_191 = arith.select %broadcast_in_dim3A_190, %get3A_3, %broadcast_in_dim3A_28 : vector<512x128xi1>, vector<512x128xf32>
    %reduce_max3A_192 = arith.constant dense<0xFF800000> : vector<128xf32>
    %reduce_max3A_193 = vector.multi_reduction <maximumf>, %select_n3A_191, %reduce_max3A_192 [0] : vector<512x128xf32> to vector<128xf32>
    %broadcast_in_dim3A_194 = vector.shape_cast %reduce_max3A_193 : vector<128xf32> to vector<1x128xf32>
    %get3A_195 = arith.constant 10 : index
    %get3A_196 = arith.constant 0 : index
    %get3A_197 = vector.load %arg7[%get3A_195, %get3A_196] : memref<16x128xf32, #tpu.memory_space<vmem>>, vector<1x128xf32>
    %max3A_198 = arith.maximumf %get3A_197, %broadcast_in_dim3A_194 : vector<1x128xf32>
    %swap3A_199 = arith.constant 10 : index
    %swap3A_200 = arith.constant 0 : index
    %swap3A_201 = vector.load %arg7[%swap3A_199, %swap3A_200] : memref<16x128xf32, #tpu.memory_space<vmem>>, vector<1x128xf32>
    tpu.vector_store %arg7[%swap3A_199, %swap3A_200], %max3A_198 {strides = array<i32>} : memref<16x128xf32, #tpu.memory_space<vmem>>, vector<1x128xf32>,
    %eq3A_202 = arith.constant 11 : i32
    %eq3A_203 = vector.broadcast %eq3A_202 : i32 to vector<512x1xi32>
    %eq3A_204 = arith.cmpi eq, %get3A_6, %eq3A_203 : vector<512x1xi32>
    %broadcast_in_dim3A_205 = vector.shape_cast %eq3A_204 : vector<512x1xi1> to vector<512x1xi1>
    %broadcast_in_dim3A_206 = vector.broadcast %broadcast_in_dim3A_205 : vector<512x1xi1> to vector<512x128xi1>
    %select_n3A_207 = arith.select %broadcast_in_dim3A_206, %get3A_3, %broadcast_in_dim3A_28 : vector<512x128xi1>, vector<512x128xf32>
    %reduce_max3A_208 = arith.constant dense<0xFF800000> : vector<128xf32>
    %reduce_max3A_209 = vector.multi_reduction <maximumf>, %select_n3A_207, %reduce_max3A_208 [0] : vector<512x128xf32> to vector<128xf32>
    %broadcast_in_dim3A_210 = vector.shape_cast %reduce_max3A_209 : vector<128xf32> to vector<1x128xf32>
    %get3A_211 = arith.constant 11 : index
    %get3A_212 = arith.constant 0 : index
    %get3A_213 = vector.load %arg7[%get3A_211, %get3A_212] : memref<16x128xf32, #tpu.memory_space<vmem>>, vector<1x128xf32>
    %max3A_214 = arith.maximumf %get3A_213, %broadcast_in_dim3A_210 : vector<1x128xf32>
    %swap3A_215 = arith.constant 11 : index
    %swap3A_216 = arith.constant 0 : index
    %swap3A_217 = vector.load %arg7[%swap3A_215, %swap3A_216] : memref<16x128xf32, #tpu.memory_space<vmem>>, vector<1x128xf32>
    tpu.vector_store %arg7[%swap3A_215, %swap3A_216], %max3A_214 {strides = array<i32>} : memref<16x128xf32, #tpu.memory_space<vmem>>, vector<1x128xf32>,
    %eq3A_218 = arith.constant 12 : i32
    %eq3A_219 = vector.broadcast %eq3A_218 : i32 to vector<512x1xi32>
    %eq3A_220 = arith.cmpi eq, %get3A_6, %eq3A_219 : vector<512x1xi32>
    %broadcast_in_dim3A_221 = vector.shape_cast %eq3A_220 : vector<512x1xi1> to vector<512x1xi1>
    %broadcast_in_dim3A_222 = vector.broadcast %broadcast_in_dim3A_221 : vector<512x1xi1> to vector<512x128xi1>
    %select_n3A_223 = arith.select %broadcast_in_dim3A_222, %get3A_3, %broadcast_in_dim3A_28 : vector<512x128xi1>, vector<512x128xf32>
    %reduce_max3A_224 = arith.constant dense<0xFF800000> : vector<128xf32>
    %reduce_max3A_225 = vector.multi_reduction <maximumf>, %select_n3A_223, %reduce_max3A_224 [0] : vector<512x128xf32> to vector<128xf32>
    %broadcast_in_dim3A_226 = vector.shape_cast %reduce_max3A_225 : vector<128xf32> to vector<1x128xf32>
    %get3A_227 = arith.constant 12 : index
    %get3A_228 = arith.constant 0 : index
    %get3A_229 = vector.load %arg7[%get3A_227, %get3A_228] : memref<16x128xf32, #tpu.memory_space<vmem>>, vector<1x128xf32>
    %max3A_230 = arith.maximumf %get3A_229, %broadcast_in_dim3A_226 : vector<1x128xf32>
    %swap3A_231 = arith.constant 12 : index
    %swap3A_232 = arith.constant 0 : index
    %swap3A_233 = vector.load %arg7[%swap3A_231, %swap3A_232] : memref<16x128xf32, #tpu.memory_space<vmem>>, vector<1x128xf32>
    tpu.vector_store %arg7[%swap3A_231, %swap3A_232], %max3A_230 {strides = array<i32>} : memref<16x128xf32, #tpu.memory_space<vmem>>, vector<1x128xf32>,
    %eq3A_234 = arith.constant 13 : i32
    %eq3A_235 = vector.broadcast %eq3A_234 : i32 to vector<512x1xi32>
    %eq3A_236 = arith.cmpi eq, %get3A_6, %eq3A_235 : vector<512x1xi32>
    %broadcast_in_dim3A_237 = vector.shape_cast %eq3A_236 : vector<512x1xi1> to vector<512x1xi1>
    %broadcast_in_dim3A_238 = vector.broadcast %broadcast_in_dim3A_237 : vector<512x1xi1> to vector<512x128xi1>
    %select_n3A_239 = arith.select %broadcast_in_dim3A_238, %get3A_3, %broadcast_in_dim3A_28 : vector<512x128xi1>, vector<512x128xf32>
    %reduce_max3A_240 = arith.constant dense<0xFF800000> : vector<128xf32>
    %reduce_max3A_241 = vector.multi_reduction <maximumf>, %select_n3A_239, %reduce_max3A_240 [0] : vector<512x128xf32> to vector<128xf32>
    %broadcast_in_dim3A_242 = vector.shape_cast %reduce_max3A_241 : vector<128xf32> to vector<1x128xf32>
    %get3A_243 = arith.constant 13 : index
    %get3A_244 = arith.constant 0 : index
    %get3A_245 = vector.load %arg7[%get3A_243, %get3A_244] : memref<16x128xf32, #tpu.memory_space<vmem>>, vector<1x128xf32>
    %max3A_246 = arith.maximumf %get3A_245, %broadcast_in_dim3A_242 : vector<1x128xf32>
    %swap3A_247 = arith.constant 13 : index
    %swap3A_248 = arith.constant 0 : index
    %swap3A_249 = vector.load %arg7[%swap3A_247, %swap3A_248] : memref<16x128xf32, #tpu.memory_space<vmem>>, vector<1x128xf32>
    tpu.vector_store %arg7[%swap3A_247, %swap3A_248], %max3A_246 {strides = array<i32>} : memref<16x128xf32, #tpu.memory_space<vmem>>, vector<1x128xf32>,
    %eq3A_250 = arith.constant 14 : i32
    %eq3A_251 = vector.broadcast %eq3A_250 : i32 to vector<512x1xi32>
    %eq3A_252 = arith.cmpi eq, %get3A_6, %eq3A_251 : vector<512x1xi32>
    %broadcast_in_dim3A_253 = vector.shape_cast %eq3A_252 : vector<512x1xi1> to vector<512x1xi1>
    %broadcast_in_dim3A_254 = vector.broadcast %broadcast_in_dim3A_253 : vector<512x1xi1> to vector<512x128xi1>
    %select_n3A_255 = arith.select %broadcast_in_dim3A_254, %get3A_3, %broadcast_in_dim3A_28 : vector<512x128xi1>, vector<512x128xf32>
    %reduce_max3A_256 = arith.constant dense<0xFF800000> : vector<128xf32>
    %reduce_max3A_257 = vector.multi_reduction <maximumf>, %select_n3A_255, %reduce_max3A_256 [0] : vector<512x128xf32> to vector<128xf32>
    %broadcast_in_dim3A_258 = vector.shape_cast %reduce_max3A_257 : vector<128xf32> to vector<1x128xf32>
    %get3A_259 = arith.constant 14 : index
    %get3A_260 = arith.constant 0 : index
    %get3A_261 = vector.load %arg7[%get3A_259, %get3A_260] : memref<16x128xf32, #tpu.memory_space<vmem>>, vector<1x128xf32>
    %max3A_262 = arith.maximumf %get3A_261, %broadcast_in_dim3A_258 : vector<1x128xf32>
    %swap3A_263 = arith.constant 14 : index
    %swap3A_264 = arith.constant 0 : index
    %swap3A_265 = vector.load %arg7[%swap3A_263, %swap3A_264] : memref<16x128xf32, #tpu.memory_space<vmem>>, vector<1x128xf32>
    tpu.vector_store %arg7[%swap3A_263, %swap3A_264], %max3A_262 {strides = array<i32>} : memref<16x128xf32, #tpu.memory_space<vmem>>, vector<1x128xf32>,
    %eq3A_266 = arith.constant 15 : i32
    %eq3A_267 = vector.broadcast %eq3A_266 : i32 to vector<512x1xi32>
    %eq3A_268 = arith.cmpi eq, %get3A_6, %eq3A_267 : vector<512x1xi32>
    %broadcast_in_dim3A_269 = vector.shape_cast %eq3A_268 : vector<512x1xi1> to vector<512x1xi1>
    %broadcast_in_dim3A_270 = vector.broadcast %broadcast_in_dim3A_269 : vector<512x1xi1> to vector<512x128xi1>
    %select_n3A_271 = arith.select %broadcast_in_dim3A_270, %get3A_3, %broadcast_in_dim3A_28 : vector<512x128xi1>, vector<512x128xf32>
    %reduce_max3A_272 = arith.constant dense<0xFF800000> : vector<128xf32>
    %reduce_max3A_273 = vector.multi_reduction <maximumf>, %select_n3A_271, %reduce_max3A_272 [0] : vector<512x128xf32> to vector<128xf32>
    %broadcast_in_dim3A_274 = vector.shape_cast %reduce_max3A_273 : vector<128xf32> to vector<1x128xf32>
    %get3A_275 = arith.constant 15 : index
    %get3A_276 = arith.constant 0 : index
    %get3A_277 = vector.load %arg7[%get3A_275, %get3A_276] : memref<16x128xf32, #tpu.memory_space<vmem>>, vector<1x128xf32>
    %max3A_278 = arith.maximumf %get3A_277, %broadcast_in_dim3A_274 : vector<1x128xf32>
    %swap3A_279 = arith.constant 15 : index
    %swap3A_280 = arith.constant 0 : index
    %swap3A_281 = vector.load %arg7[%swap3A_279, %swap3A_280] : memref<16x128xf32, #tpu.memory_space<vmem>>, vector<1x128xf32>
    tpu.vector_store %arg7[%swap3A_279, %swap3A_280], %max3A_278 {strides = array<i32>} : memref<16x128xf32, #tpu.memory_space<vmem>>, vector<1x128xf32>,
    %eq3A_282 = arith.constant 19 : i32
    %eq3A_283 = arith.cmpi eq, %arg0, %eq3A_282 : i32
    %convert_element_type3A_284 = arith.extui %eq3A_283 : i1 to i32
    %cond3A_285 = arith.constant 0 : i32
    %cond3A_286 = arith.cmpi ne, %convert_element_type3A_284, %cond3A_285 : i32
    scf.if %cond3A_286 {
      %get3A_287 = arith.constant 0 : index
      %get3A_288 = arith.constant 0 : index
      %get3A_289 = vector.load %arg5[%get3A_287, %get3A_288] : memref<16x128xf32, #tpu.memory_space<vmem>>, vector<16x128xf32>
      %get3A_290 = arith.constant 0 : index
      %get3A_291 = arith.constant 0 : index
      %get3A_292 = vector.load %arg6[%get3A_290, %get3A_291] : memref<16x128xf32, #tpu.memory_space<vmem>>, vector<16x128xf32>
      %max3A_293 = arith.constant 1.000000e+00 : f32
      %max3A_294 = vector.broadcast %max3A_293 : f32 to vector<16x128xf32>
      %max3A_295 = arith.maximumf %get3A_292, %max3A_294 : vector<16x128xf32>
      %div3A = arith.divf %get3A_289, %max3A_295 : vector<16x128xf32>
      %swap3A_296 = arith.constant 0 : index
      %swap3A_297 = arith.constant 0 : index
      %swap3A_298 = vector.load %arg3[%swap3A_296, %swap3A_297] : memref<16x128xf32, #tpu.memory_space<vmem>>, vector<16x128xf32>
      tpu.vector_store %arg3[%swap3A_296, %swap3A_297], %div3A {strides = array<i32>} : memref<16x128xf32, #tpu.memory_space<vmem>>, vector<16x128xf32>,
      %get3A_299 = arith.constant 0 : index
      %get3A_300 = arith.constant 0 : index
      %get3A_301 = vector.load %arg7[%get3A_299, %get3A_300] : memref<16x128xf32, #tpu.memory_space<vmem>>, vector<16x128xf32>
      %swap3A_302 = arith.constant 0 : index
      %swap3A_303 = arith.constant 0 : index
      %swap3A_304 = vector.load %arg4[%swap3A_302, %swap3A_303] : memref<16x128xf32, #tpu.memory_space<vmem>>, vector<16x128xf32>
      tpu.vector_store %arg4[%swap3A_302, %swap3A_303], %get3A_301 {strides = array<i32>} : memref<16x128xf32, #tpu.memory_space<vmem>>, vector<16x128xf32>,
    } else {
    }
    return
  }
  func.func @transform_0(%arg0: i32) -> (i32, i32) {
    %c0_i32 = arith.constant 0 : i32
    %c0_i32_0 = arith.constant 0 : i32
    return %arg0, %c0_i32 : i32, i32
  }
  func.func @transform_1(%arg0: i32) -> (i32, i32) {
    %c0_i32 = arith.constant 0 : i32
    %c0_i32_0 = arith.constant 0 : i32
    return %arg0, %c0_i32 : i32, i32
  }
  func.func @transform_2(%arg0: i32) -> (i32, i32) {
    %c0_i32 = arith.constant 0 : i32
    %c0_i32_0 = arith.constant 0 : i32
    %c0_i32_1 = arith.constant 0 : i32
    return %c0_i32, %c0_i32_0 : i32, i32
  }
  func.func @transform_3(%arg0: i32) -> (i32, i32) {
    %c0_i32 = arith.constant 0 : i32
    %c0_i32_0 = arith.constant 0 : i32
    %c0_i32_1 = arith.constant 0 : i32
    return %c0_i32, %c0_i32_0 : i32, i32
  }
}

</mosaic_0001>

<sc_bundles>
// kernel: kernel.11.cloned.1.call-start
scs
__scs_entry_jumppad:
0x0: {  	(pc) =	sbr.rel $0x88, $3  }
0x1: {  	(tag) =	ssettag $0x0;
	lr =	simm.s32 $0x1  }
0x2: {  	[smem:$0x3F8E] =	sst lr;
	_ =	strace $0xD0000000  }
0x3: {  	_ = 	snop  }
0x4: {  	_ = 	snop  }
0x5: {  	_ = 	snop  }
0x6: {  	_ = 	snop  }
0x7: {  	_ = 	snop  }
__scs_overlays_trampoline_lowered:
0x8: {  	[smem:$0x3F9D] =	sst s0  }
0x9: {  	[smem:$0x3F9E] =	sst s1  }
0xa: {  	[smem:$0x3F9F] =	sst s2  }
0xb: {  	[smem:$0x3FA0] =	sst s3  }
0xc: {  	[smem:$0x3FA1] =	sst s4  }
0xd: {  	[smem:$0x3FA2] =	sst s5  }
0xe: {  	[smem:$0x3FA3] =	sst s6  }
0xf: {  	[smem:$0x3FA4] =	sst s7  }
0x10: {  	[smem:$0x3FA5] =	sst s8  }
0x11: {  	[smem:$0x3FA6] =	sst s9;
	s0 =	simm.s32 @!p0 $0x0  }
0x12: {  	s1 =	sld [smem:$0x3F8C];
	s0 =	simm.s32 @p0 $0x1  }
0x13: {  	[smem:$0x3FA7] =	sst s0;
	s0 =	simm.s32 @!p1 $0x0  }
0x14: {  	s2 =	sld [smem:$0x3F8B];
	s0 =	simm.s32 @p1 $0x1  }
0x15: {  	[smem:$0x3FA8] =	sst s0;
	s0 =	simm.s32 @!p2 $0x0  }
0x16: {  	s3 =	sld [smem:$0x3FDB];
	s0 =	simm.s32 @p2 $0x1  }
0x17: {  	s4 =	simm.s32 $0x1BF5;
	[smem:$0x3FAA] =	sst s0  }
0x18: {  	s0 =	sld [smem:$0x3F8D];
	_ =	swait.ge [sflag:s4], $0x0  }
0x19: {  	s7 =	sld [smem:$0x3F8E]  }
0x1a: {  	s8 =	sadd.s32 $0xFFFFE003, lr  }
0x1b: {  	s9 =	sadd.s32 $0xFFFFFEF7, lr;
	s5 =	simm.s32 $0xFFFFFFFF;
	p2 =	slt.u32 s8, $0xFFFFF086  }
0x1c: {  	p1 =	slt.u32 s9, $0xF7A;
	s5 =	simm.s32 @!p2 $0x0  }
0x1d: {  	s5 =	simm.s32 @p1 $0x1;
	p0 =	seq.s32 s7, s2  }
0x1e: {  	s7 =	smul.u32 @!p0 $0xF7A, s2;
	p2 =	seq.s32 @!p0 s5, $0x0  }
0x1f: {  	s9 =	smul.u32 $0xF7A, s1;
	s8 =	simm.s32 @!p0 $0x1BF5;
	p2 =	por !p2, p0  }
0x20: {  	[sflag:s8] =	ssyncset.s32 @!p0 $0xFFFFF086;
	s6 =	sadd.s32 @!p0 s3, s7;
	s7 =	simm.s32 @!p0 $0x108  }
0x21: {  	s3 =	sadd.s32 s3, s9;
	s6 =	sadd.s32 @!p0 $0x88, s6;
	s7 =	simm.s32 @p2 $0x1082  }
0x22: {  	[simem:s7], [sflag:s8] =	dma.local @!p0 [hbm:s6], $0xF7A  }
0x23: {  	s9 =	sor.u32 $0xD0000000, s2;
	s6 =	simm.s32 $0x108;
	_ =	swait.ge @!p0 [sflag:s8], $0x0  }
0x24: {  	s3 =	sadd.s32 $0x88, s3;
	s6 =	simm.s32 @!p1 $0x1082;
	[sflag:s4] =	ssyncset.s32 $0xFFFFF086  }
0x25: {  	[simem:s6], [sflag:s4] =	dma.local [hbm:s3], $0xF7A  }
0x26: {  	[smem:$0x3F8E] =	sst s1;
	(tag) =	ssettag s2;
	_ =	strace s9  }
0x27: {  	s1 =	sld [smem:$0x3F9E]  }
0x28: {  	s2 =	sld [smem:$0x3F9F]  }
0x29: {  	s4 =	sld [smem:$0x3FA1]  }
0x2a: {  	p0 =	seq.s32 s5, $0x0;
	s5 =	sld [smem:$0x3FA2]  }
0x2b: {  	s6 =	sld [smem:$0x3FA3]  }
0x2c: {  	s7 =	sld [smem:$0x3FA4]  }
0x2d: {  	s3 =	simm.s32 $0x108;
	s8 =	sld [smem:$0x3FA5]  }
0x2e: {  	s3 =	simm.s32 @!p0 $0x1082;
	s9 =	sld [smem:$0x3FA6]  }
0x2f: {  	lr =	sadd.s32 s0, s3;
	s0 =	sld [smem:$0x3F9D]  }
0x30: {  	s3 =	sld [smem:$0x3FA0]  }
0x31: {  	[smem:$0x3FA9] =	sst s10  }
0x32: {  	s10 =	sld [smem:$0x3FA7];
	_ =	sdelay $0x3  }
0x33: {  	p0 =	seq.s32 s10, $0x1;
	s10 =	sld [smem:$0x3FA9];
	_ =	sdelay $0x3  }
0x34: {  	[smem:$0x3FA9] =	sst s10  }
0x35: {  	s10 =	sld [smem:$0x3FA8];
	_ =	sdelay $0x3  }
0x36: {  	p1 =	seq.s32 s10, $0x1;
	s10 =	sld [smem:$0x3FA9];
	_ =	sdelay $0x3  }
0x37: {  	[smem:$0x3FA9] =	sst s10  }
0x38: {  	s10 =	sld [smem:$0x3FAA]  }
0x39: {  	_ = 	snop;
	(pc) =	sbr.ind lr, $3  }
0x3a: {  	_ = 	snop  }
0x3b: {  	_ = 	snop  }
0x3c: {  	p2 =	seq.s32 s10, $0x1;
	s10 =	sld [smem:$0x3FA9]  }
0x3d: {  	_ =	shalt  }
0x3e: {  	_ =	shalt  }
0x3f: {  	_ =	shalt  }
0x40: {  	_ =	shalt  }
0x41: {  	_ =	shalt  }
0x42: {  	_ =	shalt  }
0x43: {  	_ =	shalt  }
0x44: {  	_ =	shalt  }
0x45: {  	_ =	shalt  }
0x46: {  	_ =	shalt  }
0x47: {  	_ =	shalt  }
0x48: {  	_ =	shalt  }
0x49: {  	_ =	shalt  }
0x4a: {  	_ =	shalt  }
0x4b: {  	_ =	shalt  }
0x4c: {  	_ =	shalt  }
0x4d: {  	_ =	shalt  }
0x4e: {  	_ =	shalt  }
0x4f: {  	_ =	shalt  }
0x50: {  	_ =	shalt  }
0x51: {  	_ =	shalt  }
0x52: {  	_ =	shalt  }
0x53: {  	_ =	shalt  }
0x54: {  	_ =	shalt  }
0x55: {  	_ =	shalt  }
0x56: {  	_ =	shalt  }
0x57: {  	_ =	shalt  }
0x58: {  	_ =	shalt  }
0x59: {  	_ =	shalt  }
0x5a: {  	_ =	shalt  }
0x5b: {  	_ =	shalt  }
0x5c: {  	_ =	shalt  }
0x5d: {  	_ =	shalt  }
0x5e: {  	_ =	shalt  }
0x5f: {  	_ =	shalt  }
0x60: {  	_ =	shalt  }
0x61: {  	_ =	shalt  }
0x62: {  	_ =	shalt  }
0x63: {  	_ =	shalt  }
0x64: {  	_ =	shalt  }
0x65: {  	_ =	shalt  }
0x66: {  	_ =	shalt  }
0x67: {  	_ =	shalt  }
0x68: {  	_ =	shalt  }
0x69: {  	_ =	shalt  }
0x6a: {  	_ =	shalt  }
0x6b: {  	_ =	shalt  }
0x6c: {  	_ =	shalt  }
0x6d: {  	_ =	shalt  }
0x6e: {  	_ =	shalt  }
0x6f: {  	_ =	shalt  }
0x70: {  	_ =	shalt  }
0x71: {  	_ =	shalt  }
0x72: {  	_ =	shalt  }
0x73: {  	_ =	shalt  }
0x74: {  	_ =	shalt  }
0x75: {  	_ =	shalt  }
0x76: {  	_ =	shalt  }
0x77: {  	_ =	shalt  }
0x78: {  	_ =	shalt  }
0x79: {  	_ =	shalt  }
0x7a: {  	_ =	shalt  }
0x7b: {  	_ =	shalt  }
0x7c: {  	_ =	shalt  }
0x7d: {  	_ =	shalt  }
0x7e: {  	_ =	shalt  }
0x7f: {  	_ =	shalt  }
0x80: {  	_ =	shalt  }
0x81: {  	_ =	shalt  }
0x82: {  	_ =	shalt  }
0x83: {  	_ =	shalt  }
0x84: {  	_ =	shalt  }
0x85: {  	_ =	shalt  }
0x86: {  	_ =	shalt  }
0x87: {  	_ =	shalt  }
.Lfunc_end0:
.L_simem_size_0:
called_computation_lowered:
.L_overlay_start_0:
0x88: {  	s2 =	sld [smem:$0x3FD9]  }
0x89: {  	s3 =	sld [smem:$0x3FFE];
	_ =	sdelay $0x1  }
0x8a: {  	s1 =	srdreg.scid  }
0x8b: {  	s0 =	sand.u32 $0x1, s1  }
0x8c: {  	s17 =	sshll.u32 s0, $0xA;
	s2 =	sadd.s32 s3, s2  }
0x8d: {  	s2 =	sadd.s32 s2, s17  }
0x8e: {  	[smem:$0x3FB5] =	sst s2  }
0x8f: {  	_ = 	snop  }
0x90: {  	(tm) =	ssettm $0x1  }
0x91: {  	s18 =	sld [smem:$0x3FFB];
	_ =	sdelay $0x3  }
0x92: {  	_ =	strace s18  }
0x93: {  	s2 =	sld [smem:$0x3FFC];
	_ =	sdelay $0x3  }
0x94: {  	_ =	strace s2  }
0x95: {  	s2 =	sld [smem:$0x3FFD];
	_ =	sdelay $0x3  }
0x96: {  	_ =	strace s2  }
0x97: {  	_ =	strace $0x8FFFFFFF  }
0x98: {  	s19 =	sld [smem:$0x3FDB];
	_ =	sdelay $0x1  }
0x99: {  	s20 =	simm.s32 $_scs_section_size  }
0x9a: {  	s4 =	simm.s32 $_size__tile_overlayer_lowered;
	s5 =	simm.s32 $_tile_overlayer_lowered  }
0x9b: {  	s6 =	simm.s32 $0x1BFF;
	s21 =	sshll.u32 s5, $0x1;
	s3 =	sadd.s32 s20, s19  }
0x9c: {  	s22 =	simm.s32 $0x0;
	s4 =	sshll.u32 s4, $0x1;
	s5 =	sadd.s32 s21, s3  }
0x9d: {  	[timem:s22], [sflag:s6] =	dma.local [hbm:s5], s4  }
0x9e: {  	_ =	swait.ge [sflag:s6], s4  }
0x9f: {  	s4 =	ssub.s32 $0x0, s4;
	[sflag:s6] =	ssyncset.done $0x0  }
0xa0: {  	[sflag:s6] =	ssyncadd.s32 s4;
	_ =	sdelay $0x1  }
0xa1: {  	s23 =	simm.s32 $0x1B8B  }
0xa2: {  	_ =	swait.ge [sflag:s23], $0x1  }
0xa3: {  	[sflag:s23] =	ssyncset.done $0x0  }
0xa4: {  	[sflag:s23] =	ssyncadd.s32 $0xFFFFFFFF  }
0xa5: {  	s4 =	sld [smem:$0x0]  }
0xa6: {  	s5 =	sand.u32 $0xFFFFFFFE, s1  }
0xa7: {  	p0 =	sne.s32 s1, s5  }
0xa8: {  	s5 =	sshll.u32 @p0 s5, $0xE  }
0xa9: {  	s5 =	sadd.s32 @p0 $0x11B8D, s5;
	s6 =	sshll.u32 @p0 s4, $0x11  }
0xaa: {  	s5 =	sor.u32 @p0 s6, s5  }
0xab: {  	[sflag:s5] =	ssyncadd.remote.s32 @p0 $0x1;
	_ =	sdelay $0x1  }
0xac: {  	s5 =	simm.s32 @p0 $0x1B8D  }
0xad: {  	_ =	swait.eq @p0 [sflag:s5], $0x1  }
0xae: {  	[sflag:s5] =	ssyncadd.s32 @p0 $0xFFFFFFFF  }
0xaf: {  	s6 =	sshll.u32 @!p0 s1, $0xE  }
0xb0: {  	s6 =	sor.u32 @!p0 $0x4000, s6;
	s5 =	simm.s32 @!p0 $0x1B8D  }
0xb1: {  	s4 =	sshll.u32 @!p0 s4, $0x11;
	s6 =	sadd.s32 @!p0 $0x11B8D, s6;
	_ =	swait.eq @!p0 [sflag:s5], $0x1  }
0xb2: {  	s4 =	sor.u32 @!p0 s4, s6;
	[sflag:s5] =	ssyncadd.s32 @!p0 $0xFFFFFFFF  }
0xb3: {  	s25 =	simm.s32 $0x1B8E;
	s24 =	sld [smem:$0x3FFE];
	[sflag:s4] =	ssyncadd.remote.s32 @!p0 $0x1  }
0xb4: {  	s26 =	simm.s32 $execute0_lowered;
	[smem:$0x3FD2] =	sst s25  }
0xb5: {  	s5 =	sshll.u32 s26, $0x1;
	_ =	strace $0x80000049;
	[dreg:$0x1] =	wrdreg $0xFFFFFFFF  }
0xb6: {  	s28 =	simm.s32 $_size_execute0_lowered;
	s3 =	sadd.s32 s3, s5;
	[dreg:$0x0] =	wrdreg $0x0  }
0xb7: {  	s5 =	sshll.u32 s28, $0x1;
	[dreg:$0x2] =	wrdreg s3  }
0xb8: {  	[dreg:$0x3] =	wrdreg s5  }
0xb9: {  	[dreg:$0x4] =	wrdreg $0xC0  }
0xba: {  	_ =	task [dreg:s22], $0x5FFFF  }
0xbb: {  	[dreg:$0x1] =	wrdreg $0xFFFFFFFF  }
0xbc: {  	[dreg:$0x0] =	wrdreg $0x60  }
0xbd: {  	[dreg:$0x2] =	wrdreg s24  }
0xbe: {  	[dreg:$0x3] =	wrdreg $0x68000  }
0xbf: {  	[dreg:$0x4] =	wrdreg $0x9  }
0xc0: {  	_ =	task.clear_ibuf [dreg:s22], $0x5FFFF;
	_ =	strace $0x90000049  }
0xc1: {  	s29 =	simm.s32 $0x9;
	_ =	strace $0x8000004B  }
0xc2: {  	_ =	swait.ge [sflag:s29], $0x1  }
0xc3: {  	[sflag:s29] =	ssyncadd.s32 $0xFFFFFFFF  }
0xc4: {  	_ =	strace $0x9000004B  }
0xc5: {  	_ =	sfence  }
0xc6: {  	s30 =	sld [smem:$0x0];
	_ =	sdelay $0x2  }
0xc7: {  	s31 =	sshll.u32 s1, $0xD;
	s1 =	sshrl.u32 s1, $0x2  }
0xc8: {  	s4 =	sand.u32 $0x4000, s31;
	s1 =	sadd.s32 s1, s30  }
0xc9: {  	s0 =	sor.u32 s4, s0;
	s1 =	sshll.u32 s1, $0x11  }
0xca: {  	s0 =	sor.u32 s1, s0  }
0xcb: {  	s0 =	sadd.s32 $0x8F2B, s0  }
0xcc: {  	[sflag:s0] =	ssyncadd.remote.s32 $0x1  }
0xcd: {  	_ =	sfence.sel $0xFFFF  }
0xce: {  	[dreg:$0x0] =	wrdreg $0xFFFFFFFF;
	(pc) =	sbr.abs _section_cstart, $3  }
0xcf: {  	[dreg:$0x1] =	wrdreg $0xFFFFFFFF  }
0xd0: {  	_ =	task.clear_ibuf [dreg:s22], $0x2FFFF;
	_ =	strace $0x9FFFFFFF  }
0xd1: {  	(tm) =	ssettm $0x7FFFFFFF  }
tec
execute0_lowered:
.L_overlay_start_1:
0x0: {  	(tag) =	ssettag $0x1  }
0x1: {  	s6 =	rddreg [dreg:$0x0]  }
0x2: {  	s0 =	srdreg.scid;
	s2 =	rddreg [dreg:$0x1]  }
0x3: {  	s3 =	simm.s32 $0x0;
	s5 =	sand.u32 $0x1, s0;
	s0 =	stileid.u32  }
0x4: {  	s12 =	simm.s32 $0x80;
	[smem:$0x7FF] =	sst s3;
	s13 =	smul.u32 $0x2780, s0  }
0x5: {  	s1 =	sshll.u32 s5, $0x4;
	s8 =	smul.u32 $0x27800, s5;
	s5 =	ssub.s32 $0x2, s5  }
0x6: {  	s9 =	smul.u32 $0x4F000, s0;
	s31 =	sshll.u32 s0, $0x6;
	s4 =	sor.u32 s0, s1  }
0x7: {  	s1 =	rddreg [dreg:$0x2];
	_ =	strace $0x8000004A;
	s29 =	sshrl.u32 s5, $0x1  }
0x8: {  	s7 =	smul.u32 $0x500, s4;
	s4 =	sadd.s32 $0xA6A00, s6;
	s10 =	sadd.s32 s13, s6  }
0x9: {  	s8 =	sadd.s32 s8, s6;
	s11 =	ssub.s32 s5, s29;
	s30 =	sshrl.u32 s9, $0x2  }
0xa: {  	s9 =	sadd.s32 s30, s2;
	s5 =	sadd.s32 $0x26200, s10;
	s14 =	sadd.s32 $0xA7200, s8  }
0xb: {  	s8 =	smax.u32 s11, $0x1;
	s10 =	simm.s32 $0x1;
	s11 =	simm.s32 $0x2800  }
0xc: {  	s7 =	sadd.s32 s7, s6;
	s6 =	sor.u32 $0x1C01, s31;
	s9 =	sshrl.u32 s9, $0x3  }
0xd: {  	s13 =	sadd.s32 s13, s14;
	s14 =	simm.s32 $0x0;
	s7 =	sadd.s32 $0x9CA00, s7  }
.LBB2_1:
0xe: {  	[spmem:s9], [sflag:s6] =	dma.local [hbm:s5], $0x2780  }
0xf: {  	_ =	swait.ge [sflag:s10], $0x2780  }
0x10: {  	[sflag:s10] =	ssyncset.done $0x0  }
0x11: {  	[sflag:s10] =	ssyncadd.s32 $0xFFFFD880  }
0x12: {  	[tilespmem:s3], [sflag:$0x1] =	stream.linear.gather [hbm4b:s7+s3], $0x2780, $0x38;
	[tilespmem:$0x1A400] =	vst v63  }
0x13: {  	_ =	swait.ge [sflag:s10], $0x2780  }
0x14: {  	[sflag:s10] =	ssyncset.done $0x0  }
0x15: {  	[sflag:s10] =	ssyncadd.s32 $0xFFFFD880  }
0x16: {  	[tilespmem:s11], [sflag:$0x1] =	stream.linear.gather [hbm4b:s4+s3], $0x4000, $0x38;
	[tilespmem:$0x1A400] =	vst v63  }
0x17: {  	_ =	swait.ge [sflag:s10], $0x4000  }
0x18: {  	[sflag:s10] =	ssyncset.done $0x0  }
0x19: {  	[sflag:s10] =	ssyncadd.s32 $0xFFFFC000  }
0x1a: {  	s15 =	simm.s32 $0x0;
	[bflag:$0x0] =	sbarrier.arrive $0xFFFF  }
0x1b: {  	[spmem:s2] =	stream.indirect.scatter.add.f32 [tilespmem:s11], [sflag:$0x1], $0x80, s15, s12, $0xb8;
	[tilespmem:$0x1A400] =	vst v63  }
0x1c: {  	_ =	swait.ge [sflag:s10], $0x4000  }
0x1d: {  	s15 =	simm.s32 $0x200;
	[sflag:s10] =	ssyncset.done $0x0  }
.LBB2_2:
0x1e: {  	s16 =	sshra.s32 s15, $0x2;
	[sflag:s10] =	ssyncadd.s32 $0xFFFFC000;
	p0 =	sne.s32 s15, $0x9C00  }
0x1f: {  	[spmem:s2] =	stream.indirect.scatter.add.f32 [tilespmem:s11], [sflag:$0x1], $0x80, s16, s12, $0xb8;
	[tilespmem:$0x1A400] =	vst v63  }
.Ltmp0:
0x20: {  	_ = 	snop;
	(pc) =	sbr.rel @p0 .LBB2_2-.Ltmp0, $4  }
0x21: {  	_ = 	snop  }
0x22: {  	s15 =	sadd.s32 $0x200, s15  }
0x23: {  	_ =	swait.ge [sflag:s10], $0x4000  }
0x24: {  	[sflag:s10] =	ssyncset.done $0x0  }
0x25: {  	s14 =	sadd.s32 $0x1, s14  }
0x26: {  	[sflag:s10] =	ssyncadd.s32 $0xFFFFC000;
	p0 =	sne.s32 s14, s8  }
.Ltmp1:
0x27: {  	[bflag:$0x0] =	sbarrier.arrive $0xFFFF;
	(pc) =	sbr.rel @p0 .LBB2_1-.Ltmp1, $4  }
0x28: {  	[hbm:s13], [sflag:s6] =	dma.local [spmem:s9], $0x2780  }
0x29: {  	_ =	swait.ge [sflag:s10], $0x2780  }
0x2a: {  	[sflag:s10] =	ssyncset.done $0x0  }
0x2b: {  	[sflag:s10] =	ssyncadd.s32 $0xFFFFD880  }
0x2c: {  	_ =	sfence.sel $0x180000  }
0x2d: {  	[bflag:$0x0] =	sbarrier.arrive $0xFFFF  }
0x2e: {  	p0 =	sne.s32 s0, $0x0;
	_ =	strace $0x9000004A  }
0x2f: {  	s0 =	sadd.s32 @!p0 $0x100000, s1;
	[bflag:$0x2] =	sbarrier.arrive $0xFFFF  }
0x30: {  	[sflag:s0] =	ssyncadd.tile.s32 @!p0 $0x1;
	_ =	shalt  }
.Lfunc_end2:
_tile_overlayer_lowered:
.L_overlay_start_2:
0x31: {  	(tag) =	ssettag $0x2  }
0x32: {  	s0 =	rddreg [dreg:$0x0];
	s2 =	stileid.u32  }
0x33: {  	s1 =	rddreg [dreg:$0x1];
	p0 =	sne.s32 s2, $0x0  }
0x34: {  	s3 =	rddreg [dreg:$0x2];
	[bflag:$0x3] =	sbarrier.arrive $0xFFFF;
	s2 =	simm.s32 @!p0 $0x1C01  }
0x35: {  	[timem:s3], [sflag:s2] =	dma.local @!p0 [hbm:s0], s1  }
0x36: {  	s0 =	simm.s32 @!p0 $0x1  }
0x37: {  	_ =	swait.ge @!p0 [sflag:s0], s1  }
0x38: {  	s1 =	ssub.s32 @!p0 $0x0, s1;
	[sflag:s0] =	ssyncset.done @!p0 $0x0  }
0x39: {  	[sflag:s0] =	ssyncadd.s32 @!p0 s1  }
0x3a: {  	[bflag:$0x3] =	sbarrier.arrive $0xFFFF  }
0x3b: {  	_ =	shalt  }

// kernel: kernel.14.cloned.1.call-start
scs
__scs_entry_jumppad:
0x0: {  	(pc) =	sbr.rel $0x88, $3  }
0x1: {  	(tag) =	ssettag $0x0;
	lr =	simm.s32 $0x1  }
0x2: {  	[smem:$0x3F8E] =	sst lr;
	_ =	strace $0xD0000000  }
0x3: {  	_ = 	snop  }
0x4: {  	_ = 	snop  }
0x5: {  	_ = 	snop  }
0x6: {  	_ = 	snop  }
0x7: {  	_ = 	snop  }
__scs_overlays_trampoline_lowered:
0x8: {  	[smem:$0x3F9D] =	sst s0  }
0x9: {  	[smem:$0x3F9E] =	sst s1  }
0xa: {  	[smem:$0x3F9F] =	sst s2  }
0xb: {  	[smem:$0x3FA0] =	sst s3  }
0xc: {  	[smem:$0x3FA1] =	sst s4  }
0xd: {  	[smem:$0x3FA2] =	sst s5  }
0xe: {  	[smem:$0x3FA3] =	sst s6  }
0xf: {  	[smem:$0x3FA4] =	sst s7  }
0x10: {  	[smem:$0x3FA5] =	sst s8  }
0x11: {  	[smem:$0x3FA6] =	sst s9;
	s0 =	simm.s32 @!p0 $0x0  }
0x12: {  	s1 =	sld [smem:$0x3F8C];
	s0 =	simm.s32 @p0 $0x1  }
0x13: {  	[smem:$0x3FA7] =	sst s0;
	s0 =	simm.s32 @!p1 $0x0  }
0x14: {  	s2 =	sld [smem:$0x3F8B];
	s0 =	simm.s32 @p1 $0x1  }
0x15: {  	[smem:$0x3FA8] =	sst s0;
	s0 =	simm.s32 @!p2 $0x0  }
0x16: {  	s3 =	sld [smem:$0x3FDB];
	s0 =	simm.s32 @p2 $0x1  }
0x17: {  	s4 =	simm.s32 $0x1BF5;
	[smem:$0x3FAA] =	sst s0  }
0x18: {  	s0 =	sld [smem:$0x3F8D];
	_ =	swait.ge [sflag:s4], $0x0  }
0x19: {  	s7 =	sld [smem:$0x3F8E]  }
0x1a: {  	s8 =	sadd.s32 $0xFFFFE003, lr  }
0x1b: {  	s9 =	sadd.s32 $0xFFFFFEF7, lr;
	s5 =	simm.s32 $0xFFFFFFFF;
	p2 =	slt.u32 s8, $0xFFFFF086  }
0x1c: {  	p1 =	slt.u32 s9, $0xF7A;
	s5 =	simm.s32 @!p2 $0x0  }
0x1d: {  	s5 =	simm.s32 @p1 $0x1;
	p0 =	seq.s32 s7, s2  }
0x1e: {  	s7 =	smul.u32 @!p0 $0xF7A, s2;
	p2 =	seq.s32 @!p0 s5, $0x0  }
0x1f: {  	s9 =	smul.u32 $0xF7A, s1;
	s8 =	simm.s32 @!p0 $0x1BF5;
	p2 =	por !p2, p0  }
0x20: {  	[sflag:s8] =	ssyncset.s32 @!p0 $0xFFFFF086;
	s6 =	sadd.s32 @!p0 s3, s7;
	s7 =	simm.s32 @!p0 $0x108  }
0x21: {  	s3 =	sadd.s32 s3, s9;
	s6 =	sadd.s32 @!p0 $0x88, s6;
	s7 =	simm.s32 @p2 $0x1082  }
0x22: {  	[simem:s7], [sflag:s8] =	dma.local @!p0 [hbm:s6], $0xF7A  }
0x23: {  	s9 =	sor.u32 $0xD0000000, s2;
	s6 =	simm.s32 $0x108;
	_ =	swait.ge @!p0 [sflag:s8], $0x0  }
0x24: {  	s3 =	sadd.s32 $0x88, s3;
	s6 =	simm.s32 @!p1 $0x1082;
	[sflag:s4] =	ssyncset.s32 $0xFFFFF086  }
0x25: {  	[simem:s6], [sflag:s4] =	dma.local [hbm:s3], $0xF7A  }
0x26: {  	[smem:$0x3F8E] =	sst s1;
	(tag) =	ssettag s2;
	_ =	strace s9  }
0x27: {  	s1 =	sld [smem:$0x3F9E]  }
0x28: {  	s2 =	sld [smem:$0x3F9F]  }
0x29: {  	s4 =	sld [smem:$0x3FA1]  }
0x2a: {  	p0 =	seq.s32 s5, $0x0;
	s5 =	sld [smem:$0x3FA2]  }
0x2b: {  	s6 =	sld [smem:$0x3FA3]  }
0x2c: {  	s7 =	sld [smem:$0x3FA4]  }
0x2d: {  	s3 =	simm.s32 $0x108;
	s8 =	sld [smem:$0x3FA5]  }
0x2e: {  	s3 =	simm.s32 @!p0 $0x1082;
	s9 =	sld [smem:$0x3FA6]  }
0x2f: {  	lr =	sadd.s32 s0, s3;
	s0 =	sld [smem:$0x3F9D]  }
0x30: {  	s3 =	sld [smem:$0x3FA0]  }
0x31: {  	[smem:$0x3FA9] =	sst s10  }
0x32: {  	s10 =	sld [smem:$0x3FA7];
	_ =	sdelay $0x3  }
0x33: {  	p0 =	seq.s32 s10, $0x1;
	s10 =	sld [smem:$0x3FA9];
	_ =	sdelay $0x3  }
0x34: {  	[smem:$0x3FA9] =	sst s10  }
0x35: {  	s10 =	sld [smem:$0x3FA8];
	_ =	sdelay $0x3  }
0x36: {  	p1 =	seq.s32 s10, $0x1;
	s10 =	sld [smem:$0x3FA9];
	_ =	sdelay $0x3  }
0x37: {  	[smem:$0x3FA9] =	sst s10  }
0x38: {  	s10 =	sld [smem:$0x3FAA]  }
0x39: {  	_ = 	snop;
	(pc) =	sbr.ind lr, $3  }
0x3a: {  	_ = 	snop  }
0x3b: {  	_ = 	snop  }
0x3c: {  	p2 =	seq.s32 s10, $0x1;
	s10 =	sld [smem:$0x3FA9]  }
0x3d: {  	_ =	shalt  }
0x3e: {  	_ =	shalt  }
0x3f: {  	_ =	shalt  }
0x40: {  	_ =	shalt  }
0x41: {  	_ =	shalt  }
0x42: {  	_ =	shalt  }
0x43: {  	_ =	shalt  }
0x44: {  	_ =	shalt  }
0x45: {  	_ =	shalt  }
0x46: {  	_ =	shalt  }
0x47: {  	_ =	shalt  }
0x48: {  	_ =	shalt  }
0x49: {  	_ =	shalt  }
0x4a: {  	_ =	shalt  }
0x4b: {  	_ =	shalt  }
0x4c: {  	_ =	shalt  }
0x4d: {  	_ =	shalt  }
0x4e: {  	_ =	shalt  }
0x4f: {  	_ =	shalt  }
0x50: {  	_ =	shalt  }
0x51: {  	_ =	shalt  }
0x52: {  	_ =	shalt  }
0x53: {  	_ =	shalt  }
0x54: {  	_ =	shalt  }
0x55: {  	_ =	shalt  }
0x56: {  	_ =	shalt  }
0x57: {  	_ =	shalt  }
0x58: {  	_ =	shalt  }
0x59: {  	_ =	shalt  }
0x5a: {  	_ =	shalt  }
0x5b: {  	_ =	shalt  }
0x5c: {  	_ =	shalt  }
0x5d: {  	_ =	shalt  }
0x5e: {  	_ =	shalt  }
0x5f: {  	_ =	shalt  }
0x60: {  	_ =	shalt  }
0x61: {  	_ =	shalt  }
0x62: {  	_ =	shalt  }
0x63: {  	_ =	shalt  }
0x64: {  	_ =	shalt  }
0x65: {  	_ =	shalt  }
0x66: {  	_ =	shalt  }
0x67: {  	_ =	shalt  }
0x68: {  	_ =	shalt  }
0x69: {  	_ =	shalt  }
0x6a: {  	_ =	shalt  }
0x6b: {  	_ =	shalt  }
0x6c: {  	_ =	shalt  }
0x6d: {  	_ =	shalt  }
0x6e: {  	_ =	shalt  }
0x6f: {  	_ =	shalt  }
0x70: {  	_ =	shalt  }
0x71: {  	_ =	shalt  }
0x72: {  	_ =	shalt  }
0x73: {  	_ =	shalt  }
0x74: {  	_ =	shalt  }
0x75: {  	_ =	shalt  }
0x76: {  	_ =	shalt  }
0x77: {  	_ =	shalt  }
0x78: {  	_ =	shalt  }
0x79: {  	_ =	shalt  }
0x7a: {  	_ =	shalt  }
0x7b: {  	_ =	shalt  }
0x7c: {  	_ =	shalt  }
0x7d: {  	_ =	shalt  }
0x7e: {  	_ =	shalt  }
0x7f: {  	_ =	shalt  }
0x80: {  	_ =	shalt  }
0x81: {  	_ =	shalt  }
0x82: {  	_ =	shalt  }
0x83: {  	_ =	shalt  }
0x84: {  	_ =	shalt  }
0x85: {  	_ =	shalt  }
0x86: {  	_ =	shalt  }
0x87: {  	_ =	shalt  }
.Lfunc_end0:
.L_simem_size_0:
called_computation.1_lowered:
.L_overlay_start_0:
0x88: {  	s2 =	sld [smem:$0x3FD9]  }
0x89: {  	s3 =	sld [smem:$0x3FFE];
	_ =	sdelay $0x1  }
0x8a: {  	s1 =	srdreg.scid  }
0x8b: {  	s0 =	sand.u32 $0x1, s1  }
0x8c: {  	s14 =	sshll.u32 s0, $0xA;
	s2 =	sadd.s32 s3, s2  }
0x8d: {  	s2 =	sadd.s32 s2, s14  }
0x8e: {  	[smem:$0x3FB5] =	sst s2  }
0x8f: {  	_ = 	snop  }
0x90: {  	s2 =	sld [smem:$0x3FD0];
	_ =	sdelay $0x2  }
0x91: {  	s15 =	simm.s32 $0xB;
	s4 =	simm.s32 $0x10  }
0x92: {  	[smem:s4], [sflag:s15] =	dma.local [hbm:s2], $0x1  }
0x93: {  	_ =	swait.eq [sflag:s15], $0x1  }
0x94: {  	[sflag:s15] =	ssyncset.done $0x0  }
0x95: {  	[sflag:s15] =	ssyncadd.s32 $0xFFFFFFFF  }
0x96: {  	s16 =	sld [smem:$0x10];
	(tm) =	ssettm $0x1  }
0x97: {  	s17 =	sld [smem:$0x3FFB];
	_ =	sdelay $0x3  }
0x98: {  	_ =	strace s17  }
0x99: {  	s3 =	sld [smem:$0x3FFC];
	_ =	sdelay $0x3  }
0x9a: {  	_ =	strace s3  }
0x9b: {  	s3 =	sld [smem:$0x3FFD];
	_ =	sdelay $0x3  }
0x9c: {  	_ =	strace s3  }
0x9d: {  	_ =	strace $0x8FFFFFFF  }
0x9e: {  	s18 =	sld [smem:$0x3FDB];
	_ =	sdelay $0x1  }
0x9f: {  	s19 =	simm.s32 $_scs_section_size  }
0xa0: {  	s5 =	simm.s32 $_size__tile_overlayer_lowered;
	s6 =	simm.s32 $_tile_overlayer_lowered  }
0xa1: {  	s22 =	simm.s32 $0x1BFF;
	s21 =	sshll.u32 s6, $0x1;
	s3 =	sadd.s32 s19, s18  }
0xa2: {  	s7 =	simm.s32 $0x0;
	s20 =	sshll.u32 s5, $0x1;
	s5 =	sadd.s32 s21, s3  }
0xa3: {  	[timem:s7], [sflag:s22] =	dma.local [hbm:s5], s20  }
0xa4: {  	_ =	swait.ge [sflag:s22], s20  }
0xa5: {  	s4 =	ssub.s32 $0x0, s20;
	[sflag:s22] =	ssyncset.done $0x0  }
0xa6: {  	[sflag:s22] =	ssyncadd.s32 s4;
	_ =	sdelay $0x1  }
0xa7: {  	s23 =	simm.s32 $0x1B8B  }
0xa8: {  	_ =	swait.ge [sflag:s23], $0x1  }
0xa9: {  	[sflag:s23] =	ssyncset.done $0x0  }
0xaa: {  	s25 =	simm.s32 $0x1B8E;
	s24 =	sld [smem:$0x3FFE];
	[sflag:s23] =	ssyncadd.s32 $0xFFFFFFFF  }
0xab: {  	s26 =	simm.s32 $execute0_lowered;
	[smem:$0x3FD2] =	sst s25  }
0xac: {  	s5 =	sshll.u32 s26, $0x1;
	_ =	strace $0x80000046;
	[dreg:$0x1] =	wrdreg $0xFFFFFFFF  }
0xad: {  	s28 =	simm.s32 $_size_execute0_lowered;
	s3 =	sadd.s32 s3, s5;
	[dreg:$0x0] =	wrdreg $0x0  }
0xae: {  	s5 =	sshll.u32 s28, $0x1;
	[dreg:$0x2] =	wrdreg s3  }
0xaf: {  	[dreg:$0x3] =	wrdreg s5  }
0xb0: {  	[dreg:$0x4] =	wrdreg $0xC0  }
0xb1: {  	_ =	task [dreg:s7], $0x5FFFF  }
0xb2: {  	[dreg:$0x1] =	wrdreg $0xFFFFFFFF  }
0xb3: {  	[dreg:$0x0] =	wrdreg $0x60  }
0xb4: {  	[dreg:$0x2] =	wrdreg s16  }
0xb5: {  	[dreg:$0x3] =	wrdreg s24  }
0xb6: {  	[dreg:$0x4] =	wrdreg $0xC0000  }
0xb7: {  	[dreg:$0x5] =	wrdreg $0xA  }
0xb8: {  	_ =	task.clear_ibuf [dreg:s7], $0x6FFFF;
	_ =	strace $0x90000046  }
0xb9: {  	s29 =	simm.s32 $0xA;
	_ =	strace $0x80000048  }
0xba: {  	_ =	swait.ge [sflag:s29], $0x1  }
0xbb: {  	[sflag:s29] =	ssyncadd.s32 $0xFFFFFFFF  }
0xbc: {  	_ =	strace $0x90000048  }
0xbd: {  	_ =	sfence  }
0xbe: {  	s30 =	sld [smem:$0x0];
	_ =	sdelay $0x2  }
0xbf: {  	s31 =	sshll.u32 s1, $0xD;
	s1 =	sshrl.u32 s1, $0x2  }
0xc0: {  	s3 =	sand.u32 $0x4000, s31;
	s1 =	sadd.s32 s1, s30  }
0xc1: {  	s0 =	sor.u32 s3, s0;
	s1 =	sshll.u32 s1, $0x11  }
0xc2: {  	s0 =	sor.u32 s1, s0  }
0xc3: {  	s0 =	sadd.s32 $0x8F2B, s0  }
0xc4: {  	[sflag:s0] =	ssyncadd.remote.s32 $0x1  }
0xc5: {  	_ =	sfence.sel $0xFFFF  }
0xc6: {  	[dreg:$0x0] =	wrdreg $0xFFFFFFFF;
	(pc) =	sbr.abs _section_cstart, $3  }
0xc7: {  	[dreg:$0x1] =	wrdreg $0xFFFFFFFF  }
0xc8: {  	_ =	task.clear_ibuf [dreg:s7], $0x2FFFF;
	_ =	strace $0x9FFFFFFF  }
0xc9: {  	(tm) =	ssettm $0x7FFFFFFF  }
tec
execute0_lowered:
.L_overlay_start_1:
0x0: {  	(tag) =	ssettag $0x1  }
0x1: {  	s1 =	rddreg [dreg:$0x0]  }
0x2: {  	s5 =	rddreg [dreg:$0x1]  }
0x3: {  	s3 =	rddreg [dreg:$0x2]  }
0x4: {  	s0 =	rddreg [dreg:$0x3];
	s4 =	simm.s32 $0x0  }
0x5: {  	s6 =	srdreg.scid;
	s2 =	stileid.u32;
	s14 =	simm.s32 $0x8000  }
0x6: {  	s15 =	simm.s32 $0x1;
	[smem:$0x7FF] =	sst s4;
	s16 =	smul.u32 $0x2780, s2  }
0x7: {  	s9 =	sand.u32 $0x1, s6;
	s7 =	sshll.u32 s2, $0xB;
	s28 =	smul.u32 $0x4F000, s2  }
0x8: {  	s31 =	sshll.u32 s2, $0x6;
	s6 =	sshll.u32 s9, $0xF;
	s8 =	smul.u32 $0x27800, s9  }
0x9: {  	_ =	strace $0x80000047;
	s11 =	ssub.s32 $0x2, s9;
	p0 =	seq.s32 s9, $0x1  }
0xa: {  	s6 =	sor.u32 s7, s6;
	s29 =	sadd.s32 s16, s5;
	s30 =	sshrl.u32 s11, $0x1  }
0xb: {  	s7 =	sshrl.u32 s28, $0x2;
	s10 =	sadd.s32 s6, s5;
	s12 =	sadd.s32 s8, s5  }
.Ltmp0:
0xc: {  	s11 =	ssub.s32 s11, s30;
	s13 =	sadd.s32 s7, s3;
	(pc) =	sbr.rel .LBB2_1-.Ltmp0, $4  }
0xd: {  	s5 =	sadd.s32 $0x26200, s29;
	s6 =	sor.u32 $0x1C02, s31;
	s7 =	sadd.s32 $0x6200, s10  }
0xe: {  	s8 =	sadd.s32 $0x16200, s10;
	s17 =	sadd.s32 $0x4DA00, s12;
	s9 =	smax.u32 s11, $0x1  }
0xf: {  	s10 =	sshrl.u32 s13, $0x3;
	s11 =	simm.s32 $0x2;
	s12 =	simm.s32 $0x4000  }
0x10: {  	s13 =	simm.s32 $0x80;
	s16 =	sadd.s32 s16, s17;
	s17 =	simm.s32 $0x0  }
.LBB2_7:
0x11: {  	s18 =	sshra.s32 s18, $0x2;
	[sflag:s11] =	ssyncadd.s32 $0xFFFFC000  }
0x12: {  	[tilespmem:s14], [sflag:$0x1] =	stream.indirect.gather [hbm4b:s1+s13], $0x80, s18, s13, $0xb8;
	[tilespmem:$0x1FC00] =	vst v63  }
0x13: {  	_ =	swait.ge [sflag:s15], $0x4000  }
0x14: {  	[sflag:s15] =	ssyncset.done $0x0  }
0x15: {  	s18 =	sadd.s32 $0x4000, s18;
	[sflag:s15] =	ssyncadd.s32 $0xFFFFC000  }
0x16: {  	[spmem:s3] =	stream.indirect.scatter.add.f32 [tilespmem:s14], [sflag:$0x2], $0x80, s18, s13, $0xb8;
	[tilespmem:$0x1FC00] =	vst v63  }
0x17: {  	_ =	swait.ge [sflag:s11], $0x4000  }
0x18: {  	[sflag:s11] =	ssyncset.done $0x0  }
0x19: {  	[sflag:s11] =	ssyncadd.s32 $0xFFFFC000  }
.LBB2_8:
0x1a: {  	s17 =	sadd.s32 $0x1, s17  }
0x1b: {  	p1 =	sne.s32 s17, s9  }
.Ltmp1:
0x1c: {  	[bflag:$0x0] =	sbarrier.arrive $0xFFFF;
	(pc) =	sbr.rel @!p1 .LBB2_9-.Ltmp1, $4  }
0x1d: {  	[hbm:s16], [sflag:s6] =	dma.local [spmem:s10], $0x2780  }
0x1e: {  	_ =	swait.ge [sflag:s11], $0x2780  }
0x1f: {  	[sflag:s11] =	ssyncset.done $0x0  }
0x20: {  	[sflag:s11] =	ssyncadd.s32 $0xFFFFD880  }
.LBB2_1:
0x21: {  	[spmem:s10], [sflag:s6] =	dma.local [hbm:s5], $0x2780  }
0x22: {  	_ =	swait.ge [sflag:s11], $0x2780  }
0x23: {  	[sflag:s11] =	ssyncset.done $0x0  }
0x24: {  	[sflag:s11] =	ssyncadd.s32 $0xFFFFD880  }
0x25: {  	[tilespmem:s12], [sflag:$0x2] =	stream.linear.gather [hbm4b:s7+s4], $0x3E00, $0x38;
	[tilespmem:$0x1FC00] =	vst v63  }
0x26: {  	_ =	swait.ge [sflag:s11], $0x3E00  }
0x27: {  	[sflag:s11] =	ssyncset.done $0x0  }
0x28: {  	[sflag:s11] =	ssyncadd.s32 $0xFFFFC200  }
0x29: {  	[tilespmem:s4], [sflag:$0x2] =	stream.linear.gather [hbm4b:s8+s4], $0x3E00, $0x38;
	[tilespmem:$0x1FC00] =	vst v63  }
.Ltmp2:
0x2a: {  	_ =	swait.ge [sflag:s11], $0x3E00;
	(pc) =	sbr.rel @!p0 .LBB2_2-.Ltmp2, $4  }
0x2b: {  	[sflag:s11] =	ssyncset.done $0x0  }
0x2c: {  	[sflag:s11] =	ssyncadd.s32 $0xFFFFC200  }
0x2d: {  	[bflag:$0x0] =	sbarrier.arrive $0xFFFF  }
0x2e: {  	s18 =	simm.s32 $0x0  }
0x2f: {  	[tilespmem:s14], [sflag:$0x1] =	stream.indirect.gather [hbm4b:s1+s13], $0x80, s18, s13, $0xb8;
	[tilespmem:$0x1FC00] =	vst v63  }
0x30: {  	_ =	swait.ge [sflag:s15], $0x4000  }
0x31: {  	[sflag:s15] =	ssyncset.done $0x0  }
0x32: {  	s31 =	simm.s32 $0x4000;
	[sflag:s15] =	ssyncadd.s32 $0xFFFFC000  }
0x33: {  	[spmem:s3] =	stream.indirect.scatter.add.f32 [tilespmem:s14], [sflag:$0x2], $0x80, s31, s13, $0xb8;
	[tilespmem:$0x1FC00] =	vst v63  }
0x34: {  	_ =	swait.ge [sflag:s11], $0x4000  }
0x35: {  	s18 =	simm.s32 $0x200;
	s19 =	simm.s32 $0x400;
	[sflag:s11] =	ssyncset.done $0x0  }
.LBB2_6:
0x36: {  	s20 =	sshra.s32 s18, $0x2  }
0x37: {  	[sflag:s11] =	ssyncadd.s32 $0xFFFFC000;
	s18 =	smov.u32 s19;
	s21 =	sadd.s32 $0x200, s19  }
0x38: {  	[tilespmem:s14], [sflag:$0x1] =	stream.indirect.gather [hbm4b:s1+s13], $0x80, s20, s13, $0xb8;
	[tilespmem:$0x1FC00] =	vst v63  }
0x39: {  	p1 =	sne.s32 s19, $0x4200;
	_ =	swait.ge [sflag:s15], $0x4000  }
.Ltmp3:
0x3a: {  	[sflag:s15] =	ssyncset.done $0x0;
	(pc) =	sbr.rel @p1 .LBB2_6-.Ltmp3, $4  }
0x3b: {  	s19 =	sadd.s32 $0x4000, s20;
	[sflag:s15] =	ssyncadd.s32 $0xFFFFC000  }
0x3c: {  	[spmem:s3] =	stream.indirect.scatter.add.f32 [tilespmem:s14], [sflag:$0x2], $0x80, s19, s13, $0xb8;
	[tilespmem:$0x1FC00] =	vst v63  }
0x3d: {  	_ =	swait.ge [sflag:s11], $0x4000  }
0x3e: {  	s19 =	smov.u32 s21;
	[sflag:s11] =	ssyncset.done $0x0  }
.Ltmp4:
0x3f: {  	_ = 	snop;
	(pc) =	sbr.rel .LBB2_7-.Ltmp4, $1  }
0x40: {  	_ =	sdelay $0x3  }
.LBB2_2:
0x41: {  	[tilespmem:s14], [sflag:$0x1] =	stream.indirect.gather [hbm4b:s1+s13], $0x80, s18, s13, $0xb8;
	[tilespmem:$0x1FC00] =	vst v63  }
0x42: {  	_ =	swait.ge [sflag:s15], $0x4000  }
0x43: {  	[sflag:s15] =	ssyncset.done $0x0  }
0x44: {  	s31 =	simm.s32 $0x4000;
	[sflag:s15] =	ssyncadd.s32 $0xFFFFC000  }
0x45: {  	[spmem:s3] =	stream.indirect.scatter.add.f32 [tilespmem:s14], [sflag:$0x2], $0x80, s31, s13, $0xb8;
	[tilespmem:$0x1FC00] =	vst v63  }
0x46: {  	_ =	swait.ge [sflag:s11], $0x4000  }
0x47: {  	s18 =	simm.s32 $0x200;
	s19 =	simm.s32 $0x400;
	[sflag:s11] =	ssyncset.done $0x0  }
.LBB2_3:
0x48: {  	s20 =	sshra.s32 s18, $0x2  }
0x49: {  	[sflag:s11] =	ssyncadd.s32 $0xFFFFC000;
	s18 =	smov.u32 s19;
	s21 =	sadd.s32 $0x200, s19  }
0x4a: {  	[tilespmem:s14], [sflag:$0x1] =	stream.indirect.gather [hbm4b:s1+s13], $0x80, s20, s13, $0xb8;
	[tilespmem:$0x1FC00] =	vst v63  }
0x4b: {  	p1 =	seq.s32 s19, $0xF600;
	_ =	swait.ge [sflag:s15], $0x4000  }
.Ltmp5:
0x4c: {  	[sflag:s15] =	ssyncset.done $0x0;
	(pc) =	sbr.rel @!p1 .LBB2_3-.Ltmp5, $4  }
0x4d: {  	s19 =	sadd.s32 $0x4000, s20;
	[sflag:s15] =	ssyncadd.s32 $0xFFFFC000  }
0x4e: {  	[spmem:s3] =	stream.indirect.scatter.add.f32 [tilespmem:s14], [sflag:$0x2], $0x80, s19, s13, $0xb8;
	[tilespmem:$0x1FC00] =	vst v63  }
0x4f: {  	_ =	swait.ge [sflag:s11], $0x4000  }
0x50: {  	s19 =	smov.u32 s21;
	[sflag:s11] =	ssyncset.done $0x0  }
0x51: {  	s18 =	sshra.s32 s18, $0x2;
	[sflag:s11] =	ssyncadd.s32 $0xFFFFC000  }
0x52: {  	[tilespmem:s14], [sflag:$0x1] =	stream.indirect.gather [hbm4b:s1+s13], $0x80, s18, s13, $0xb8;
	[tilespmem:$0x1FC00] =	vst v63  }
0x53: {  	_ =	swait.ge [sflag:s15], $0x4000  }
0x54: {  	[sflag:s15] =	ssyncset.done $0x0  }
.Ltmp6:
0x55: {  	s18 =	sadd.s32 $0x4000, s18;
	[sflag:s15] =	ssyncadd.s32 $0xFFFFC000;
	(pc) =	sbr.rel .LBB2_8-.Ltmp6, $4  }
0x56: {  	[spmem:s3] =	stream.indirect.scatter.add.f32 [tilespmem:s14], [sflag:$0x2], $0x80, s18, s13, $0xb8;
	[tilespmem:$0x1FC00] =	vst v63  }
0x57: {  	_ =	swait.ge [sflag:s11], $0x4000  }
0x58: {  	[sflag:s11] =	ssyncset.done $0x0  }
0x59: {  	[sflag:s11] =	ssyncadd.s32 $0xFFFFC000  }
.LBB2_9:
0x5a: {  	_ =	sfence.sel $0x180000  }
0x5b: {  	[bflag:$0x0] =	sbarrier.arrive $0xFFFF  }
0x5c: {  	p0 =	sne.s32 s2, $0x0;
	_ =	strace $0x90000047  }
0x5d: {  	s0 =	sadd.s32 @!p0 $0x100000, s0;
	[bflag:$0x2] =	sbarrier.arrive $0xFFFF  }
0x5e: {  	[sflag:s0] =	ssyncadd.tile.s32 @!p0 $0x1;
	_ =	shalt  }
.Lfunc_end2:
_tile_overlayer_lowered:
.L_overlay_start_2:
0x5f: {  	(tag) =	ssettag $0x2  }
0x60: {  	s0 =	rddreg [dreg:$0x0];
	s2 =	stileid.u32  }
0x61: {  	s1 =	rddreg [dreg:$0x1];
	p0 =	sne.s32 s2, $0x0  }
0x62: {  	s3 =	rddreg [dreg:$0x2];
	[bflag:$0x3] =	sbarrier.arrive $0xFFFF;
	s2 =	simm.s32 @!p0 $0x1C02  }
0x63: {  	[timem:s3], [sflag:s2] =	dma.local @!p0 [hbm:s0], s1  }
0x64: {  	s0 =	simm.s32 @!p0 $0x2  }
0x65: {  	_ =	swait.ge @!p0 [sflag:s0], s1  }
0x66: {  	s1 =	ssub.s32 @!p0 $0x0, s1;
	[sflag:s0] =	ssyncset.done @!p0 $0x0  }
0x67: {  	[sflag:s0] =	ssyncadd.s32 @!p0 s1  }
0x68: {  	[bflag:$0x3] =	sbarrier.arrive $0xFFFF  }
0x69: {  	_ =	shalt  }

// kernel: kernel.17.cloned.1.call-start
scs
__scs_entry_jumppad:
0x0: {  	(pc) =	sbr.rel $0x88, $3  }
0x1: {  	(tag) =	ssettag $0x0;
	lr =	simm.s32 $0x1  }
0x2: {  	[smem:$0x3F8E] =	sst lr;
	_ =	strace $0xD0000000  }
0x3: {  	_ = 	snop  }
0x4: {  	_ = 	snop  }
0x5: {  	_ = 	snop  }
0x6: {  	_ = 	snop  }
0x7: {  	_ = 	snop  }
__scs_overlays_trampoline_lowered:
0x8: {  	[smem:$0x3F9D] =	sst s0  }
0x9: {  	[smem:$0x3F9E] =	sst s1  }
0xa: {  	[smem:$0x3F9F] =	sst s2  }
0xb: {  	[smem:$0x3FA0] =	sst s3  }
0xc: {  	[smem:$0x3FA1] =	sst s4  }
0xd: {  	[smem:$0x3FA2] =	sst s5  }
0xe: {  	[smem:$0x3FA3] =	sst s6  }
0xf: {  	[smem:$0x3FA4] =	sst s7  }
0x10: {  	[smem:$0x3FA5] =	sst s8  }
0x11: {  	[smem:$0x3FA6] =	sst s9;
	s0 =	simm.s32 @!p0 $0x0  }
0x12: {  	s1 =	sld [smem:$0x3F8C];
	s0 =	simm.s32 @p0 $0x1  }
0x13: {  	[smem:$0x3FA7] =	sst s0;
	s0 =	simm.s32 @!p1 $0x0  }
0x14: {  	s2 =	sld [smem:$0x3F8B];
	s0 =	simm.s32 @p1 $0x1  }
0x15: {  	[smem:$0x3FA8] =	sst s0;
	s0 =	simm.s32 @!p2 $0x0  }
0x16: {  	s3 =	sld [smem:$0x3FDB];
	s0 =	simm.s32 @p2 $0x1  }
0x17: {  	s4 =	simm.s32 $0x1BF5;
	[smem:$0x3FAA] =	sst s0  }
0x18: {  	s0 =	sld [smem:$0x3F8D];
	_ =	swait.ge [sflag:s4], $0x0  }
0x19: {  	s7 =	sld [smem:$0x3F8E]  }
0x1a: {  	s8 =	sadd.s32 $0xFFFFE003, lr  }
0x1b: {  	s9 =	sadd.s32 $0xFFFFFEF7, lr;
	s5 =	simm.s32 $0xFFFFFFFF;
	p2 =	slt.u32 s8, $0xFFFFF086  }
0x1c: {  	p1 =	slt.u32 s9, $0xF7A;
	s5 =	simm.s32 @!p2 $0x0  }
0x1d: {  	s5 =	simm.s32 @p1 $0x1;
	p0 =	seq.s32 s7, s2  }
0x1e: {  	s7 =	smul.u32 @!p0 $0xF7A, s2;
	p2 =	seq.s32 @!p0 s5, $0x0  }
0x1f: {  	s9 =	smul.u32 $0xF7A, s1;
	s8 =	simm.s32 @!p0 $0x1BF5;
	p2 =	por !p2, p0  }
0x20: {  	[sflag:s8] =	ssyncset.s32 @!p0 $0xFFFFF086;
	s6 =	sadd.s32 @!p0 s3, s7;
	s7 =	simm.s32 @!p0 $0x108  }
0x21: {  	s3 =	sadd.s32 s3, s9;
	s6 =	sadd.s32 @!p0 $0x88, s6;
	s7 =	simm.s32 @p2 $0x1082  }
0x22: {  	[simem:s7], [sflag:s8] =	dma.local @!p0 [hbm:s6], $0xF7A  }
0x23: {  	s9 =	sor.u32 $0xD0000000, s2;
	s6 =	simm.s32 $0x108;
	_ =	swait.ge @!p0 [sflag:s8], $0x0  }
0x24: {  	s3 =	sadd.s32 $0x88, s3;
	s6 =	simm.s32 @!p1 $0x1082;
	[sflag:s4] =	ssyncset.s32 $0xFFFFF086  }
0x25: {  	[simem:s6], [sflag:s4] =	dma.local [hbm:s3], $0xF7A  }
0x26: {  	[smem:$0x3F8E] =	sst s1;
	(tag) =	ssettag s2;
	_ =	strace s9  }
0x27: {  	s1 =	sld [smem:$0x3F9E]  }
0x28: {  	s2 =	sld [smem:$0x3F9F]  }
0x29: {  	s4 =	sld [smem:$0x3FA1]  }
0x2a: {  	p0 =	seq.s32 s5, $0x0;
	s5 =	sld [smem:$0x3FA2]  }
0x2b: {  	s6 =	sld [smem:$0x3FA3]  }
0x2c: {  	s7 =	sld [smem:$0x3FA4]  }
0x2d: {  	s3 =	simm.s32 $0x108;
	s8 =	sld [smem:$0x3FA5]  }
0x2e: {  	s3 =	simm.s32 @!p0 $0x1082;
	s9 =	sld [smem:$0x3FA6]  }
0x2f: {  	lr =	sadd.s32 s0, s3;
	s0 =	sld [smem:$0x3F9D]  }
0x30: {  	s3 =	sld [smem:$0x3FA0]  }
0x31: {  	[smem:$0x3FA9] =	sst s10  }
0x32: {  	s10 =	sld [smem:$0x3FA7];
	_ =	sdelay $0x3  }
0x33: {  	p0 =	seq.s32 s10, $0x1;
	s10 =	sld [smem:$0x3FA9];
	_ =	sdelay $0x3  }
0x34: {  	[smem:$0x3FA9] =	sst s10  }
0x35: {  	s10 =	sld [smem:$0x3FA8];
	_ =	sdelay $0x3  }
0x36: {  	p1 =	seq.s32 s10, $0x1;
	s10 =	sld [smem:$0x3FA9];
	_ =	sdelay $0x3  }
0x37: {  	[smem:$0x3FA9] =	sst s10  }
0x38: {  	s10 =	sld [smem:$0x3FAA]  }
0x39: {  	_ = 	snop;
	(pc) =	sbr.ind lr, $3  }
0x3a: {  	_ = 	snop  }
0x3b: {  	_ = 	snop  }
0x3c: {  	p2 =	seq.s32 s10, $0x1;
	s10 =	sld [smem:$0x3FA9]  }
0x3d: {  	_ =	shalt  }
0x3e: {  	_ =	shalt  }
0x3f: {  	_ =	shalt  }
0x40: {  	_ =	shalt  }
0x41: {  	_ =	shalt  }
0x42: {  	_ =	shalt  }
0x43: {  	_ =	shalt  }
0x44: {  	_ =	shalt  }
0x45: {  	_ =	shalt  }
0x46: {  	_ =	shalt  }
0x47: {  	_ =	shalt  }
0x48: {  	_ =	shalt  }
0x49: {  	_ =	shalt  }
0x4a: {  	_ =	shalt  }
0x4b: {  	_ =	shalt  }
0x4c: {  	_ =	shalt  }
0x4d: {  	_ =	shalt  }
0x4e: {  	_ =	shalt  }
0x4f: {  	_ =	shalt  }
0x50: {  	_ =	shalt  }
0x51: {  	_ =	shalt  }
0x52: {  	_ =	shalt  }
0x53: {  	_ =	shalt  }
0x54: {  	_ =	shalt  }
0x55: {  	_ =	shalt  }
0x56: {  	_ =	shalt  }
0x57: {  	_ =	shalt  }
0x58: {  	_ =	shalt  }
0x59: {  	_ =	shalt  }
0x5a: {  	_ =	shalt  }
0x5b: {  	_ =	shalt  }
0x5c: {  	_ =	shalt  }
0x5d: {  	_ =	shalt  }
0x5e: {  	_ =	shalt  }
0x5f: {  	_ =	shalt  }
0x60: {  	_ =	shalt  }
0x61: {  	_ =	shalt  }
0x62: {  	_ =	shalt  }
0x63: {  	_ =	shalt  }
0x64: {  	_ =	shalt  }
0x65: {  	_ =	shalt  }
0x66: {  	_ =	shalt  }
0x67: {  	_ =	shalt  }
0x68: {  	_ =	shalt  }
0x69: {  	_ =	shalt  }
0x6a: {  	_ =	shalt  }
0x6b: {  	_ =	shalt  }
0x6c: {  	_ =	shalt  }
0x6d: {  	_ =	shalt  }
0x6e: {  	_ =	shalt  }
0x6f: {  	_ =	shalt  }
0x70: {  	_ =	shalt  }
0x71: {  	_ =	shalt  }
0x72: {  	_ =	shalt  }
0x73: {  	_ =	shalt  }
0x74: {  	_ =	shalt  }
0x75: {  	_ =	shalt  }
0x76: {  	_ =	shalt  }
0x77: {  	_ =	shalt  }
0x78: {  	_ =	shalt  }
0x79: {  	_ =	shalt  }
0x7a: {  	_ =	shalt  }
0x7b: {  	_ =	shalt  }
0x7c: {  	_ =	shalt  }
0x7d: {  	_ =	shalt  }
0x7e: {  	_ =	shalt  }
0x7f: {  	_ =	shalt  }
0x80: {  	_ =	shalt  }
0x81: {  	_ =	shalt  }
0x82: {  	_ =	shalt  }
0x83: {  	_ =	shalt  }
0x84: {  	_ =	shalt  }
0x85: {  	_ =	shalt  }
0x86: {  	_ =	shalt  }
0x87: {  	_ =	shalt  }
.Lfunc_end0:
.L_simem_size_0:
called_computation.2_lowered:
.L_overlay_start_0:
0x88: {  	s2 =	sld [smem:$0x3FD9]  }
0x89: {  	s3 =	sld [smem:$0x3FFE];
	_ =	sdelay $0x1  }
0x8a: {  	s1 =	srdreg.scid  }
0x8b: {  	s0 =	sand.u32 $0x1, s1  }
0x8c: {  	s14 =	sshll.u32 s0, $0xA;
	s2 =	sadd.s32 s3, s2  }
0x8d: {  	s2 =	sadd.s32 s2, s14  }
0x8e: {  	[smem:$0x3FB5] =	sst s2  }
0x8f: {  	_ = 	snop  }
0x90: {  	s2 =	sld [smem:$0x3FD0];
	_ =	sdelay $0x2  }
0x91: {  	s15 =	simm.s32 $0xB;
	s4 =	simm.s32 $0x10  }
0x92: {  	[smem:s4], [sflag:s15] =	dma.local [hbm:s2], $0x1  }
0x93: {  	_ =	swait.eq [sflag:s15], $0x1  }
0x94: {  	[sflag:s15] =	ssyncset.done $0x0  }
0x95: {  	[sflag:s15] =	ssyncadd.s32 $0xFFFFFFFF  }
0x96: {  	s16 =	sld [smem:$0x10];
	(tm) =	ssettm $0x1  }
0x97: {  	s17 =	sld [smem:$0x3FFB];
	_ =	sdelay $0x3  }
0x98: {  	_ =	strace s17  }
0x99: {  	s3 =	sld [smem:$0x3FFC];
	_ =	sdelay $0x3  }
0x9a: {  	_ =	strace s3  }
0x9b: {  	s3 =	sld [smem:$0x3FFD];
	_ =	sdelay $0x3  }
0x9c: {  	_ =	strace s3  }
0x9d: {  	_ =	strace $0x8FFFFFFF  }
0x9e: {  	s18 =	sld [smem:$0x3FDB];
	_ =	sdelay $0x1  }
0x9f: {  	s19 =	simm.s32 $_scs_section_size  }
0xa0: {  	s5 =	simm.s32 $_size__tile_overlayer_lowered;
	s6 =	simm.s32 $_tile_overlayer_lowered  }
0xa1: {  	s22 =	simm.s32 $0x1BFF;
	s21 =	sshll.u32 s6, $0x1;
	s3 =	sadd.s32 s19, s18  }
0xa2: {  	s7 =	simm.s32 $0x0;
	s20 =	sshll.u32 s5, $0x1;
	s5 =	sadd.s32 s21, s3  }
0xa3: {  	[timem:s7], [sflag:s22] =	dma.local [hbm:s5], s20  }
0xa4: {  	_ =	swait.ge [sflag:s22], s20  }
0xa5: {  	s4 =	ssub.s32 $0x0, s20;
	[sflag:s22] =	ssyncset.done $0x0  }
0xa6: {  	[sflag:s22] =	ssyncadd.s32 s4;
	_ =	sdelay $0x1  }
0xa7: {  	s23 =	simm.s32 $0x1B8B  }
0xa8: {  	_ =	swait.ge [sflag:s23], $0x1  }
0xa9: {  	[sflag:s23] =	ssyncset.done $0x0  }
0xaa: {  	s25 =	simm.s32 $0x1B8E;
	s24 =	sld [smem:$0x3FFE];
	[sflag:s23] =	ssyncadd.s32 $0xFFFFFFFF  }
0xab: {  	s26 =	simm.s32 $execute0_lowered;
	[smem:$0x3FD2] =	sst s25  }
0xac: {  	s5 =	sshll.u32 s26, $0x1;
	_ =	strace $0x8000004C;
	[dreg:$0x1] =	wrdreg $0xFFFFFFFF  }
0xad: {  	s28 =	simm.s32 $_size_execute0_lowered;
	s3 =	sadd.s32 s3, s5;
	[dreg:$0x0] =	wrdreg $0x0  }
0xae: {  	s5 =	sshll.u32 s28, $0x1;
	[dreg:$0x2] =	wrdreg s3  }
0xaf: {  	[dreg:$0x3] =	wrdreg s5  }
0xb0: {  	[dreg:$0x4] =	wrdreg $0xC0  }
0xb1: {  	_ =	task [dreg:s7], $0x5FFFF  }
0xb2: {  	[dreg:$0x1] =	wrdreg $0xFFFFFFFF  }
0xb3: {  	[dreg:$0x0] =	wrdreg $0x60  }
0xb4: {  	[dreg:$0x2] =	wrdreg s16  }
0xb5: {  	[dreg:$0x3] =	wrdreg s24  }
0xb6: {  	[dreg:$0x4] =	wrdreg $0xC0000  }
0xb7: {  	[dreg:$0x5] =	wrdreg $0x9  }
0xb8: {  	_ =	task.clear_ibuf [dreg:s7], $0x6FFFF;
	_ =	strace $0x9000004C  }
0xb9: {  	s29 =	simm.s32 $0x9;
	_ =	strace $0x8000004E  }
0xba: {  	_ =	swait.ge [sflag:s29], $0x1  }
0xbb: {  	[sflag:s29] =	ssyncadd.s32 $0xFFFFFFFF  }
0xbc: {  	_ =	strace $0x9000004E  }
0xbd: {  	_ =	sfence  }
0xbe: {  	s30 =	sld [smem:$0x0];
	_ =	sdelay $0x2  }
0xbf: {  	s31 =	sshll.u32 s1, $0xD;
	s1 =	sshrl.u32 s1, $0x2  }
0xc0: {  	s3 =	sand.u32 $0x4000, s31;
	s1 =	sadd.s32 s1, s30  }
0xc1: {  	s0 =	sor.u32 s3, s0;
	s1 =	sshll.u32 s1, $0x11  }
0xc2: {  	s0 =	sor.u32 s1, s0  }
0xc3: {  	s0 =	sadd.s32 $0x8F2B, s0  }
0xc4: {  	[sflag:s0] =	ssyncadd.remote.s32 $0x1  }
0xc5: {  	_ =	sfence.sel $0xFFFF  }
0xc6: {  	[dreg:$0x0] =	wrdreg $0xFFFFFFFF;
	(pc) =	sbr.abs _section_cstart, $3  }
0xc7: {  	[dreg:$0x1] =	wrdreg $0xFFFFFFFF  }
0xc8: {  	_ =	task.clear_ibuf [dreg:s7], $0x2FFFF;
	_ =	strace $0x9FFFFFFF  }
0xc9: {  	(tm) =	ssettm $0x7FFFFFFF  }
tec
execute0_lowered:
.L_overlay_start_1:
0x0: {  	(tag) =	ssettag $0x1  }
0x1: {  	s1 =	rddreg [dreg:$0x0]  }
0x2: {  	s5 =	rddreg [dreg:$0x1]  }
0x3: {  	s3 =	rddreg [dreg:$0x2]  }
0x4: {  	s0 =	rddreg [dreg:$0x3];
	s4 =	simm.s32 $0x0  }
0x5: {  	s6 =	srdreg.scid;
	s2 =	stileid.u32;
	s14 =	simm.s32 $0x8000  }
0x6: {  	s15 =	simm.s32 $0x1;
	[smem:$0x7FF] =	sst s4;
	s16 =	smul.u32 $0x2780, s2  }
0x7: {  	s9 =	sand.u32 $0x1, s6;
	s7 =	sshll.u32 s2, $0xB;
	s28 =	smul.u32 $0x4F000, s2  }
0x8: {  	s31 =	sshll.u32 s2, $0x6;
	s6 =	sshll.u32 s9, $0xF;
	s8 =	smul.u32 $0x27800, s9  }
0x9: {  	_ =	strace $0x8000004D;
	s11 =	ssub.s32 $0x2, s9;
	p0 =	seq.s32 s9, $0x1  }
0xa: {  	s6 =	sor.u32 s7, s6;
	s29 =	sadd.s32 s16, s5;
	s30 =	sshrl.u32 s11, $0x1  }
0xb: {  	s7 =	sshrl.u32 s28, $0x2;
	s10 =	sadd.s32 s6, s5;
	s12 =	sadd.s32 s8, s5  }
.Ltmp0:
0xc: {  	s11 =	ssub.s32 s11, s30;
	s13 =	sadd.s32 s7, s3;
	(pc) =	sbr.rel .LBB2_1-.Ltmp0, $4  }
0xd: {  	s5 =	sadd.s32 $0x26200, s29;
	s6 =	sor.u32 $0x1C02, s31;
	s7 =	sadd.s32 $0x6200, s10  }
0xe: {  	s8 =	sadd.s32 $0x16200, s10;
	s17 =	sadd.s32 $0x9BE00, s12;
	s9 =	smax.u32 s11, $0x1  }
0xf: {  	s10 =	sshrl.u32 s13, $0x3;
	s11 =	simm.s32 $0x2;
	s12 =	simm.s32 $0x4000  }
0x10: {  	s13 =	simm.s32 $0x80;
	s16 =	sadd.s32 s16, s17;
	s17 =	simm.s32 $0x0  }
.LBB2_7:
0x11: {  	s18 =	sshra.s32 s18, $0x2;
	[sflag:s11] =	ssyncadd.s32 $0xFFFFC000  }
0x12: {  	[tilespmem:s14], [sflag:$0x1] =	stream.indirect.gather [hbm4b:s1+s13], $0x80, s18, s13, $0xb8;
	[tilespmem:$0x1FC00] =	vst v63  }
0x13: {  	_ =	swait.ge [sflag:s15], $0x4000  }
0x14: {  	[sflag:s15] =	ssyncset.done $0x0  }
0x15: {  	s18 =	sadd.s32 $0x4000, s18;
	[sflag:s15] =	ssyncadd.s32 $0xFFFFC000  }
0x16: {  	[spmem:s3] =	stream.indirect.scatter.add.f32 [tilespmem:s14], [sflag:$0x2], $0x80, s18, s13, $0xb8;
	[tilespmem:$0x1FC00] =	vst v63  }
0x17: {  	_ =	swait.ge [sflag:s11], $0x4000  }
0x18: {  	[sflag:s11] =	ssyncset.done $0x0  }
0x19: {  	[sflag:s11] =	ssyncadd.s32 $0xFFFFC000  }
.LBB2_8:
0x1a: {  	s17 =	sadd.s32 $0x1, s17  }
0x1b: {  	p1 =	sne.s32 s17, s9  }
.Ltmp1:
0x1c: {  	[bflag:$0x0] =	sbarrier.arrive $0xFFFF;
	(pc) =	sbr.rel @!p1 .LBB2_9-.Ltmp1, $4  }
0x1d: {  	[hbm:s16], [sflag:s6] =	dma.local [spmem:s10], $0x2780  }
0x1e: {  	_ =	swait.ge [sflag:s11], $0x2780  }
0x1f: {  	[sflag:s11] =	ssyncset.done $0x0  }
0x20: {  	[sflag:s11] =	ssyncadd.s32 $0xFFFFD880  }
.LBB2_1:
0x21: {  	[spmem:s10], [sflag:s6] =	dma.local [hbm:s5], $0x2780  }
0x22: {  	_ =	swait.ge [sflag:s11], $0x2780  }
0x23: {  	[sflag:s11] =	ssyncset.done $0x0  }
0x24: {  	[sflag:s11] =	ssyncadd.s32 $0xFFFFD880  }
0x25: {  	[tilespmem:s12], [sflag:$0x2] =	stream.linear.gather [hbm4b:s7+s4], $0x3E00, $0x38;
	[tilespmem:$0x1FC00] =	vst v63  }
0x26: {  	_ =	swait.ge [sflag:s11], $0x3E00  }
0x27: {  	[sflag:s11] =	ssyncset.done $0x0  }
0x28: {  	[sflag:s11] =	ssyncadd.s32 $0xFFFFC200  }
0x29: {  	[tilespmem:s4], [sflag:$0x2] =	stream.linear.gather [hbm4b:s8+s4], $0x3E00, $0x38;
	[tilespmem:$0x1FC00] =	vst v63  }
.Ltmp2:
0x2a: {  	_ =	swait.ge [sflag:s11], $0x3E00;
	(pc) =	sbr.rel @!p0 .LBB2_2-.Ltmp2, $4  }
0x2b: {  	[sflag:s11] =	ssyncset.done $0x0  }
0x2c: {  	[sflag:s11] =	ssyncadd.s32 $0xFFFFC200  }
0x2d: {  	[bflag:$0x0] =	sbarrier.arrive $0xFFFF  }
0x2e: {  	s18 =	simm.s32 $0x0  }
0x2f: {  	[tilespmem:s14], [sflag:$0x1] =	stream.indirect.gather [hbm4b:s1+s13], $0x80, s18, s13, $0xb8;
	[tilespmem:$0x1FC00] =	vst v63  }
0x30: {  	_ =	swait.ge [sflag:s15], $0x4000  }
0x31: {  	[sflag:s15] =	ssyncset.done $0x0  }
0x32: {  	s31 =	simm.s32 $0x4000;
	[sflag:s15] =	ssyncadd.s32 $0xFFFFC000  }
0x33: {  	[spmem:s3] =	stream.indirect.scatter.add.f32 [tilespmem:s14], [sflag:$0x2], $0x80, s31, s13, $0xb8;
	[tilespmem:$0x1FC00] =	vst v63  }
0x34: {  	_ =	swait.ge [sflag:s11], $0x4000  }
0x35: {  	s18 =	simm.s32 $0x200;
	s19 =	simm.s32 $0x400;
	[sflag:s11] =	ssyncset.done $0x0  }
.LBB2_6:
0x36: {  	s20 =	sshra.s32 s18, $0x2  }
0x37: {  	[sflag:s11] =	ssyncadd.s32 $0xFFFFC000;
	s18 =	smov.u32 s19;
	s21 =	sadd.s32 $0x200, s19  }
0x38: {  	[tilespmem:s14], [sflag:$0x1] =	stream.indirect.gather [hbm4b:s1+s13], $0x80, s20, s13, $0xb8;
	[tilespmem:$0x1FC00] =	vst v63  }
0x39: {  	p1 =	sne.s32 s19, $0x4200;
	_ =	swait.ge [sflag:s15], $0x4000  }
.Ltmp3:
0x3a: {  	[sflag:s15] =	ssyncset.done $0x0;
	(pc) =	sbr.rel @p1 .LBB2_6-.Ltmp3, $4  }
0x3b: {  	s19 =	sadd.s32 $0x4000, s20;
	[sflag:s15] =	ssyncadd.s32 $0xFFFFC000  }
0x3c: {  	[spmem:s3] =	stream.indirect.scatter.add.f32 [tilespmem:s14], [sflag:$0x2], $0x80, s19, s13, $0xb8;
	[tilespmem:$0x1FC00] =	vst v63  }
0x3d: {  	_ =	swait.ge [sflag:s11], $0x4000  }
0x3e: {  	s19 =	smov.u32 s21;
	[sflag:s11] =	ssyncset.done $0x0  }
.Ltmp4:
0x3f: {  	_ = 	snop;
	(pc) =	sbr.rel .LBB2_7-.Ltmp4, $1  }
0x40: {  	_ =	sdelay $0x3  }
.LBB2_2:
0x41: {  	[tilespmem:s14], [sflag:$0x1] =	stream.indirect.gather [hbm4b:s1+s13], $0x80, s18, s13, $0xb8;
	[tilespmem:$0x1FC00] =	vst v63  }
0x42: {  	_ =	swait.ge [sflag:s15], $0x4000  }
0x43: {  	[sflag:s15] =	ssyncset.done $0x0  }
0x44: {  	s31 =	simm.s32 $0x4000;
	[sflag:s15] =	ssyncadd.s32 $0xFFFFC000  }
0x45: {  	[spmem:s3] =	stream.indirect.scatter.add.f32 [tilespmem:s14], [sflag:$0x2], $0x80, s31, s13, $0xb8;
	[tilespmem:$0x1FC00] =	vst v63  }
0x46: {  	_ =	swait.ge [sflag:s11], $0x4000  }
0x47: {  	s18 =	simm.s32 $0x200;
	s19 =	simm.s32 $0x400;
	[sflag:s11] =	ssyncset.done $0x0  }
.LBB2_3:
0x48: {  	s20 =	sshra.s32 s18, $0x2  }
0x49: {  	[sflag:s11] =	ssyncadd.s32 $0xFFFFC000;
	s18 =	smov.u32 s19;
	s21 =	sadd.s32 $0x200, s19  }
0x4a: {  	[tilespmem:s14], [sflag:$0x1] =	stream.indirect.gather [hbm4b:s1+s13], $0x80, s20, s13, $0xb8;
	[tilespmem:$0x1FC00] =	vst v63  }
0x4b: {  	p1 =	seq.s32 s19, $0xF600;
	_ =	swait.ge [sflag:s15], $0x4000  }
.Ltmp5:
0x4c: {  	[sflag:s15] =	ssyncset.done $0x0;
	(pc) =	sbr.rel @!p1 .LBB2_3-.Ltmp5, $4  }
0x4d: {  	s19 =	sadd.s32 $0x4000, s20;
	[sflag:s15] =	ssyncadd.s32 $0xFFFFC000  }
0x4e: {  	[spmem:s3] =	stream.indirect.scatter.add.f32 [tilespmem:s14], [sflag:$0x2], $0x80, s19, s13, $0xb8;
	[tilespmem:$0x1FC00] =	vst v63  }
0x4f: {  	_ =	swait.ge [sflag:s11], $0x4000  }
0x50: {  	s19 =	smov.u32 s21;
	[sflag:s11] =	ssyncset.done $0x0  }
0x51: {  	s18 =	sshra.s32 s18, $0x2;
	[sflag:s11] =	ssyncadd.s32 $0xFFFFC000  }
0x52: {  	[tilespmem:s14], [sflag:$0x1] =	stream.indirect.gather [hbm4b:s1+s13], $0x80, s18, s13, $0xb8;
	[tilespmem:$0x1FC00] =	vst v63  }
0x53: {  	_ =	swait.ge [sflag:s15], $0x4000  }
0x54: {  	[sflag:s15] =	ssyncset.done $0x0  }
.Ltmp6:
0x55: {  	s18 =	sadd.s32 $0x4000, s18;
	[sflag:s15] =	ssyncadd.s32 $0xFFFFC000;
	(pc) =	sbr.rel .LBB2_8-.Ltmp6, $4  }
0x56: {  	[spmem:s3] =	stream.indirect.scatter.add.f32 [tilespmem:s14], [sflag:$0x2], $0x80, s18, s13, $0xb8;
	[tilespmem:$0x1FC00] =	vst v63  }
0x57: {  	_ =	swait.ge [sflag:s11], $0x4000  }
0x58: {  	[sflag:s11] =	ssyncset.done $0x0  }
0x59: {  	[sflag:s11] =	ssyncadd.s32 $0xFFFFC000  }
.LBB2_9:
0x5a: {  	_ =	sfence.sel $0x180000  }
0x5b: {  	[bflag:$0x0] =	sbarrier.arrive $0xFFFF  }
0x5c: {  	p0 =	sne.s32 s2, $0x0;
	_ =	strace $0x9000004D  }
0x5d: {  	s0 =	sadd.s32 @!p0 $0x100000, s0;
	[bflag:$0x2] =	sbarrier.arrive $0xFFFF  }
0x5e: {  	[sflag:s0] =	ssyncadd.tile.s32 @!p0 $0x1;
	_ =	shalt  }
.Lfunc_end2:
_tile_overlayer_lowered:
.L_overlay_start_2:
0x5f: {  	(tag) =	ssettag $0x2  }
0x60: {  	s0 =	rddreg [dreg:$0x0];
	s2 =	stileid.u32  }
0x61: {  	s1 =	rddreg [dreg:$0x1];
	p0 =	sne.s32 s2, $0x0  }
0x62: {  	s3 =	rddreg [dreg:$0x2];
	[bflag:$0x3] =	sbarrier.arrive $0xFFFF;
	s2 =	simm.s32 @!p0 $0x1C02  }
0x63: {  	[timem:s3], [sflag:s2] =	dma.local @!p0 [hbm:s0], s1  }
0x64: {  	s0 =	simm.s32 @!p0 $0x2  }
0x65: {  	_ =	swait.ge @!p0 [sflag:s0], s1  }
0x66: {  	s1 =	ssub.s32 @!p0 $0x0, s1;
	[sflag:s0] =	ssyncset.done @!p0 $0x0  }
0x67: {  	[sflag:s0] =	ssyncadd.s32 @!p0 s1  }
0x68: {  	[bflag:$0x3] =	sbarrier.arrive $0xFFFF  }
0x69: {  	_ =	shalt  }

// kernel: kernel.20.cloned.1.call-start
scs
__scs_entry_jumppad:
0x0: {  	(pc) =	sbr.rel $0x88, $3  }
0x1: {  	(tag) =	ssettag $0x0;
	lr =	simm.s32 $0x1  }
0x2: {  	[smem:$0x3F8E] =	sst lr;
	_ =	strace $0xD0000000  }
0x3: {  	_ = 	snop  }
0x4: {  	_ = 	snop  }
0x5: {  	_ = 	snop  }
0x6: {  	_ = 	snop  }
0x7: {  	_ = 	snop  }
__scs_overlays_trampoline_lowered:
0x8: {  	[smem:$0x3F9D] =	sst s0  }
0x9: {  	[smem:$0x3F9E] =	sst s1  }
0xa: {  	[smem:$0x3F9F] =	sst s2  }
0xb: {  	[smem:$0x3FA0] =	sst s3  }
0xc: {  	[smem:$0x3FA1] =	sst s4  }
0xd: {  	[smem:$0x3FA2] =	sst s5  }
0xe: {  	[smem:$0x3FA3] =	sst s6  }
0xf: {  	[smem:$0x3FA4] =	sst s7  }
0x10: {  	[smem:$0x3FA5] =	sst s8  }
0x11: {  	[smem:$0x3FA6] =	sst s9;
	s0 =	simm.s32 @!p0 $0x0  }
0x12: {  	s1 =	sld [smem:$0x3F8C];
	s0 =	simm.s32 @p0 $0x1  }
0x13: {  	[smem:$0x3FA7] =	sst s0;
	s0 =	simm.s32 @!p1 $0x0  }
0x14: {  	s2 =	sld [smem:$0x3F8B];
	s0 =	simm.s32 @p1 $0x1  }
0x15: {  	[smem:$0x3FA8] =	sst s0;
	s0 =	simm.s32 @!p2 $0x0  }
0x16: {  	s3 =	sld [smem:$0x3FDB];
	s0 =	simm.s32 @p2 $0x1  }
0x17: {  	s4 =	simm.s32 $0x1BF5;
	[smem:$0x3FAA] =	sst s0  }
0x18: {  	s0 =	sld [smem:$0x3F8D];
	_ =	swait.ge [sflag:s4], $0x0  }
0x19: {  	s7 =	sld [smem:$0x3F8E]  }
0x1a: {  	s8 =	sadd.s32 $0xFFFFE003, lr  }
0x1b: {  	s9 =	sadd.s32 $0xFFFFFEF7, lr;
	s5 =	simm.s32 $0xFFFFFFFF;
	p2 =	slt.u32 s8, $0xFFFFF086  }
0x1c: {  	p1 =	slt.u32 s9, $0xF7A;
	s5 =	simm.s32 @!p2 $0x0  }
0x1d: {  	s5 =	simm.s32 @p1 $0x1;
	p0 =	seq.s32 s7, s2  }
0x1e: {  	s7 =	smul.u32 @!p0 $0xF7A, s2;
	p2 =	seq.s32 @!p0 s5, $0x0  }
0x1f: {  	s9 =	smul.u32 $0xF7A, s1;
	s8 =	simm.s32 @!p0 $0x1BF5;
	p2 =	por !p2, p0  }
0x20: {  	[sflag:s8] =	ssyncset.s32 @!p0 $0xFFFFF086;
	s6 =	sadd.s32 @!p0 s3, s7;
	s7 =	simm.s32 @!p0 $0x108  }
0x21: {  	s3 =	sadd.s32 s3, s9;
	s6 =	sadd.s32 @!p0 $0x88, s6;
	s7 =	simm.s32 @p2 $0x1082  }
0x22: {  	[simem:s7], [sflag:s8] =	dma.local @!p0 [hbm:s6], $0xF7A  }
0x23: {  	s9 =	sor.u32 $0xD0000000, s2;
	s6 =	simm.s32 $0x108;
	_ =	swait.ge @!p0 [sflag:s8], $0x0  }
0x24: {  	s3 =	sadd.s32 $0x88, s3;
	s6 =	simm.s32 @!p1 $0x1082;
	[sflag:s4] =	ssyncset.s32 $0xFFFFF086  }
0x25: {  	[simem:s6], [sflag:s4] =	dma.local [hbm:s3], $0xF7A  }
0x26: {  	[smem:$0x3F8E] =	sst s1;
	(tag) =	ssettag s2;
	_ =	strace s9  }
0x27: {  	s1 =	sld [smem:$0x3F9E]  }
0x28: {  	s2 =	sld [smem:$0x3F9F]  }
0x29: {  	s4 =	sld [smem:$0x3FA1]  }
0x2a: {  	p0 =	seq.s32 s5, $0x0;
	s5 =	sld [smem:$0x3FA2]  }
0x2b: {  	s6 =	sld [smem:$0x3FA3]  }
0x2c: {  	s7 =	sld [smem:$0x3FA4]  }
0x2d: {  	s3 =	simm.s32 $0x108;
	s8 =	sld [smem:$0x3FA5]  }
0x2e: {  	s3 =	simm.s32 @!p0 $0x1082;
	s9 =	sld [smem:$0x3FA6]  }
0x2f: {  	lr =	sadd.s32 s0, s3;
	s0 =	sld [smem:$0x3F9D]  }
0x30: {  	s3 =	sld [smem:$0x3FA0]  }
0x31: {  	[smem:$0x3FA9] =	sst s10  }
0x32: {  	s10 =	sld [smem:$0x3FA7];
	_ =	sdelay $0x3  }
0x33: {  	p0 =	seq.s32 s10, $0x1;
	s10 =	sld [smem:$0x3FA9];
	_ =	sdelay $0x3  }
0x34: {  	[smem:$0x3FA9] =	sst s10  }
0x35: {  	s10 =	sld [smem:$0x3FA8];
	_ =	sdelay $0x3  }
0x36: {  	p1 =	seq.s32 s10, $0x1;
	s10 =	sld [smem:$0x3FA9];
	_ =	sdelay $0x3  }
0x37: {  	[smem:$0x3FA9] =	sst s10  }
0x38: {  	s10 =	sld [smem:$0x3FAA]  }
0x39: {  	_ = 	snop;
	(pc) =	sbr.ind lr, $3  }
0x3a: {  	_ = 	snop  }
0x3b: {  	_ = 	snop  }
0x3c: {  	p2 =	seq.s32 s10, $0x1;
	s10 =	sld [smem:$0x3FA9]  }
0x3d: {  	_ =	shalt  }
0x3e: {  	_ =	shalt  }
0x3f: {  	_ =	shalt  }
0x40: {  	_ =	shalt  }
0x41: {  	_ =	shalt  }
0x42: {  	_ =	shalt  }
0x43: {  	_ =	shalt  }
0x44: {  	_ =	shalt  }
0x45: {  	_ =	shalt  }
0x46: {  	_ =	shalt  }
0x47: {  	_ =	shalt  }
0x48: {  	_ =	shalt  }
0x49: {  	_ =	shalt  }
0x4a: {  	_ =	shalt  }
0x4b: {  	_ =	shalt  }
0x4c: {  	_ =	shalt  }
0x4d: {  	_ =	shalt  }
0x4e: {  	_ =	shalt  }
0x4f: {  	_ =	shalt  }
0x50: {  	_ =	shalt  }
0x51: {  	_ =	shalt  }
0x52: {  	_ =	shalt  }
0x53: {  	_ =	shalt  }
0x54: {  	_ =	shalt  }
0x55: {  	_ =	shalt  }
0x56: {  	_ =	shalt  }
0x57: {  	_ =	shalt  }
0x58: {  	_ =	shalt  }
0x59: {  	_ =	shalt  }
0x5a: {  	_ =	shalt  }
0x5b: {  	_ =	shalt  }
0x5c: {  	_ =	shalt  }
0x5d: {  	_ =	shalt  }
0x5e: {  	_ =	shalt  }
0x5f: {  	_ =	shalt  }
0x60: {  	_ =	shalt  }
0x61: {  	_ =	shalt  }
0x62: {  	_ =	shalt  }
0x63: {  	_ =	shalt  }
0x64: {  	_ =	shalt  }
0x65: {  	_ =	shalt  }
0x66: {  	_ =	shalt  }
0x67: {  	_ =	shalt  }
0x68: {  	_ =	shalt  }
0x69: {  	_ =	shalt  }
0x6a: {  	_ =	shalt  }
0x6b: {  	_ =	shalt  }
0x6c: {  	_ =	shalt  }
0x6d: {  	_ =	shalt  }
0x6e: {  	_ =	shalt  }
0x6f: {  	_ =	shalt  }
0x70: {  	_ =	shalt  }
0x71: {  	_ =	shalt  }
0x72: {  	_ =	shalt  }
0x73: {  	_ =	shalt  }
0x74: {  	_ =	shalt  }
0x75: {  	_ =	shalt  }
0x76: {  	_ =	shalt  }
0x77: {  	_ =	shalt  }
0x78: {  	_ =	shalt  }
0x79: {  	_ =	shalt  }
0x7a: {  	_ =	shalt  }
0x7b: {  	_ =	shalt  }
0x7c: {  	_ =	shalt  }
0x7d: {  	_ =	shalt  }
0x7e: {  	_ =	shalt  }
0x7f: {  	_ =	shalt  }
0x80: {  	_ =	shalt  }
0x81: {  	_ =	shalt  }
0x82: {  	_ =	shalt  }
0x83: {  	_ =	shalt  }
0x84: {  	_ =	shalt  }
0x85: {  	_ =	shalt  }
0x86: {  	_ =	shalt  }
0x87: {  	_ =	shalt  }
.Lfunc_end0:
.L_simem_size_0:
called_computation.3_lowered:
.L_overlay_start_0:
0x88: {  	s2 =	sld [smem:$0x3FD9]  }
0x89: {  	s3 =	sld [smem:$0x3FFE];
	_ =	sdelay $0x1  }
0x8a: {  	s1 =	srdreg.scid  }
0x8b: {  	s0 =	sand.u32 $0x1, s1  }
0x8c: {  	s14 =	sshll.u32 s0, $0xA;
	s2 =	sadd.s32 s3, s2  }
0x8d: {  	s2 =	sadd.s32 s2, s14  }
0x8e: {  	[smem:$0x3FB5] =	sst s2  }
0x8f: {  	_ = 	snop  }
0x90: {  	s2 =	sld [smem:$0x3FD0];
	_ =	sdelay $0x2  }
0x91: {  	s15 =	simm.s32 $0xB;
	s4 =	simm.s32 $0x10  }
0x92: {  	[smem:s4], [sflag:s15] =	dma.local [hbm:s2], $0x1  }
0x93: {  	_ =	swait.eq [sflag:s15], $0x1  }
0x94: {  	[sflag:s15] =	ssyncset.done $0x0  }
0x95: {  	[sflag:s15] =	ssyncadd.s32 $0xFFFFFFFF  }
0x96: {  	s16 =	sld [smem:$0x10];
	(tm) =	ssettm $0x1  }
0x97: {  	s17 =	sld [smem:$0x3FFB];
	_ =	sdelay $0x3  }
0x98: {  	_ =	strace s17  }
0x99: {  	s3 =	sld [smem:$0x3FFC];
	_ =	sdelay $0x3  }
0x9a: {  	_ =	strace s3  }
0x9b: {  	s3 =	sld [smem:$0x3FFD];
	_ =	sdelay $0x3  }
0x9c: {  	_ =	strace s3  }
0x9d: {  	_ =	strace $0x8FFFFFFF  }
0x9e: {  	s18 =	sld [smem:$0x3FDB];
	_ =	sdelay $0x1  }
0x9f: {  	s19 =	simm.s32 $_scs_section_size  }
0xa0: {  	s5 =	simm.s32 $_size__tile_overlayer_lowered;
	s6 =	simm.s32 $_tile_overlayer_lowered  }
0xa1: {  	s22 =	simm.s32 $0x1BFF;
	s21 =	sshll.u32 s6, $0x1;
	s3 =	sadd.s32 s19, s18  }
0xa2: {  	s7 =	simm.s32 $0x0;
	s20 =	sshll.u32 s5, $0x1;
	s5 =	sadd.s32 s21, s3  }
0xa3: {  	[timem:s7], [sflag:s22] =	dma.local [hbm:s5], s20  }
0xa4: {  	_ =	swait.ge [sflag:s22], s20  }
0xa5: {  	s4 =	ssub.s32 $0x0, s20;
	[sflag:s22] =	ssyncset.done $0x0  }
0xa6: {  	[sflag:s22] =	ssyncadd.s32 s4;
	_ =	sdelay $0x1  }
0xa7: {  	s23 =	simm.s32 $0x1B8B  }
0xa8: {  	_ =	swait.ge [sflag:s23], $0x1  }
0xa9: {  	[sflag:s23] =	ssyncset.done $0x0  }
0xaa: {  	s25 =	simm.s32 $0x1B8E;
	s24 =	sld [smem:$0x3FFE];
	[sflag:s23] =	ssyncadd.s32 $0xFFFFFFFF  }
0xab: {  	s26 =	simm.s32 $execute0_lowered;
	[smem:$0x3FD2] =	sst s25  }
0xac: {  	s5 =	sshll.u32 s26, $0x1;
	_ =	strace $0x8000004F;
	[dreg:$0x1] =	wrdreg $0xFFFFFFFF  }
0xad: {  	s28 =	simm.s32 $_size_execute0_lowered;
	s3 =	sadd.s32 s3, s5;
	[dreg:$0x0] =	wrdreg $0x0  }
0xae: {  	s5 =	sshll.u32 s28, $0x1;
	[dreg:$0x2] =	wrdreg s3  }
0xaf: {  	[dreg:$0x3] =	wrdreg s5  }
0xb0: {  	[dreg:$0x4] =	wrdreg $0xC0  }
0xb1: {  	_ =	task [dreg:s7], $0x5FFFF  }
0xb2: {  	[dreg:$0x1] =	wrdreg $0xFFFFFFFF  }
0xb3: {  	[dreg:$0x0] =	wrdreg $0x60  }
0xb4: {  	[dreg:$0x2] =	wrdreg s16  }
0xb5: {  	[dreg:$0x3] =	wrdreg s24  }
0xb6: {  	[dreg:$0x4] =	wrdreg $0xC0000  }
0xb7: {  	[dreg:$0x5] =	wrdreg $0x9  }
0xb8: {  	_ =	task.clear_ibuf [dreg:s7], $0x6FFFF;
	_ =	strace $0x9000004F  }
0xb9: {  	s29 =	simm.s32 $0x9;
	_ =	strace $0x80000051  }
0xba: {  	_ =	swait.ge [sflag:s29], $0x1  }
0xbb: {  	[sflag:s29] =	ssyncadd.s32 $0xFFFFFFFF  }
0xbc: {  	_ =	strace $0x90000051  }
0xbd: {  	_ =	sfence  }
0xbe: {  	s30 =	sld [smem:$0x0];
	_ =	sdelay $0x2  }
0xbf: {  	s31 =	sshll.u32 s1, $0xD;
	s1 =	sshrl.u32 s1, $0x2  }
0xc0: {  	s3 =	sand.u32 $0x4000, s31;
	s1 =	sadd.s32 s1, s30  }
0xc1: {  	s0 =	sor.u32 s3, s0;
	s1 =	sshll.u32 s1, $0x11  }
0xc2: {  	s0 =	sor.u32 s1, s0  }
0xc3: {  	s0 =	sadd.s32 $0x8F2B, s0  }
0xc4: {  	[sflag:s0] =	ssyncadd.remote.s32 $0x1  }
0xc5: {  	_ =	sfence.sel $0xFFFF  }
0xc6: {  	[dreg:$0x0] =	wrdreg $0xFFFFFFFF;
	(pc) =	sbr.abs _section_cstart, $3  }
0xc7: {  	[dreg:$0x1] =	wrdreg $0xFFFFFFFF  }
0xc8: {  	_ =	task.clear_ibuf [dreg:s7], $0x2FFFF;
	_ =	strace $0x9FFFFFFF  }
0xc9: {  	(tm) =	ssettm $0x7FFFFFFF  }
tec
execute0_lowered:
.L_overlay_start_1:
0x0: {  	(tag) =	ssettag $0x1  }
0x1: {  	s1 =	rddreg [dreg:$0x0]  }
0x2: {  	s5 =	rddreg [dreg:$0x1]  }
0x3: {  	s3 =	rddreg [dreg:$0x2]  }
0x4: {  	s0 =	rddreg [dreg:$0x3];
	s4 =	simm.s32 $0x0  }
0x5: {  	s6 =	srdreg.scid;
	s2 =	stileid.u32;
	s14 =	simm.s32 $0x8000  }
0x6: {  	s15 =	simm.s32 $0x1;
	[smem:$0x7FF] =	sst s4;
	s16 =	smul.u32 $0x2780, s2  }
0x7: {  	s9 =	sand.u32 $0x1, s6;
	s7 =	sshll.u32 s2, $0xB;
	s28 =	smul.u32 $0x4F000, s2  }
0x8: {  	s31 =	sshll.u32 s2, $0x6;
	s6 =	sshll.u32 s9, $0xF;
	s8 =	smul.u32 $0x27800, s9  }
0x9: {  	_ =	strace $0x80000050;
	s11 =	ssub.s32 $0x2, s9;
	p0 =	seq.s32 s9, $0x1  }
0xa: {  	s6 =	sor.u32 s7, s6;
	s29 =	sadd.s32 s16, s5;
	s30 =	sshrl.u32 s11, $0x1  }
0xb: {  	s7 =	sshrl.u32 s28, $0x2;
	s10 =	sadd.s32 s6, s5;
	s12 =	sadd.s32 s8, s5  }
.Ltmp0:
0xc: {  	s11 =	ssub.s32 s11, s30;
	s13 =	sadd.s32 s7, s3;
	(pc) =	sbr.rel .LBB2_1-.Ltmp0, $4  }
0xd: {  	s5 =	sadd.s32 $0x26200, s29;
	s6 =	sor.u32 $0x1C02, s31;
	s7 =	sadd.s32 $0x6200, s10  }
0xe: {  	s8 =	sadd.s32 $0x16200, s10;
	s17 =	sadd.s32 $0x9BE00, s12;
	s9 =	smax.u32 s11, $0x1  }
0xf: {  	s10 =	sshrl.u32 s13, $0x3;
	s11 =	simm.s32 $0x2;
	s12 =	simm.s32 $0x4000  }
0x10: {  	s13 =	simm.s32 $0x80;
	s16 =	sadd.s32 s16, s17;
	s17 =	simm.s32 $0x0  }
.LBB2_7:
0x11: {  	s18 =	sshra.s32 s18, $0x2;
	[sflag:s11] =	ssyncadd.s32 $0xFFFFC000  }
0x12: {  	[tilespmem:s14], [sflag:$0x1] =	stream.indirect.gather [hbm4b:s1+s13], $0x80, s18, s13, $0xb8;
	[tilespmem:$0x1FC00] =	vst v63  }
0x13: {  	_ =	swait.ge [sflag:s15], $0x4000  }
0x14: {  	[sflag:s15] =	ssyncset.done $0x0  }
0x15: {  	s18 =	sadd.s32 $0x4000, s18;
	[sflag:s15] =	ssyncadd.s32 $0xFFFFC000  }
0x16: {  	[spmem:s3] =	stream.indirect.scatter.add.f32 [tilespmem:s14], [sflag:$0x2], $0x80, s18, s13, $0xb8;
	[tilespmem:$0x1FC00] =	vst v63  }
0x17: {  	_ =	swait.ge [sflag:s11], $0x4000  }
0x18: {  	[sflag:s11] =	ssyncset.done $0x0  }
0x19: {  	[sflag:s11] =	ssyncadd.s32 $0xFFFFC000  }
.LBB2_8:
0x1a: {  	s17 =	sadd.s32 $0x1, s17  }
0x1b: {  	p1 =	sne.s32 s17, s9  }
.Ltmp1:
0x1c: {  	[bflag:$0x0] =	sbarrier.arrive $0xFFFF;
	(pc) =	sbr.rel @!p1 .LBB2_9-.Ltmp1, $4  }
0x1d: {  	[hbm:s16], [sflag:s6] =	dma.local [spmem:s10], $0x2780  }
0x1e: {  	_ =	swait.ge [sflag:s11], $0x2780  }
0x1f: {  	[sflag:s11] =	ssyncset.done $0x0  }
0x20: {  	[sflag:s11] =	ssyncadd.s32 $0xFFFFD880  }
.LBB2_1:
0x21: {  	[spmem:s10], [sflag:s6] =	dma.local [hbm:s5], $0x2780  }
0x22: {  	_ =	swait.ge [sflag:s11], $0x2780  }
0x23: {  	[sflag:s11] =	ssyncset.done $0x0  }
0x24: {  	[sflag:s11] =	ssyncadd.s32 $0xFFFFD880  }
0x25: {  	[tilespmem:s12], [sflag:$0x2] =	stream.linear.gather [hbm4b:s7+s4], $0x3E00, $0x38;
	[tilespmem:$0x1FC00] =	vst v63  }
0x26: {  	_ =	swait.ge [sflag:s11], $0x3E00  }
0x27: {  	[sflag:s11] =	ssyncset.done $0x0  }
0x28: {  	[sflag:s11] =	ssyncadd.s32 $0xFFFFC200  }
0x29: {  	[tilespmem:s4], [sflag:$0x2] =	stream.linear.gather [hbm4b:s8+s4], $0x3E00, $0x38;
	[tilespmem:$0x1FC00] =	vst v63  }
.Ltmp2:
0x2a: {  	_ =	swait.ge [sflag:s11], $0x3E00;
	(pc) =	sbr.rel @!p0 .LBB2_2-.Ltmp2, $4  }
0x2b: {  	[sflag:s11] =	ssyncset.done $0x0  }
0x2c: {  	[sflag:s11] =	ssyncadd.s32 $0xFFFFC200  }
0x2d: {  	[bflag:$0x0] =	sbarrier.arrive $0xFFFF  }
0x2e: {  	s18 =	simm.s32 $0x0  }
0x2f: {  	[tilespmem:s14], [sflag:$0x1] =	stream.indirect.gather [hbm4b:s1+s13], $0x80, s18, s13, $0xb8;
	[tilespmem:$0x1FC00] =	vst v63  }
0x30: {  	_ =	swait.ge [sflag:s15], $0x4000  }
0x31: {  	[sflag:s15] =	ssyncset.done $0x0  }
0x32: {  	s31 =	simm.s32 $0x4000;
	[sflag:s15] =	ssyncadd.s32 $0xFFFFC000  }
0x33: {  	[spmem:s3] =	stream.indirect.scatter.add.f32 [tilespmem:s14], [sflag:$0x2], $0x80, s31, s13, $0xb8;
	[tilespmem:$0x1FC00] =	vst v63  }
0x34: {  	_ =	swait.ge [sflag:s11], $0x4000  }
0x35: {  	s18 =	simm.s32 $0x200;
	s19 =	simm.s32 $0x400;
	[sflag:s11] =	ssyncset.done $0x0  }
.LBB2_6:
0x36: {  	s20 =	sshra.s32 s18, $0x2  }
0x37: {  	[sflag:s11] =	ssyncadd.s32 $0xFFFFC000;
	s18 =	smov.u32 s19;
	s21 =	sadd.s32 $0x200, s19  }
0x38: {  	[tilespmem:s14], [sflag:$0x1] =	stream.indirect.gather [hbm4b:s1+s13], $0x80, s20, s13, $0xb8;
	[tilespmem:$0x1FC00] =	vst v63  }
0x39: {  	p1 =	sne.s32 s19, $0x4200;
	_ =	swait.ge [sflag:s15], $0x4000  }
.Ltmp3:
0x3a: {  	[sflag:s15] =	ssyncset.done $0x0;
	(pc) =	sbr.rel @p1 .LBB2_6-.Ltmp3, $4  }
0x3b: {  	s19 =	sadd.s32 $0x4000, s20;
	[sflag:s15] =	ssyncadd.s32 $0xFFFFC000  }
0x3c: {  	[spmem:s3] =	stream.indirect.scatter.add.f32 [tilespmem:s14], [sflag:$0x2], $0x80, s19, s13, $0xb8;
	[tilespmem:$0x1FC00] =	vst v63  }
0x3d: {  	_ =	swait.ge [sflag:s11], $0x4000  }
0x3e: {  	s19 =	smov.u32 s21;
	[sflag:s11] =	ssyncset.done $0x0  }
.Ltmp4:
0x3f: {  	_ = 	snop;
	(pc) =	sbr.rel .LBB2_7-.Ltmp4, $1  }
0x40: {  	_ =	sdelay $0x3  }
.LBB2_2:
0x41: {  	[tilespmem:s14], [sflag:$0x1] =	stream.indirect.gather [hbm4b:s1+s13], $0x80, s18, s13, $0xb8;
	[tilespmem:$0x1FC00] =	vst v63  }
0x42: {  	_ =	swait.ge [sflag:s15], $0x4000  }
0x43: {  	[sflag:s15] =	ssyncset.done $0x0  }
0x44: {  	s31 =	simm.s32 $0x4000;
	[sflag:s15] =	ssyncadd.s32 $0xFFFFC000  }
0x45: {  	[spmem:s3] =	stream.indirect.scatter.add.f32 [tilespmem:s14], [sflag:$0x2], $0x80, s31, s13, $0xb8;
	[tilespmem:$0x1FC00] =	vst v63  }
0x46: {  	_ =	swait.ge [sflag:s11], $0x4000  }
0x47: {  	s18 =	simm.s32 $0x200;
	s19 =	simm.s32 $0x400;
	[sflag:s11] =	ssyncset.done $0x0  }
.LBB2_3:
0x48: {  	s20 =	sshra.s32 s18, $0x2  }
0x49: {  	[sflag:s11] =	ssyncadd.s32 $0xFFFFC000;
	s18 =	smov.u32 s19;
	s21 =	sadd.s32 $0x200, s19  }
0x4a: {  	[tilespmem:s14], [sflag:$0x1] =	stream.indirect.gather [hbm4b:s1+s13], $0x80, s20, s13, $0xb8;
	[tilespmem:$0x1FC00] =	vst v63  }
0x4b: {  	p1 =	seq.s32 s19, $0xF600;
	_ =	swait.ge [sflag:s15], $0x4000  }
.Ltmp5:
0x4c: {  	[sflag:s15] =	ssyncset.done $0x0;
	(pc) =	sbr.rel @!p1 .LBB2_3-.Ltmp5, $4  }
0x4d: {  	s19 =	sadd.s32 $0x4000, s20;
	[sflag:s15] =	ssyncadd.s32 $0xFFFFC000  }
0x4e: {  	[spmem:s3] =	stream.indirect.scatter.add.f32 [tilespmem:s14], [sflag:$0x2], $0x80, s19, s13, $0xb8;
	[tilespmem:$0x1FC00] =	vst v63  }
0x4f: {  	_ =	swait.ge [sflag:s11], $0x4000  }
0x50: {  	s19 =	smov.u32 s21;
	[sflag:s11] =	ssyncset.done $0x0  }
0x51: {  	s18 =	sshra.s32 s18, $0x2;
	[sflag:s11] =	ssyncadd.s32 $0xFFFFC000  }
0x52: {  	[tilespmem:s14], [sflag:$0x1] =	stream.indirect.gather [hbm4b:s1+s13], $0x80, s18, s13, $0xb8;
	[tilespmem:$0x1FC00] =	vst v63  }
0x53: {  	_ =	swait.ge [sflag:s15], $0x4000  }
0x54: {  	[sflag:s15] =	ssyncset.done $0x0  }
.Ltmp6:
0x55: {  	s18 =	sadd.s32 $0x4000, s18;
	[sflag:s15] =	ssyncadd.s32 $0xFFFFC000;
	(pc) =	sbr.rel .LBB2_8-.Ltmp6, $4  }
0x56: {  	[spmem:s3] =	stream.indirect.scatter.add.f32 [tilespmem:s14], [sflag:$0x2], $0x80, s18, s13, $0xb8;
	[tilespmem:$0x1FC00] =	vst v63  }
0x57: {  	_ =	swait.ge [sflag:s11], $0x4000  }
0x58: {  	[sflag:s11] =	ssyncset.done $0x0  }
0x59: {  	[sflag:s11] =	ssyncadd.s32 $0xFFFFC000  }
.LBB2_9:
0x5a: {  	_ =	sfence.sel $0x180000  }
0x5b: {  	[bflag:$0x0] =	sbarrier.arrive $0xFFFF  }
0x5c: {  	p0 =	sne.s32 s2, $0x0;
	_ =	strace $0x90000050  }
0x5d: {  	s0 =	sadd.s32 @!p0 $0x100000, s0;
	[bflag:$0x2] =	sbarrier.arrive $0xFFFF  }
0x5e: {  	[sflag:s0] =	ssyncadd.tile.s32 @!p0 $0x1;
	_ =	shalt  }
.Lfunc_end2:
_tile_overlayer_lowered:
.L_overlay_start_2:
0x5f: {  	(tag) =	ssettag $0x2  }
0x60: {  	s0 =	rddreg [dreg:$0x0];
	s2 =	stileid.u32  }
0x61: {  	s1 =	rddreg [dreg:$0x1];
	p0 =	sne.s32 s2, $0x0  }
0x62: {  	s3 =	rddreg [dreg:$0x2];
	[bflag:$0x3] =	sbarrier.arrive $0xFFFF;
	s2 =	simm.s32 @!p0 $0x1C02  }
0x63: {  	[timem:s3], [sflag:s2] =	dma.local @!p0 [hbm:s0], s1  }
0x64: {  	s0 =	simm.s32 @!p0 $0x2  }
0x65: {  	_ =	swait.ge @!p0 [sflag:s0], s1  }
0x66: {  	s1 =	ssub.s32 @!p0 $0x0, s1;
	[sflag:s0] =	ssyncset.done @!p0 $0x0  }
0x67: {  	[sflag:s0] =	ssyncadd.s32 @!p0 s1  }
0x68: {  	[bflag:$0x3] =	sbarrier.arrive $0xFFFF  }
0x69: {  	_ =	shalt  }

</sc_bundles>
